<compile_context>
chip_gen: v7x
topology: tpu7x:2x2x1
jax: 0.10.2.dev20260603
libtpu: 0.0.44.dev20260713+nightly
codegen_flags: <defaults>
</compile_context>

<pallas_src>
import functools

import jax
import jax.numpy as jnp
from jax import lax
from jax.experimental import pallas as pl
from jax.experimental.pallas import tpu as pltpu
from jax.experimental.pallas import tpu_sc as plsc

EPS = 1e-5
NC = 2
NS = 16
NW = NC * NS
CHUNK = 128
DEGW = 128


def _make_deg(NP, CPT):
    RT = NP // NS
    mesh = plsc.VectorSubcoreMesh(core_axis_name="c", subcore_axis_name="s")

    @functools.partial(
        pl.kernel,
        out_type=jax.ShapeDtypeStruct((NC * NP, DEGW), jnp.float32),
        mesh=mesh,
        scratch_types=[
            pltpu.VMEM((CPT, CHUNK), jnp.int32),
            pltpu.VMEM((CHUNK, DEGW), jnp.float32),
            pltpu.VMEM_SHARED((NP, DEGW), jnp.float32),
        ],
    )
    def deg_kernel(dstp_hbm, zer_hbm, ones_hbm, out_hbm, dst_l, ones_l, acc):
        c = lax.axis_index("c")
        s = lax.axis_index("s")
        g = c * NS + s
        pltpu.sync_copy(zer_hbm, acc.at[pl.ds(s * RT, RT)])
        pltpu.sync_copy(ones_hbm, ones_l)
        pltpu.sync_copy(dstp_hbm.at[g], dst_l)
        plsc.subcore_barrier()

        def body(j, carry):
            pltpu.sync_copy(ones_l, acc.at[dst_l.at[j]], add=True)
            return carry

        lax.fori_loop(0, CPT, body, 0)
        plsc.subcore_barrier()
        pltpu.sync_copy(acc.at[pl.ds(s * RT, RT)],
                        out_hbm.at[pl.ds(c * NP + s * RT, RT)])

    return deg_kernel


def _make_segsum(NP, D, t0, t1):
    RT = NP // NS
    HC = t0 // 2
    H = HC // 2
    TM = max(HC, t1)
    mesh = plsc.VectorSubcoreMesh(core_axis_name="c", subcore_axis_name="s")

    @functools.partial(
        pl.kernel,
        out_type=jax.ShapeDtypeStruct((NC * NP, D), jnp.float32),
        mesh=mesh,
        scratch_types=[
            pltpu.VMEM((TM, CHUNK), jnp.int32),
            pltpu.VMEM((TM, CHUNK), jnp.int32),
            pltpu.VMEM((CHUNK, D), jnp.float32),
            pltpu.VMEM((CHUNK, D), jnp.float32),
            pltpu.VMEM_SHARED((NP, D), jnp.float32),
            pltpu.SemaphoreType.DMA,
            pltpu.SemaphoreType.DMA,
            pltpu.SemaphoreType.DMA,
        ],
    )
    def segsum_kernel(y_hbm, srcp0_hbm, dstp0_hbm, srcp1_hbm, dstp1_hbm,
                      zer_hbm, out_hbm, src_l, dst_l, bufa, bufb, acc,
                      sema, semb, semc):
        c = lax.axis_index("c")
        s = lax.axis_index("s")
        pltpu.sync_copy(zer_hbm, acc.at[pl.ds(s * RT, RT)])
        plsc.subcore_barrier()

        @pl.when(c == 0)
        def _():
            for half in range(2):
                pltpu.sync_copy(srcp0_hbm.at[s, pl.ds(half * HC, HC)],
                                src_l.at[pl.ds(0, HC)])
                pltpu.sync_copy(dstp0_hbm.at[s, pl.ds(half * HC, HC)],
                                dst_l.at[pl.ds(0, HC)])
                pltpu.async_copy(y_hbm.at[src_l.at[0]], bufa, sema)

                def body(it, carry):
                    j = it * 2
                    pltpu.make_async_copy(y_hbm.at[src_l.at[j]], bufa,
                                          sema).wait()
                    pltpu.async_copy(y_hbm.at[src_l.at[j + 1]], bufb, semb)
                    sca = pltpu.async_copy(bufa, acc.at[dst_l.at[j]], semc,
                                           add=True)
                    pltpu.make_async_copy(y_hbm.at[src_l.at[j]], bufb,
                                          semb).wait()
                    sca.wait()

                    @pl.when(it + 1 < H)
                    def _():
                        pltpu.async_copy(y_hbm.at[src_l.at[j + 2]], bufa,
                                         sema)

                    pltpu.sync_copy(bufb, acc.at[dst_l.at[j + 1]], add=True)
                    return carry

                lax.fori_loop(0, H, body, 0)

        @pl.when(c == 1)
        def _():
            pltpu.sync_copy(srcp1_hbm.at[s], src_l.at[pl.ds(0, t1)])
            pltpu.sync_copy(dstp1_hbm.at[s], dst_l.at[pl.ds(0, t1)])

            def body(j, carry):
                pltpu.async_copy(y_hbm.at[src_l.at[j]], bufa, sema).wait()
                pltpu.sync_copy(bufa, acc.at[dst_l.at[j]], add=True)
                return carry

            lax.fori_loop(0, t1, body, 0)

        plsc.subcore_barrier()
        pltpu.sync_copy(acc.at[pl.ds(s * RT, RT)],
                        out_hbm.at[pl.ds(c * NP + s * RT, RT)])

    return segsum_kernel


def _tc_first(x, W1, dega, degb):
    N, D = x.shape

    def body(x_ref, w_ref, da_ref, db_ref, y_ref, dinv_ref):
        deg = da_ref[...] + db_ref[...] + 1.0
        dinv = lax.rsqrt(deg)
        dinv_ref[...] = dinv
        y_ref[...] = jnp.dot(x_ref[...], w_ref[...],
                             preferred_element_type=jnp.float32) * dinv

    return pl.pallas_call(
        body,
        out_shape=(jax.ShapeDtypeStruct((N, D), jnp.float32),
                   jax.ShapeDtypeStruct((N, 1), jnp.float32)),
    )(x, W1, dega, degb)


def _tc_mid(sa, sb, y, dinv, b, g, be, W):
    N, D = y.shape

    def body(sa_ref, sb_ref, y_ref, dinv_ref, b_ref, g_ref, be_ref, w_ref,
             out_ref):
        dinv = dinv_ref[...]
        conv = dinv * (sa_ref[...] + sb_ref[...] + y_ref[...]) + b_ref[...]
        mu = jnp.mean(conv, axis=0, keepdims=True)
        var = jnp.mean((conv - mu) ** 2, axis=0, keepdims=True)
        h = (conv - mu) * lax.rsqrt(var + EPS) * g_ref[...] + be_ref[...]
        h = jnp.maximum(h, 0.0)
        out_ref[...] = jnp.dot(h, w_ref[...],
                               preferred_element_type=jnp.float32) * dinv

    return pl.pallas_call(
        body,
        out_shape=jax.ShapeDtypeStruct((N, D), jnp.float32),
    )(sa, sb, y, dinv, b, g, be, W)


def _tc_last(sa, sb, y, dinv, b):
    N, D = y.shape

    def body(sa_ref, sb_ref, y_ref, dinv_ref, b_ref, out_ref):
        o = dinv_ref[...] * (sa_ref[...] + sb_ref[...] + y_ref[...]) + b_ref[...]
        m = jnp.max(o, axis=1, keepdims=True)
        lse = jnp.log(jnp.sum(jnp.exp(o - m), axis=1, keepdims=True)) + m
        out_ref[...] = o - lse

    return pl.pallas_call(
        body,
        out_shape=jax.ShapeDtypeStruct((N, D), jnp.float32),
    )(sa, sb, y, dinv, b)


def kernel(x, edge_index, W1, b1, g1, be1, W2, b2, g2, be2, W3, b3):
    N, D = x.shape
    E = edge_index.shape[1]
    TP = 2 * (-(-E // (CHUNK * NS * 2)))
    t0 = max(16, min(TP - 1, 16 * round(0.785 * TP / 16)))
    t1 = TP - t0
    CPTD = TP // 2
    EP = NS * TP * CHUNK
    NP = ((N + 1 + NS * 8 - 1) // (NS * 8)) * (NS * 8)
    RT = NP // NS

    src = edge_index[0].astype(jnp.int32)
    dst = edge_index[1].astype(jnp.int32)
    pad = EP - E
    srcp = jnp.concatenate([src, jnp.zeros((pad,), jnp.int32)])
    dstp = jnp.concatenate([dst, jnp.full((pad,), N, jnp.int32)])
    cut = NS * t0 * CHUNK
    srcp0 = srcp[:cut].reshape(NS, t0, CHUNK)
    srcp1 = srcp[cut:].reshape(NS, t1, CHUNK)
    dstp0 = dstp[:cut].reshape(NS, t0, CHUNK)
    dstp1 = dstp[cut:].reshape(NS, t1, CHUNK)
    dstflat = dstp.reshape(NW, CPTD, CHUNK)

    zeros_acc = jnp.zeros((RT, D), jnp.float32)
    zeros_deg = zeros_acc if DEGW == D else jnp.zeros((RT, DEGW), jnp.float32)
    ones_deg = jnp.ones((CHUNK, DEGW), jnp.float32)

    deg_kernel = _make_deg(NP, CPTD)
    segsum = _make_segsum(NP, D, t0, t1)

    degf = deg_kernel(dstflat, zeros_deg, ones_deg)
    dega = degf[0:N, 0:1]
    degb = degf[NP:NP + N, 0:1]

    y1, dinv = _tc_first(x, W1, dega, degb)
    s1 = segsum(y1, srcp0, dstp0, srcp1, dstp1, zeros_acc)
    y2 = _tc_mid(s1[0:N], s1[NP:NP + N], y1, dinv,
                 b1.reshape(1, D), g1.reshape(1, D), be1.reshape(1, D), W2)
    s2 = segsum(y2, srcp0, dstp0, srcp1, dstp1, zeros_acc)
    y3 = _tc_mid(s2[0:N], s2[NP:NP + N], y2, dinv,
                 b2.reshape(1, D), g2.reshape(1, D), be2.reshape(1, D), W3)
    s3 = segsum(y3, srcp0, dstp0, srcp1, dstp1, zeros_acc)
    out = _tc_last(s3[0:N], s3[NP:NP + N], y3, dinv, b3.reshape(1, D))
    return out

# --- scband reference (transcript-rebuilt; emitter-appended) ---
"""Pipeline reference for scband-gcn-30648886624425 (READ-ONLY COPY).

The authoritative reference and input builder live on the scoring server;
editing this copy changes nothing except your own understanding.
"""

import jax, jax.numpy as jnp
import numpy as np

N = 10000
E = 320000
D = 128
EPS = 1e-5


def setup_inputs(seed: int = 0) -> dict:
    key = jax.random.key(seed)
    ks = jax.random.split(key, 16)
    x = jax.random.normal(ks[0], (N, D), dtype=jnp.float32)
    edge_index = jax.random.randint(ks[1], (2, E), 0, N).astype(jnp.int32)
    s = 1.0 / np.sqrt(D)
    W1 = jax.random.uniform(ks[2], (D, D), jnp.float32, -s, s)
    b1 = jnp.zeros((D,), jnp.float32)
    g1 = jnp.ones((D,), jnp.float32)
    be1 = jnp.zeros((D,), jnp.float32)
    W2 = jax.random.uniform(ks[3], (D, D), jnp.float32, -s, s)
    b2 = jnp.zeros((D,), jnp.float32)
    g2 = jnp.ones((D,), jnp.float32)
    be2 = jnp.zeros((D,), jnp.float32)
    W3 = jax.random.uniform(ks[4], (D, D), jnp.float32, -s, s)
    b3 = jnp.zeros((D,), jnp.float32)
    return {"x": x, "edge_index": edge_index, "W1": W1, "b1": b1, "g1": g1, "be1": be1,
            "W2": W2, "b2": b2, "g2": g2, "be2": be2, "W3": W3, "b3": b3}


def _gcn_conv(x, W, b, src, dst, norm):
    xw = x @ W
    msg = xw[src] * norm[:, None]
    out = jax.ops.segment_sum(msg, dst, num_segments=N)
    return out + b


def _batchnorm(x, g, be):
    mu = jnp.mean(x, axis=0)
    var = jnp.mean((x - mu) ** 2, axis=0)
    return (x - mu) / jnp.sqrt(var + EPS) * g + be


def reference(x, edge_index, W1, b1, g1, be1, W2, b2, g2, be2, W3, b3):
    loop = jnp.arange(N, dtype=edge_index.dtype)
    src = jnp.concatenate([edge_index[0], loop])
    dst = jnp.concatenate([edge_index[1], loop])
    deg = jnp.zeros((N,), jnp.float32).at[dst].add(1.0)
    dinv = jnp.where(deg > 0, 1.0 / jnp.sqrt(deg), 0.0)
    norm = dinv[src] * dinv[dst]
    h = _gcn_conv(x, W1, b1, src, dst, norm)
    h = _batchnorm(h, g1, be1)
    h = jax.nn.relu(h)
    h = _gcn_conv(h, W2, b2, src, dst, norm)
    h = _batchnorm(h, g2, be2)
    h = jax.nn.relu(h)
    out = _gcn_conv(h, W3, b3, src, dst, norm)
    out = out - jax.scipy.special.logsumexp(out, axis=-1, keepdims=True)
    return out

if __name__ == "__main__":
    import jax
    _d = setup_inputs()
    print(jax.jit(kernel)(*tuple(_d.values())))

</pallas_src>

<mosaic_0001>
#map = affine_map<(d0, d1) -> (0, 0, 0)>
#map1 = affine_map<(d0, d1) -> (0, 0)>
module attributes {stable_mosaic.version = 14 : i64} {
  func.func @deg_kernel(%arg0: i32, %arg1: i32, %arg2: memref<32x79x128xi32, #tpu.memory_space<hbm>>, %arg3: memref<632x128xf32, #tpu.memory_space<hbm>>, %arg4: memref<128x128xf32, #tpu.memory_space<hbm>>, %arg5: memref<20224x128xf32, #tpu.memory_space<hbm>>, %arg6: memref<79x128xi32, #tpu.memory_space<vmem>>, %arg7: memref<128x128xf32, #tpu.memory_space<vmem>>, %arg8: memref<10112x128xf32, #tpu.memory_space<vmem_shared>>) attributes {dimension_semantics = [#tpu.dimension_semantics<core_parallel>, #tpu.dimension_semantics<subcore_parallel>], iteration_bounds = array<i64: 2, 16>, scalar_prefetch = 0 : i64, scratch_operands = 3 : i64, tpu.core_type = #tpu.core_type<sc_vector_subcore>, window_params = [{transform_indices = #map}, {transform_indices = #map1}, {transform_indices = #map1}, {transform_indices = #map1}]} {
    %mul3A = arith.constant 16 : i32
    %mul3A_0 = arith.muli %arg0, %mul3A : i32
    %add3A = arith.addi %mul3A_0, %arg1 : i32
    %mul3A_1 = arith.constant 632 : i32
    %mul3A_2 = arith.muli %arg1, %mul3A_1 : i32
    "tpu.region"() ({
      %run_scoped3A = tpu.sem_alloc : memref<!tpu.dma_semaphore, #tpu.memory_space<semaphore_mem>>
      %dma_start3A = arith.constant 0 : i32
      %dma_start3A_16 = tpu.memref_slice %arg8[%mul3A_2, %dma_start3A] : memref<10112x128xf32, #tpu.memory_space<vmem_shared>> -> memref<632x128xf32, #tpu.memory_space<vmem_shared>>
      tpu.enqueue_dma source(%arg3 : memref<632x128xf32, #tpu.memory_space<hbm>>) target(%dma_start3A_16 : memref<632x128xf32, #tpu.memory_space<vmem_shared>>) target_semaphore(%run_scoped3A : memref<!tpu.dma_semaphore, #tpu.memory_space<semaphore_mem>>)
      %dma_wait3A = arith.constant 0 : i32
      %dma_wait3A_17 = tpu.memref_slice %arg8[%mul3A_2, %dma_wait3A] : memref<10112x128xf32, #tpu.memory_space<vmem_shared>> -> memref<632x128xf32, #tpu.memory_space<vmem_shared>>
      tpu.wait_dma2 semaphore(%run_scoped3A : memref<!tpu.dma_semaphore, #tpu.memory_space<semaphore_mem>>) src(%arg3 : memref<632x128xf32, #tpu.memory_space<hbm>>) dst(%dma_wait3A_17 : memref<632x128xf32, #tpu.memory_space<vmem_shared>>)
      tpu.yield
    }) : () -> ()
    "tpu.region"() ({
      %run_scoped3A = tpu.sem_alloc : memref<!tpu.dma_semaphore, #tpu.memory_space<semaphore_mem>>
      tpu.enqueue_dma source(%arg4 : memref<128x128xf32, #tpu.memory_space<hbm>>) target(%arg7 : memref<128x128xf32, #tpu.memory_space<vmem>>) target_semaphore(%run_scoped3A : memref<!tpu.dma_semaphore, #tpu.memory_space<semaphore_mem>>)
      tpu.wait_dma2 semaphore(%run_scoped3A : memref<!tpu.dma_semaphore, #tpu.memory_space<semaphore_mem>>) src(%arg4 : memref<128x128xf32, #tpu.memory_space<hbm>>) dst(%arg7 : memref<128x128xf32, #tpu.memory_space<vmem>>)
      tpu.yield
    }) : () -> ()
    "tpu.region"() ({
      %run_scoped3A = tpu.sem_alloc : memref<!tpu.dma_semaphore, #tpu.memory_space<semaphore_mem>>
      %dma_start3A = arith.constant 0 : i32
      %dma_start3A_16 = arith.constant 0 : i32
      %dma_start3A_17 = tpu.memref_slice %arg2[%add3A, %dma_start3A, %dma_start3A_16] : memref<32x79x128xi32, #tpu.memory_space<hbm>> -> memref<1x79x128xi32, #tpu.memory_space<hbm>>
      %dma_start3A_18 = tpu.memref_squeeze %dma_start3A_17 : memref<1x79x128xi32, #tpu.memory_space<hbm>> -> memref<79x128xi32, #tpu.memory_space<hbm>>
      %dma_start3A_19 = arith.constant 0 : i32
      %dma_start3A_20 = arith.constant 0 : i32
      %dma_start3A_21 = tpu.memref_slice %arg2[%add3A, %dma_start3A_19, %dma_start3A_20] : memref<32x79x128xi32, #tpu.memory_space<hbm>> -> memref<1x79x128xi32, #tpu.memory_space<hbm>>
      %dma_start3A_22 = tpu.memref_squeeze %dma_start3A_21 : memref<1x79x128xi32, #tpu.memory_space<hbm>> -> memref<79x128xi32, #tpu.memory_space<hbm>>
      tpu.enqueue_dma source(%dma_start3A_22 : memref<79x128xi32, #tpu.memory_space<hbm>>) target(%arg6 : memref<79x128xi32, #tpu.memory_space<vmem>>) target_semaphore(%run_scoped3A : memref<!tpu.dma_semaphore, #tpu.memory_space<semaphore_mem>>)
      %dma_wait3A = arith.constant 0 : i32
      %dma_wait3A_23 = arith.constant 0 : i32
      %dma_wait3A_24 = tpu.memref_slice %arg2[%add3A, %dma_wait3A, %dma_wait3A_23] : memref<32x79x128xi32, #tpu.memory_space<hbm>> -> memref<1x79x128xi32, #tpu.memory_space<hbm>>
      %dma_wait3A_25 = tpu.memref_squeeze %dma_wait3A_24 : memref<1x79x128xi32, #tpu.memory_space<hbm>> -> memref<79x128xi32, #tpu.memory_space<hbm>>
      %dma_wait3A_26 = arith.constant 0 : i32
      %dma_wait3A_27 = arith.constant 0 : i32
      %dma_wait3A_28 = tpu.memref_slice %arg2[%add3A, %dma_wait3A_26, %dma_wait3A_27] : memref<32x79x128xi32, #tpu.memory_space<hbm>> -> memref<1x79x128xi32, #tpu.memory_space<hbm>>
      %dma_wait3A_29 = tpu.memref_squeeze %dma_wait3A_28 : memref<1x79x128xi32, #tpu.memory_space<hbm>> -> memref<79x128xi32, #tpu.memory_space<hbm>>
      tpu.wait_dma2 semaphore(%run_scoped3A : memref<!tpu.dma_semaphore, #tpu.memory_space<semaphore_mem>>) src(%dma_wait3A_29 : memref<79x128xi32, #tpu.memory_space<hbm>>) dst(%arg6 : memref<79x128xi32, #tpu.memory_space<vmem>>)
      tpu.yield
    }) : () -> ()
    %barrier3A = arith.constant 0 : index
    tpu.barrier barrier_id(%barrier3A)
    %scan3A = arith.constant 0 : i32
    %scan3A_3 = arith.constant 0 : i32
    %scan3A_4 = arith.constant 79 : i32
    %scan3A_5 = arith.addi %scan3A_3, %scan3A_4 : i32
    %scan3A_6 = arith.constant 1 : i32
    scf.for %scan3A_16 = %scan3A_3 to %scan3A_5 step %scan3A_6  : i32 {
      "tpu.region"() ({
        %run_scoped3A = tpu.sem_alloc : memref<!tpu.dma_semaphore, #tpu.memory_space<semaphore_mem>>
        %dma_start3A = arith.constant 0 : i32
        %dma_start3A_17 = tpu.memref_slice %arg6[%scan3A_16, %dma_start3A] : memref<79x128xi32, #tpu.memory_space<vmem>> -> memref<1x128xi32, #tpu.memory_space<vmem>>
        %dma_start3A_18 = tpu.memref_squeeze %dma_start3A_17 : memref<1x128xi32, #tpu.memory_space<vmem>> -> memref<128xi32, #tpu.memory_space<vmem>>
        %dma_start3A_19 = arith.constant 0 : i32
        %dma_start3A_20 = arith.constant 0 : i32
        %dma_start3A_21 = tpu.memref_slice %arg8[%dma_start3A_19, %dma_start3A_20] : memref<10112x128xf32, #tpu.memory_space<vmem_shared>> -> memref<10112x128xf32, #tpu.memory_space<vmem_shared>>
        tpu.enqueue_indirect_dma source(%arg7 : memref<128x128xf32, #tpu.memory_space<vmem>>) target(%dma_start3A_21 : memref<10112x128xf32, #tpu.memory_space<vmem_shared>>) offsets(%dma_start3A_18 : memref<128xi32, #tpu.memory_space<vmem>>) semaphore(%run_scoped3A : memref<!tpu.dma_semaphore, #tpu.memory_space<semaphore_mem>>) {add = true}
        %dma_wait3A = arith.constant 0 : i32
        %dma_wait3A_22 = tpu.memref_slice %arg6[%scan3A_16, %dma_wait3A] : memref<79x128xi32, #tpu.memory_space<vmem>> -> memref<1x128xi32, #tpu.memory_space<vmem>>
        %dma_wait3A_23 = tpu.memref_squeeze %dma_wait3A_22 : memref<1x128xi32, #tpu.memory_space<vmem>> -> memref<128xi32, #tpu.memory_space<vmem>>
        %dma_wait3A_24 = arith.constant 0 : i32
        %dma_wait3A_25 = arith.constant 0 : i32
        %dma_wait3A_26 = tpu.memref_slice %arg8[%dma_wait3A_24, %dma_wait3A_25] : memref<10112x128xf32, #tpu.memory_space<vmem_shared>> -> memref<10112x128xf32, #tpu.memory_space<vmem_shared>>
        tpu.wait_indirect_dma semaphore(%run_scoped3A : memref<!tpu.dma_semaphore, #tpu.memory_space<semaphore_mem>>) src(%arg7 : memref<128x128xf32, #tpu.memory_space<vmem>>) dst(%dma_wait3A_26 : memref<10112x128xf32, #tpu.memory_space<vmem_shared>>)
        tpu.yield
      }) : () -> ()
    }
    %scan3A_7 = arith.constant 79 : i32
    %barrier3A_8 = arith.constant 0 : index
    tpu.barrier barrier_id(%barrier3A_8)
    %mul3A_9 = arith.constant 632 : i32
    %mul3A_10 = arith.muli %arg1, %mul3A_9 : i32
    %mul3A_11 = arith.constant 10112 : i32
    %mul3A_12 = arith.muli %arg0, %mul3A_11 : i32
    %mul3A_13 = arith.constant 632 : i32
    %mul3A_14 = arith.muli %arg1, %mul3A_13 : i32
    %add3A_15 = arith.addi %mul3A_12, %mul3A_14 : i32
    "tpu.region"() ({
      %run_scoped3A = tpu.sem_alloc : memref<!tpu.dma_semaphore, #tpu.memory_space<semaphore_mem>>
      %dma_start3A = arith.constant 0 : i32
      %dma_start3A_16 = tpu.memref_slice %arg5[%add3A_15, %dma_start3A] : memref<20224x128xf32, #tpu.memory_space<hbm>> -> memref<632x128xf32, #tpu.memory_space<hbm>>
      %dma_start3A_17 = arith.constant 0 : i32
      %dma_start3A_18 = tpu.memref_slice %arg8[%mul3A_10, %dma_start3A_17] : memref<10112x128xf32, #tpu.memory_space<vmem_shared>> -> memref<632x128xf32, #tpu.memory_space<vmem_shared>>
      tpu.enqueue_dma source(%dma_start3A_18 : memref<632x128xf32, #tpu.memory_space<vmem_shared>>) target(%dma_start3A_16 : memref<632x128xf32, #tpu.memory_space<hbm>>) target_semaphore(%run_scoped3A : memref<!tpu.dma_semaphore, #tpu.memory_space<semaphore_mem>>)
      %dma_wait3A = arith.constant 0 : i32
      %dma_wait3A_19 = tpu.memref_slice %arg5[%add3A_15, %dma_wait3A] : memref<20224x128xf32, #tpu.memory_space<hbm>> -> memref<632x128xf32, #tpu.memory_space<hbm>>
      %dma_wait3A_20 = arith.constant 0 : i32
      %dma_wait3A_21 = tpu.memref_slice %arg8[%mul3A_10, %dma_wait3A_20] : memref<10112x128xf32, #tpu.memory_space<vmem_shared>> -> memref<632x128xf32, #tpu.memory_space<vmem_shared>>
      tpu.wait_dma2 semaphore(%run_scoped3A : memref<!tpu.dma_semaphore, #tpu.memory_space<semaphore_mem>>) src(%dma_wait3A_21 : memref<632x128xf32, #tpu.memory_space<vmem_shared>>) dst(%dma_wait3A_19 : memref<632x128xf32, #tpu.memory_space<hbm>>)
      tpu.yield
    }) : () -> ()
    return
  }
}

#map = affine_map<(d0, d1) -> (0, 0)>
#map1 = affine_map<(d0, d1) -> (0, 0, 0)>
module attributes {stable_mosaic.version = 14 : i64} {
  func.func @segsum_kernel(%arg0: i32, %arg1: i32, %arg2: memref<10000x128xf32, #tpu.memory_space<hbm>>, %arg3: memref<16x128x128xi32, #tpu.memory_space<hbm>>, %arg4: memref<16x128x128xi32, #tpu.memory_space<hbm>>, %arg5: memref<16x30x128xi32, #tpu.memory_space<hbm>>, %arg6: memref<16x30x128xi32, #tpu.memory_space<hbm>>, %arg7: memref<632x128xf32, #tpu.memory_space<hbm>>, %arg8: memref<20224x128xf32, #tpu.memory_space<hbm>>, %arg9: memref<64x128xi32, #tpu.memory_space<vmem>>, %arg10: memref<64x128xi32, #tpu.memory_space<vmem>>, %arg11: memref<128x128xf32, #tpu.memory_space<vmem>>, %arg12: memref<128x128xf32, #tpu.memory_space<vmem>>, %arg13: memref<10112x128xf32, #tpu.memory_space<vmem_shared>>, %arg14: memref<!tpu.dma_semaphore, #tpu.memory_space<semaphore_mem>>, %arg15: memref<!tpu.dma_semaphore, #tpu.memory_space<semaphore_mem>>, %arg16: memref<!tpu.dma_semaphore, #tpu.memory_space<semaphore_mem>>) attributes {dimension_semantics = [#tpu.dimension_semantics<core_parallel>, #tpu.dimension_semantics<subcore_parallel>], iteration_bounds = array<i64: 2, 16>, scalar_prefetch = 0 : i64, scratch_operands = 8 : i64, tpu.core_type = #tpu.core_type<sc_vector_subcore>, window_params = [{transform_indices = #map}, {transform_indices = #map1}, {transform_indices = #map1}, {transform_indices = #map1}, {transform_indices = #map1}, {transform_indices = #map}, {transform_indices = #map}]} {
    %mul3A = arith.constant 632 : i32
    %mul3A_0 = arith.muli %arg1, %mul3A : i32
    "tpu.region"() ({
      %run_scoped3A = tpu.sem_alloc : memref<!tpu.dma_semaphore, #tpu.memory_space<semaphore_mem>>
      %dma_start3A = arith.constant 0 : i32
      %dma_start3A_15 = tpu.memref_slice %arg13[%mul3A_0, %dma_start3A] : memref<10112x128xf32, #tpu.memory_space<vmem_shared>> -> memref<632x128xf32, #tpu.memory_space<vmem_shared>>
      tpu.enqueue_dma source(%arg7 : memref<632x128xf32, #tpu.memory_space<hbm>>) target(%dma_start3A_15 : memref<632x128xf32, #tpu.memory_space<vmem_shared>>) target_semaphore(%run_scoped3A : memref<!tpu.dma_semaphore, #tpu.memory_space<semaphore_mem>>)
      %dma_wait3A = arith.constant 0 : i32
      %dma_wait3A_16 = tpu.memref_slice %arg13[%mul3A_0, %dma_wait3A] : memref<10112x128xf32, #tpu.memory_space<vmem_shared>> -> memref<632x128xf32, #tpu.memory_space<vmem_shared>>
      tpu.wait_dma2 semaphore(%run_scoped3A : memref<!tpu.dma_semaphore, #tpu.memory_space<semaphore_mem>>) src(%arg7 : memref<632x128xf32, #tpu.memory_space<hbm>>) dst(%dma_wait3A_16 : memref<632x128xf32, #tpu.memory_space<vmem_shared>>)
      tpu.yield
    }) : () -> ()
    %barrier3A = arith.constant 0 : index
    tpu.barrier barrier_id(%barrier3A)
    %eq3A = arith.constant 0 : i32
    %eq3A_1 = arith.cmpi eq, %arg0, %eq3A : i32
    %convert_element_type3A = arith.extui %eq3A_1 : i1 to i32
    %cond3A = arith.constant 0 : i32
    %cond3A_2 = arith.cmpi ne, %convert_element_type3A, %cond3A : i32
    scf.if %cond3A_2 {
      "tpu.region"() ({
        %run_scoped3A = tpu.sem_alloc : memref<!tpu.dma_semaphore, #tpu.memory_space<semaphore_mem>>
        %dma_start3A_39 = arith.constant 0 : i32
        %dma_start3A_40 = arith.constant 0 : i32
        %dma_start3A_41 = tpu.memref_slice %arg9[%dma_start3A_39, %dma_start3A_40] : memref<64x128xi32, #tpu.memory_space<vmem>> -> memref<64x128xi32, #tpu.memory_space<vmem>>
        %dma_start3A_42 = arith.constant 0 : i32
        %dma_start3A_43 = arith.constant 0 : i32
        %dma_start3A_44 = tpu.memref_slice %arg3[%arg1, %dma_start3A_42, %dma_start3A_43] : memref<16x128x128xi32, #tpu.memory_space<hbm>> -> memref<1x64x128xi32, #tpu.memory_space<hbm>>
        %dma_start3A_45 = tpu.memref_squeeze %dma_start3A_44 : memref<1x64x128xi32, #tpu.memory_space<hbm>> -> memref<64x128xi32, #tpu.memory_space<hbm>>
        %dma_start3A_46 = arith.constant 0 : i32
        %dma_start3A_47 = arith.constant 0 : i32
        %dma_start3A_48 = tpu.memref_slice %arg9[%dma_start3A_46, %dma_start3A_47] : memref<64x128xi32, #tpu.memory_space<vmem>> -> memref<64x128xi32, #tpu.memory_space<vmem>>
        %dma_start3A_49 = arith.constant 0 : i32
        %dma_start3A_50 = arith.constant 0 : i32
        %dma_start3A_51 = tpu.memref_slice %arg3[%arg1, %dma_start3A_49, %dma_start3A_50] : memref<16x128x128xi32, #tpu.memory_space<hbm>> -> memref<1x64x128xi32, #tpu.memory_space<hbm>>
        %dma_start3A_52 = tpu.memref_squeeze %dma_start3A_51 : memref<1x64x128xi32, #tpu.memory_space<hbm>> -> memref<64x128xi32, #tpu.memory_space<hbm>>
        tpu.enqueue_dma source(%dma_start3A_52 : memref<64x128xi32, #tpu.memory_space<hbm>>) target(%dma_start3A_48 : memref<64x128xi32, #tpu.memory_space<vmem>>) target_semaphore(%run_scoped3A : memref<!tpu.dma_semaphore, #tpu.memory_space<semaphore_mem>>)
        %dma_wait3A = arith.constant 0 : i32
        %dma_wait3A_53 = arith.constant 0 : i32
        %dma_wait3A_54 = tpu.memref_slice %arg9[%dma_wait3A, %dma_wait3A_53] : memref<64x128xi32, #tpu.memory_space<vmem>> -> memref<64x128xi32, #tpu.memory_space<vmem>>
        %dma_wait3A_55 = arith.constant 0 : i32
        %dma_wait3A_56 = arith.constant 0 : i32
        %dma_wait3A_57 = tpu.memref_slice %arg3[%arg1, %dma_wait3A_55, %dma_wait3A_56] : memref<16x128x128xi32, #tpu.memory_space<hbm>> -> memref<1x64x128xi32, #tpu.memory_space<hbm>>
        %dma_wait3A_58 = tpu.memref_squeeze %dma_wait3A_57 : memref<1x64x128xi32, #tpu.memory_space<hbm>> -> memref<64x128xi32, #tpu.memory_space<hbm>>
        %dma_wait3A_59 = arith.constant 0 : i32
        %dma_wait3A_60 = arith.constant 0 : i32
        %dma_wait3A_61 = tpu.memref_slice %arg9[%dma_wait3A_59, %dma_wait3A_60] : memref<64x128xi32, #tpu.memory_space<vmem>> -> memref<64x128xi32, #tpu.memory_space<vmem>>
        %dma_wait3A_62 = arith.constant 0 : i32
        %dma_wait3A_63 = arith.constant 0 : i32
        %dma_wait3A_64 = tpu.memref_slice %arg3[%arg1, %dma_wait3A_62, %dma_wait3A_63] : memref<16x128x128xi32, #tpu.memory_space<hbm>> -> memref<1x64x128xi32, #tpu.memory_space<hbm>>
        %dma_wait3A_65 = tpu.memref_squeeze %dma_wait3A_64 : memref<1x64x128xi32, #tpu.memory_space<hbm>> -> memref<64x128xi32, #tpu.memory_space<hbm>>
        tpu.wait_dma2 semaphore(%run_scoped3A : memref<!tpu.dma_semaphore, #tpu.memory_space<semaphore_mem>>) src(%dma_wait3A_65 : memref<64x128xi32, #tpu.memory_space<hbm>>) dst(%dma_wait3A_61 : memref<64x128xi32, #tpu.memory_space<vmem>>)
        tpu.yield
      }) : () -> ()
      "tpu.region"() ({
        %run_scoped3A = tpu.sem_alloc : memref<!tpu.dma_semaphore, #tpu.memory_space<semaphore_mem>>
        %dma_start3A_39 = arith.constant 0 : i32
        %dma_start3A_40 = arith.constant 0 : i32
        %dma_start3A_41 = tpu.memref_slice %arg10[%dma_start3A_39, %dma_start3A_40] : memref<64x128xi32, #tpu.memory_space<vmem>> -> memref<64x128xi32, #tpu.memory_space<vmem>>
        %dma_start3A_42 = arith.constant 0 : i32
        %dma_start3A_43 = arith.constant 0 : i32
        %dma_start3A_44 = tpu.memref_slice %arg4[%arg1, %dma_start3A_42, %dma_start3A_43] : memref<16x128x128xi32, #tpu.memory_space<hbm>> -> memref<1x64x128xi32, #tpu.memory_space<hbm>>
        %dma_start3A_45 = tpu.memref_squeeze %dma_start3A_44 : memref<1x64x128xi32, #tpu.memory_space<hbm>> -> memref<64x128xi32, #tpu.memory_space<hbm>>
        %dma_start3A_46 = arith.constant 0 : i32
        %dma_start3A_47 = arith.constant 0 : i32
        %dma_start3A_48 = tpu.memref_slice %arg10[%dma_start3A_46, %dma_start3A_47] : memref<64x128xi32, #tpu.memory_space<vmem>> -> memref<64x128xi32, #tpu.memory_space<vmem>>
        %dma_start3A_49 = arith.constant 0 : i32
        %dma_start3A_50 = arith.constant 0 : i32
        %dma_start3A_51 = tpu.memref_slice %arg4[%arg1, %dma_start3A_49, %dma_start3A_50] : memref<16x128x128xi32, #tpu.memory_space<hbm>> -> memref<1x64x128xi32, #tpu.memory_space<hbm>>
        %dma_start3A_52 = tpu.memref_squeeze %dma_start3A_51 : memref<1x64x128xi32, #tpu.memory_space<hbm>> -> memref<64x128xi32, #tpu.memory_space<hbm>>
        tpu.enqueue_dma source(%dma_start3A_52 : memref<64x128xi32, #tpu.memory_space<hbm>>) target(%dma_start3A_48 : memref<64x128xi32, #tpu.memory_space<vmem>>) target_semaphore(%run_scoped3A : memref<!tpu.dma_semaphore, #tpu.memory_space<semaphore_mem>>)
        %dma_wait3A = arith.constant 0 : i32
        %dma_wait3A_53 = arith.constant 0 : i32
        %dma_wait3A_54 = tpu.memref_slice %arg10[%dma_wait3A, %dma_wait3A_53] : memref<64x128xi32, #tpu.memory_space<vmem>> -> memref<64x128xi32, #tpu.memory_space<vmem>>
        %dma_wait3A_55 = arith.constant 0 : i32
        %dma_wait3A_56 = arith.constant 0 : i32
        %dma_wait3A_57 = tpu.memref_slice %arg4[%arg1, %dma_wait3A_55, %dma_wait3A_56] : memref<16x128x128xi32, #tpu.memory_space<hbm>> -> memref<1x64x128xi32, #tpu.memory_space<hbm>>
        %dma_wait3A_58 = tpu.memref_squeeze %dma_wait3A_57 : memref<1x64x128xi32, #tpu.memory_space<hbm>> -> memref<64x128xi32, #tpu.memory_space<hbm>>
        %dma_wait3A_59 = arith.constant 0 : i32
        %dma_wait3A_60 = arith.constant 0 : i32
        %dma_wait3A_61 = tpu.memref_slice %arg10[%dma_wait3A_59, %dma_wait3A_60] : memref<64x128xi32, #tpu.memory_space<vmem>> -> memref<64x128xi32, #tpu.memory_space<vmem>>
        %dma_wait3A_62 = arith.constant 0 : i32
        %dma_wait3A_63 = arith.constant 0 : i32
        %dma_wait3A_64 = tpu.memref_slice %arg4[%arg1, %dma_wait3A_62, %dma_wait3A_63] : memref<16x128x128xi32, #tpu.memory_space<hbm>> -> memref<1x64x128xi32, #tpu.memory_space<hbm>>
        %dma_wait3A_65 = tpu.memref_squeeze %dma_wait3A_64 : memref<1x64x128xi32, #tpu.memory_space<hbm>> -> memref<64x128xi32, #tpu.memory_space<hbm>>
        tpu.wait_dma2 semaphore(%run_scoped3A : memref<!tpu.dma_semaphore, #tpu.memory_space<semaphore_mem>>) src(%dma_wait3A_65 : memref<64x128xi32, #tpu.memory_space<hbm>>) dst(%dma_wait3A_61 : memref<64x128xi32, #tpu.memory_space<vmem>>)
        tpu.yield
      }) : () -> ()
      %dma_start3A = arith.constant 0 : i32
      %dma_start3A_15 = arith.constant 0 : i32
      %dma_start3A_16 = tpu.memref_slice %arg9[%dma_start3A, %dma_start3A_15] : memref<64x128xi32, #tpu.memory_space<vmem>> -> memref<1x128xi32, #tpu.memory_space<vmem>>
      %dma_start3A_17 = tpu.memref_squeeze %dma_start3A_16 : memref<1x128xi32, #tpu.memory_space<vmem>> -> memref<128xi32, #tpu.memory_space<vmem>>
      %dma_start3A_18 = arith.constant 0 : i32
      %dma_start3A_19 = arith.constant 0 : i32
      %dma_start3A_20 = tpu.memref_slice %arg2[%dma_start3A_18, %dma_start3A_19] : memref<10000x128xf32, #tpu.memory_space<hbm>> -> memref<10000x128xf32, #tpu.memory_space<hbm>>
      tpu.enqueue_indirect_dma source(%dma_start3A_20 : memref<10000x128xf32, #tpu.memory_space<hbm>>) target(%arg11 : memref<128x128xf32, #tpu.memory_space<vmem>>) offsets(%dma_start3A_17 : memref<128xi32, #tpu.memory_space<vmem>>) semaphore(%arg14 : memref<!tpu.dma_semaphore, #tpu.memory_space<semaphore_mem>>)
      %scan3A = arith.constant 0 : i32
      %scan3A_21 = arith.constant 0 : i32
      %scan3A_22 = arith.constant 32 : i32
      %scan3A_23 = arith.addi %scan3A_21, %scan3A_22 : i32
      %scan3A_24 = arith.constant 1 : i32
      scf.for %scan3A_39 = %scan3A_21 to %scan3A_23 step %scan3A_24  : i32 {
        %mul3A_40 = arith.constant 2 : i32
        %mul3A_41 = arith.muli %scan3A_39, %mul3A_40 : i32
        %dma_wait3A = arith.constant 0 : i32
        %dma_wait3A_42 = tpu.memref_slice %arg9[%mul3A_41, %dma_wait3A] : memref<64x128xi32, #tpu.memory_space<vmem>> -> memref<1x128xi32, #tpu.memory_space<vmem>>
        %dma_wait3A_43 = tpu.memref_squeeze %dma_wait3A_42 : memref<1x128xi32, #tpu.memory_space<vmem>> -> memref<128xi32, #tpu.memory_space<vmem>>
        %dma_wait3A_44 = arith.constant 0 : i32
        %dma_wait3A_45 = arith.constant 0 : i32
        %dma_wait3A_46 = tpu.memref_slice %arg2[%dma_wait3A_44, %dma_wait3A_45] : memref<10000x128xf32, #tpu.memory_space<hbm>> -> memref<10000x128xf32, #tpu.memory_space<hbm>>
        tpu.wait_indirect_dma semaphore(%arg14 : memref<!tpu.dma_semaphore, #tpu.memory_space<semaphore_mem>>) src(%dma_wait3A_46 : memref<10000x128xf32, #tpu.memory_space<hbm>>) dst(%arg11 : memref<128x128xf32, #tpu.memory_space<vmem>>)
        %add3A_47 = arith.constant 1 : i32
        %add3A_48 = arith.addi %mul3A_41, %add3A_47 : i32
        %dma_start3A_49 = arith.constant 0 : i32
        %dma_start3A_50 = tpu.memref_slice %arg9[%add3A_48, %dma_start3A_49] : memref<64x128xi32, #tpu.memory_space<vmem>> -> memref<1x128xi32, #tpu.memory_space<vmem>>
        %dma_start3A_51 = tpu.memref_squeeze %dma_start3A_50 : memref<1x128xi32, #tpu.memory_space<vmem>> -> memref<128xi32, #tpu.memory_space<vmem>>
        %dma_start3A_52 = arith.constant 0 : i32
        %dma_start3A_53 = arith.constant 0 : i32
        %dma_start3A_54 = tpu.memref_slice %arg2[%dma_start3A_52, %dma_start3A_53] : memref<10000x128xf32, #tpu.memory_space<hbm>> -> memref<10000x128xf32, #tpu.memory_space<hbm>>
        tpu.enqueue_indirect_dma source(%dma_start3A_54 : memref<10000x128xf32, #tpu.memory_space<hbm>>) target(%arg12 : memref<128x128xf32, #tpu.memory_space<vmem>>) offsets(%dma_start3A_51 : memref<128xi32, #tpu.memory_space<vmem>>) semaphore(%arg15 : memref<!tpu.dma_semaphore, #tpu.memory_space<semaphore_mem>>)
        %dma_start3A_55 = arith.constant 0 : i32
        %dma_start3A_56 = tpu.memref_slice %arg10[%mul3A_41, %dma_start3A_55] : memref<64x128xi32, #tpu.memory_space<vmem>> -> memref<1x128xi32, #tpu.memory_space<vmem>>
        %dma_start3A_57 = tpu.memref_squeeze %dma_start3A_56 : memref<1x128xi32, #tpu.memory_space<vmem>> -> memref<128xi32, #tpu.memory_space<vmem>>
        %dma_start3A_58 = arith.constant 0 : i32
        %dma_start3A_59 = arith.constant 0 : i32
        %dma_start3A_60 = tpu.memref_slice %arg13[%dma_start3A_58, %dma_start3A_59] : memref<10112x128xf32, #tpu.memory_space<vmem_shared>> -> memref<10112x128xf32, #tpu.memory_space<vmem_shared>>
        tpu.enqueue_indirect_dma source(%arg11 : memref<128x128xf32, #tpu.memory_space<vmem>>) target(%dma_start3A_60 : memref<10112x128xf32, #tpu.memory_space<vmem_shared>>) offsets(%dma_start3A_57 : memref<128xi32, #tpu.memory_space<vmem>>) semaphore(%arg16 : memref<!tpu.dma_semaphore, #tpu.memory_space<semaphore_mem>>) {add = true}
        %dma_wait3A_61 = arith.constant 0 : i32
        %dma_wait3A_62 = tpu.memref_slice %arg9[%mul3A_41, %dma_wait3A_61] : memref<64x128xi32, #tpu.memory_space<vmem>> -> memref<1x128xi32, #tpu.memory_space<vmem>>
        %dma_wait3A_63 = tpu.memref_squeeze %dma_wait3A_62 : memref<1x128xi32, #tpu.memory_space<vmem>> -> memref<128xi32, #tpu.memory_space<vmem>>
        %dma_wait3A_64 = arith.constant 0 : i32
        %dma_wait3A_65 = arith.constant 0 : i32
        %dma_wait3A_66 = tpu.memref_slice %arg2[%dma_wait3A_64, %dma_wait3A_65] : memref<10000x128xf32, #tpu.memory_space<hbm>> -> memref<10000x128xf32, #tpu.memory_space<hbm>>
        tpu.wait_indirect_dma semaphore(%arg15 : memref<!tpu.dma_semaphore, #tpu.memory_space<semaphore_mem>>) src(%dma_wait3A_66 : memref<10000x128xf32, #tpu.memory_space<hbm>>) dst(%arg12 : memref<128x128xf32, #tpu.memory_space<vmem>>)
        %dma_wait3A_67 = arith.constant 0 : i32
        %dma_wait3A_68 = tpu.memref_slice %arg10[%mul3A_41, %dma_wait3A_67] : memref<64x128xi32, #tpu.memory_space<vmem>> -> memref<1x128xi32, #tpu.memory_space<vmem>>
        %dma_wait3A_69 = tpu.memref_squeeze %dma_wait3A_68 : memref<1x128xi32, #tpu.memory_space<vmem>> -> memref<128xi32, #tpu.memory_space<vmem>>
        %dma_wait3A_70 = arith.constant 0 : i32
        %dma_wait3A_71 = arith.constant 0 : i32
        %dma_wait3A_72 = tpu.memref_slice %arg13[%dma_wait3A_70, %dma_wait3A_71] : memref<10112x128xf32, #tpu.memory_space<vmem_shared>> -> memref<10112x128xf32, #tpu.memory_space<vmem_shared>>
        tpu.wait_indirect_dma semaphore(%arg16 : memref<!tpu.dma_semaphore, #tpu.memory_space<semaphore_mem>>) src(%arg11 : memref<128x128xf32, #tpu.memory_space<vmem>>) dst(%dma_wait3A_72 : memref<10112x128xf32, #tpu.memory_space<vmem_shared>>)
        %add3A_73 = arith.constant 1 : i32
        %add3A_74 = arith.addi %scan3A_39, %add3A_73 : i32
        %lt3A = arith.constant 32 : i32
        %lt3A_75 = arith.cmpi slt, %add3A_74, %lt3A : i32
        %convert_element_type3A_76 = arith.extui %lt3A_75 : i1 to i32
        %cond3A_77 = arith.constant 0 : i32
        %cond3A_78 = arith.cmpi ne, %convert_element_type3A_76, %cond3A_77 : i32
        scf.if %cond3A_78 {
          %add3A_81 = arith.constant 2 : i32
          %add3A_82 = arith.addi %mul3A_41, %add3A_81 : i32
          %dma_start3A_83 = arith.constant 0 : i32
          %dma_start3A_84 = tpu.memref_slice %arg9[%add3A_82, %dma_start3A_83] : memref<64x128xi32, #tpu.memory_space<vmem>> -> memref<1x128xi32, #tpu.memory_space<vmem>>
          %dma_start3A_85 = tpu.memref_squeeze %dma_start3A_84 : memref<1x128xi32, #tpu.memory_space<vmem>> -> memref<128xi32, #tpu.memory_space<vmem>>
          %dma_start3A_86 = arith.constant 0 : i32
          %dma_start3A_87 = arith.constant 0 : i32
          %dma_start3A_88 = tpu.memref_slice %arg2[%dma_start3A_86, %dma_start3A_87] : memref<10000x128xf32, #tpu.memory_space<hbm>> -> memref<10000x128xf32, #tpu.memory_space<hbm>>
          tpu.enqueue_indirect_dma source(%dma_start3A_88 : memref<10000x128xf32, #tpu.memory_space<hbm>>) target(%arg11 : memref<128x128xf32, #tpu.memory_space<vmem>>) offsets(%dma_start3A_85 : memref<128xi32, #tpu.memory_space<vmem>>) semaphore(%arg14 : memref<!tpu.dma_semaphore, #tpu.memory_space<semaphore_mem>>)
        } else {
        }
        %add3A_79 = arith.constant 1 : i32
        %add3A_80 = arith.addi %mul3A_41, %add3A_79 : i32
        "tpu.region"() ({
          %run_scoped3A = tpu.sem_alloc : memref<!tpu.dma_semaphore, #tpu.memory_space<semaphore_mem>>
          %dma_start3A_81 = arith.constant 0 : i32
          %dma_start3A_82 = tpu.memref_slice %arg10[%add3A_80, %dma_start3A_81] : memref<64x128xi32, #tpu.memory_space<vmem>> -> memref<1x128xi32, #tpu.memory_space<vmem>>
          %dma_start3A_83 = tpu.memref_squeeze %dma_start3A_82 : memref<1x128xi32, #tpu.memory_space<vmem>> -> memref<128xi32, #tpu.memory_space<vmem>>
          %dma_start3A_84 = arith.constant 0 : i32
          %dma_start3A_85 = arith.constant 0 : i32
          %dma_start3A_86 = tpu.memref_slice %arg13[%dma_start3A_84, %dma_start3A_85] : memref<10112x128xf32, #tpu.memory_space<vmem_shared>> -> memref<10112x128xf32, #tpu.memory_space<vmem_shared>>
          tpu.enqueue_indirect_dma source(%arg12 : memref<128x128xf32, #tpu.memory_space<vmem>>) target(%dma_start3A_86 : memref<10112x128xf32, #tpu.memory_space<vmem_shared>>) offsets(%dma_start3A_83 : memref<128xi32, #tpu.memory_space<vmem>>) semaphore(%run_scoped3A : memref<!tpu.dma_semaphore, #tpu.memory_space<semaphore_mem>>) {add = true}
          %dma_wait3A_87 = arith.constant 0 : i32
          %dma_wait3A_88 = tpu.memref_slice %arg10[%add3A_80, %dma_wait3A_87] : memref<64x128xi32, #tpu.memory_space<vmem>> -> memref<1x128xi32, #tpu.memory_space<vmem>>
          %dma_wait3A_89 = tpu.memref_squeeze %dma_wait3A_88 : memref<1x128xi32, #tpu.memory_space<vmem>> -> memref<128xi32, #tpu.memory_space<vmem>>
          %dma_wait3A_90 = arith.constant 0 : i32
          %dma_wait3A_91 = arith.constant 0 : i32
          %dma_wait3A_92 = tpu.memref_slice %arg13[%dma_wait3A_90, %dma_wait3A_91] : memref<10112x128xf32, #tpu.memory_space<vmem_shared>> -> memref<10112x128xf32, #tpu.memory_space<vmem_shared>>
          tpu.wait_indirect_dma semaphore(%run_scoped3A : memref<!tpu.dma_semaphore, #tpu.memory_space<semaphore_mem>>) src(%arg12 : memref<128x128xf32, #tpu.memory_space<vmem>>) dst(%dma_wait3A_92 : memref<10112x128xf32, #tpu.memory_space<vmem_shared>>)
          tpu.yield
        }) : () -> ()
      }
      %scan3A_25 = arith.constant 32 : i32
      "tpu.region"() ({
        %run_scoped3A = tpu.sem_alloc : memref<!tpu.dma_semaphore, #tpu.memory_space<semaphore_mem>>
        %dma_start3A_39 = arith.constant 0 : i32
        %dma_start3A_40 = arith.constant 0 : i32
        %dma_start3A_41 = tpu.memref_slice %arg9[%dma_start3A_39, %dma_start3A_40] : memref<64x128xi32, #tpu.memory_space<vmem>> -> memref<64x128xi32, #tpu.memory_space<vmem>>
        %dma_start3A_42 = arith.constant 64 : i32
        %dma_start3A_43 = arith.constant 0 : i32
        %dma_start3A_44 = tpu.memref_slice %arg3[%arg1, %dma_start3A_42, %dma_start3A_43] : memref<16x128x128xi32, #tpu.memory_space<hbm>> -> memref<1x64x128xi32, #tpu.memory_space<hbm>>
        %dma_start3A_45 = tpu.memref_squeeze %dma_start3A_44 : memref<1x64x128xi32, #tpu.memory_space<hbm>> -> memref<64x128xi32, #tpu.memory_space<hbm>>
        %dma_start3A_46 = arith.constant 0 : i32
        %dma_start3A_47 = arith.constant 0 : i32
        %dma_start3A_48 = tpu.memref_slice %arg9[%dma_start3A_46, %dma_start3A_47] : memref<64x128xi32, #tpu.memory_space<vmem>> -> memref<64x128xi32, #tpu.memory_space<vmem>>
        %dma_start3A_49 = arith.constant 64 : i32
        %dma_start3A_50 = arith.constant 0 : i32
        %dma_start3A_51 = tpu.memref_slice %arg3[%arg1, %dma_start3A_49, %dma_start3A_50] : memref<16x128x128xi32, #tpu.memory_space<hbm>> -> memref<1x64x128xi32, #tpu.memory_space<hbm>>
        %dma_start3A_52 = tpu.memref_squeeze %dma_start3A_51 : memref<1x64x128xi32, #tpu.memory_space<hbm>> -> memref<64x128xi32, #tpu.memory_space<hbm>>
        tpu.enqueue_dma source(%dma_start3A_52 : memref<64x128xi32, #tpu.memory_space<hbm>>) target(%dma_start3A_48 : memref<64x128xi32, #tpu.memory_space<vmem>>) target_semaphore(%run_scoped3A : memref<!tpu.dma_semaphore, #tpu.memory_space<semaphore_mem>>)
        %dma_wait3A = arith.constant 0 : i32
        %dma_wait3A_53 = arith.constant 0 : i32
        %dma_wait3A_54 = tpu.memref_slice %arg9[%dma_wait3A, %dma_wait3A_53] : memref<64x128xi32, #tpu.memory_space<vmem>> -> memref<64x128xi32, #tpu.memory_space<vmem>>
        %dma_wait3A_55 = arith.constant 64 : i32
        %dma_wait3A_56 = arith.constant 0 : i32
        %dma_wait3A_57 = tpu.memref_slice %arg3[%arg1, %dma_wait3A_55, %dma_wait3A_56] : memref<16x128x128xi32, #tpu.memory_space<hbm>> -> memref<1x64x128xi32, #tpu.memory_space<hbm>>
        %dma_wait3A_58 = tpu.memref_squeeze %dma_wait3A_57 : memref<1x64x128xi32, #tpu.memory_space<hbm>> -> memref<64x128xi32, #tpu.memory_space<hbm>>
        %dma_wait3A_59 = arith.constant 0 : i32
        %dma_wait3A_60 = arith.constant 0 : i32
        %dma_wait3A_61 = tpu.memref_slice %arg9[%dma_wait3A_59, %dma_wait3A_60] : memref<64x128xi32, #tpu.memory_space<vmem>> -> memref<64x128xi32, #tpu.memory_space<vmem>>
        %dma_wait3A_62 = arith.constant 64 : i32
        %dma_wait3A_63 = arith.constant 0 : i32
        %dma_wait3A_64 = tpu.memref_slice %arg3[%arg1, %dma_wait3A_62, %dma_wait3A_63] : memref<16x128x128xi32, #tpu.memory_space<hbm>> -> memref<1x64x128xi32, #tpu.memory_space<hbm>>
        %dma_wait3A_65 = tpu.memref_squeeze %dma_wait3A_64 : memref<1x64x128xi32, #tpu.memory_space<hbm>> -> memref<64x128xi32, #tpu.memory_space<hbm>>
        tpu.wait_dma2 semaphore(%run_scoped3A : memref<!tpu.dma_semaphore, #tpu.memory_space<semaphore_mem>>) src(%dma_wait3A_65 : memref<64x128xi32, #tpu.memory_space<hbm>>) dst(%dma_wait3A_61 : memref<64x128xi32, #tpu.memory_space<vmem>>)
        tpu.yield
      }) : () -> ()
      "tpu.region"() ({
        %run_scoped3A = tpu.sem_alloc : memref<!tpu.dma_semaphore, #tpu.memory_space<semaphore_mem>>
        %dma_start3A_39 = arith.constant 0 : i32
        %dma_start3A_40 = arith.constant 0 : i32
        %dma_start3A_41 = tpu.memref_slice %arg10[%dma_start3A_39, %dma_start3A_40] : memref<64x128xi32, #tpu.memory_space<vmem>> -> memref<64x128xi32, #tpu.memory_space<vmem>>
        %dma_start3A_42 = arith.constant 64 : i32
        %dma_start3A_43 = arith.constant 0 : i32
        %dma_start3A_44 = tpu.memref_slice %arg4[%arg1, %dma_start3A_42, %dma_start3A_43] : memref<16x128x128xi32, #tpu.memory_space<hbm>> -> memref<1x64x128xi32, #tpu.memory_space<hbm>>
        %dma_start3A_45 = tpu.memref_squeeze %dma_start3A_44 : memref<1x64x128xi32, #tpu.memory_space<hbm>> -> memref<64x128xi32, #tpu.memory_space<hbm>>
        %dma_start3A_46 = arith.constant 0 : i32
        %dma_start3A_47 = arith.constant 0 : i32
        %dma_start3A_48 = tpu.memref_slice %arg10[%dma_start3A_46, %dma_start3A_47] : memref<64x128xi32, #tpu.memory_space<vmem>> -> memref<64x128xi32, #tpu.memory_space<vmem>>
        %dma_start3A_49 = arith.constant 64 : i32
        %dma_start3A_50 = arith.constant 0 : i32
        %dma_start3A_51 = tpu.memref_slice %arg4[%arg1, %dma_start3A_49, %dma_start3A_50] : memref<16x128x128xi32, #tpu.memory_space<hbm>> -> memref<1x64x128xi32, #tpu.memory_space<hbm>>
        %dma_start3A_52 = tpu.memref_squeeze %dma_start3A_51 : memref<1x64x128xi32, #tpu.memory_space<hbm>> -> memref<64x128xi32, #tpu.memory_space<hbm>>
        tpu.enqueue_dma source(%dma_start3A_52 : memref<64x128xi32, #tpu.memory_space<hbm>>) target(%dma_start3A_48 : memref<64x128xi32, #tpu.memory_space<vmem>>) target_semaphore(%run_scoped3A : memref<!tpu.dma_semaphore, #tpu.memory_space<semaphore_mem>>)
        %dma_wait3A = arith.constant 0 : i32
        %dma_wait3A_53 = arith.constant 0 : i32
        %dma_wait3A_54 = tpu.memref_slice %arg10[%dma_wait3A, %dma_wait3A_53] : memref<64x128xi32, #tpu.memory_space<vmem>> -> memref<64x128xi32, #tpu.memory_space<vmem>>
        %dma_wait3A_55 = arith.constant 64 : i32
        %dma_wait3A_56 = arith.constant 0 : i32
        %dma_wait3A_57 = tpu.memref_slice %arg4[%arg1, %dma_wait3A_55, %dma_wait3A_56] : memref<16x128x128xi32, #tpu.memory_space<hbm>> -> memref<1x64x128xi32, #tpu.memory_space<hbm>>
        %dma_wait3A_58 = tpu.memref_squeeze %dma_wait3A_57 : memref<1x64x128xi32, #tpu.memory_space<hbm>> -> memref<64x128xi32, #tpu.memory_space<hbm>>
        %dma_wait3A_59 = arith.constant 0 : i32
        %dma_wait3A_60 = arith.constant 0 : i32
        %dma_wait3A_61 = tpu.memref_slice %arg10[%dma_wait3A_59, %dma_wait3A_60] : memref<64x128xi32, #tpu.memory_space<vmem>> -> memref<64x128xi32, #tpu.memory_space<vmem>>
        %dma_wait3A_62 = arith.constant 64 : i32
        %dma_wait3A_63 = arith.constant 0 : i32
        %dma_wait3A_64 = tpu.memref_slice %arg4[%arg1, %dma_wait3A_62, %dma_wait3A_63] : memref<16x128x128xi32, #tpu.memory_space<hbm>> -> memref<1x64x128xi32, #tpu.memory_space<hbm>>
        %dma_wait3A_65 = tpu.memref_squeeze %dma_wait3A_64 : memref<1x64x128xi32, #tpu.memory_space<hbm>> -> memref<64x128xi32, #tpu.memory_space<hbm>>
        tpu.wait_dma2 semaphore(%run_scoped3A : memref<!tpu.dma_semaphore, #tpu.memory_space<semaphore_mem>>) src(%dma_wait3A_65 : memref<64x128xi32, #tpu.memory_space<hbm>>) dst(%dma_wait3A_61 : memref<64x128xi32, #tpu.memory_space<vmem>>)
        tpu.yield
      }) : () -> ()
      %dma_start3A_26 = arith.constant 0 : i32
      %dma_start3A_27 = arith.constant 0 : i32
      %dma_start3A_28 = tpu.memref_slice %arg9[%dma_start3A_26, %dma_start3A_27] : memref<64x128xi32, #tpu.memory_space<vmem>> -> memref<1x128xi32, #tpu.memory_space<vmem>>
      %dma_start3A_29 = tpu.memref_squeeze %dma_start3A_28 : memref<1x128xi32, #tpu.memory_space<vmem>> -> memref<128xi32, #tpu.memory_space<vmem>>
      %dma_start3A_30 = arith.constant 0 : i32
      %dma_start3A_31 = arith.constant 0 : i32
      %dma_start3A_32 = tpu.memref_slice %arg2[%dma_start3A_30, %dma_start3A_31] : memref<10000x128xf32, #tpu.memory_space<hbm>> -> memref<10000x128xf32, #tpu.memory_space<hbm>>
      tpu.enqueue_indirect_dma source(%dma_start3A_32 : memref<10000x128xf32, #tpu.memory_space<hbm>>) target(%arg11 : memref<128x128xf32, #tpu.memory_space<vmem>>) offsets(%dma_start3A_29 : memref<128xi32, #tpu.memory_space<vmem>>) semaphore(%arg14 : memref<!tpu.dma_semaphore, #tpu.memory_space<semaphore_mem>>)
      %scan3A_33 = arith.constant 0 : i32
      %scan3A_34 = arith.constant 0 : i32
      %scan3A_35 = arith.constant 32 : i32
      %scan3A_36 = arith.addi %scan3A_34, %scan3A_35 : i32
      %scan3A_37 = arith.constant 1 : i32
      scf.for %scan3A_39 = %scan3A_34 to %scan3A_36 step %scan3A_37  : i32 {
        %mul3A_40 = arith.constant 2 : i32
        %mul3A_41 = arith.muli %scan3A_39, %mul3A_40 : i32
        %dma_wait3A = arith.constant 0 : i32
        %dma_wait3A_42 = tpu.memref_slice %arg9[%mul3A_41, %dma_wait3A] : memref<64x128xi32, #tpu.memory_space<vmem>> -> memref<1x128xi32, #tpu.memory_space<vmem>>
        %dma_wait3A_43 = tpu.memref_squeeze %dma_wait3A_42 : memref<1x128xi32, #tpu.memory_space<vmem>> -> memref<128xi32, #tpu.memory_space<vmem>>
        %dma_wait3A_44 = arith.constant 0 : i32
        %dma_wait3A_45 = arith.constant 0 : i32
        %dma_wait3A_46 = tpu.memref_slice %arg2[%dma_wait3A_44, %dma_wait3A_45] : memref<10000x128xf32, #tpu.memory_space<hbm>> -> memref<10000x128xf32, #tpu.memory_space<hbm>>
        tpu.wait_indirect_dma semaphore(%arg14 : memref<!tpu.dma_semaphore, #tpu.memory_space<semaphore_mem>>) src(%dma_wait3A_46 : memref<10000x128xf32, #tpu.memory_space<hbm>>) dst(%arg11 : memref<128x128xf32, #tpu.memory_space<vmem>>)
        %add3A_47 = arith.constant 1 : i32
        %add3A_48 = arith.addi %mul3A_41, %add3A_47 : i32
        %dma_start3A_49 = arith.constant 0 : i32
        %dma_start3A_50 = tpu.memref_slice %arg9[%add3A_48, %dma_start3A_49] : memref<64x128xi32, #tpu.memory_space<vmem>> -> memref<1x128xi32, #tpu.memory_space<vmem>>
        %dma_start3A_51 = tpu.memref_squeeze %dma_start3A_50 : memref<1x128xi32, #tpu.memory_space<vmem>> -> memref<128xi32, #tpu.memory_space<vmem>>
        %dma_start3A_52 = arith.constant 0 : i32
        %dma_start3A_53 = arith.constant 0 : i32
        %dma_start3A_54 = tpu.memref_slice %arg2[%dma_start3A_52, %dma_start3A_53] : memref<10000x128xf32, #tpu.memory_space<hbm>> -> memref<10000x128xf32, #tpu.memory_space<hbm>>
        tpu.enqueue_indirect_dma source(%dma_start3A_54 : memref<10000x128xf32, #tpu.memory_space<hbm>>) target(%arg12 : memref<128x128xf32, #tpu.memory_space<vmem>>) offsets(%dma_start3A_51 : memref<128xi32, #tpu.memory_space<vmem>>) semaphore(%arg15 : memref<!tpu.dma_semaphore, #tpu.memory_space<semaphore_mem>>)
        %dma_start3A_55 = arith.constant 0 : i32
        %dma_start3A_56 = tpu.memref_slice %arg10[%mul3A_41, %dma_start3A_55] : memref<64x128xi32, #tpu.memory_space<vmem>> -> memref<1x128xi32, #tpu.memory_space<vmem>>
        %dma_start3A_57 = tpu.memref_squeeze %dma_start3A_56 : memref<1x128xi32, #tpu.memory_space<vmem>> -> memref<128xi32, #tpu.memory_space<vmem>>
        %dma_start3A_58 = arith.constant 0 : i32
        %dma_start3A_59 = arith.constant 0 : i32
        %dma_start3A_60 = tpu.memref_slice %arg13[%dma_start3A_58, %dma_start3A_59] : memref<10112x128xf32, #tpu.memory_space<vmem_shared>> -> memref<10112x128xf32, #tpu.memory_space<vmem_shared>>
        tpu.enqueue_indirect_dma source(%arg11 : memref<128x128xf32, #tpu.memory_space<vmem>>) target(%dma_start3A_60 : memref<10112x128xf32, #tpu.memory_space<vmem_shared>>) offsets(%dma_start3A_57 : memref<128xi32, #tpu.memory_space<vmem>>) semaphore(%arg16 : memref<!tpu.dma_semaphore, #tpu.memory_space<semaphore_mem>>) {add = true}
        %dma_wait3A_61 = arith.constant 0 : i32
        %dma_wait3A_62 = tpu.memref_slice %arg9[%mul3A_41, %dma_wait3A_61] : memref<64x128xi32, #tpu.memory_space<vmem>> -> memref<1x128xi32, #tpu.memory_space<vmem>>
        %dma_wait3A_63 = tpu.memref_squeeze %dma_wait3A_62 : memref<1x128xi32, #tpu.memory_space<vmem>> -> memref<128xi32, #tpu.memory_space<vmem>>
        %dma_wait3A_64 = arith.constant 0 : i32
        %dma_wait3A_65 = arith.constant 0 : i32
        %dma_wait3A_66 = tpu.memref_slice %arg2[%dma_wait3A_64, %dma_wait3A_65] : memref<10000x128xf32, #tpu.memory_space<hbm>> -> memref<10000x128xf32, #tpu.memory_space<hbm>>
        tpu.wait_indirect_dma semaphore(%arg15 : memref<!tpu.dma_semaphore, #tpu.memory_space<semaphore_mem>>) src(%dma_wait3A_66 : memref<10000x128xf32, #tpu.memory_space<hbm>>) dst(%arg12 : memref<128x128xf32, #tpu.memory_space<vmem>>)
        %dma_wait3A_67 = arith.constant 0 : i32
        %dma_wait3A_68 = tpu.memref_slice %arg10[%mul3A_41, %dma_wait3A_67] : memref<64x128xi32, #tpu.memory_space<vmem>> -> memref<1x128xi32, #tpu.memory_space<vmem>>
        %dma_wait3A_69 = tpu.memref_squeeze %dma_wait3A_68 : memref<1x128xi32, #tpu.memory_space<vmem>> -> memref<128xi32, #tpu.memory_space<vmem>>
        %dma_wait3A_70 = arith.constant 0 : i32
        %dma_wait3A_71 = arith.constant 0 : i32
        %dma_wait3A_72 = tpu.memref_slice %arg13[%dma_wait3A_70, %dma_wait3A_71] : memref<10112x128xf32, #tpu.memory_space<vmem_shared>> -> memref<10112x128xf32, #tpu.memory_space<vmem_shared>>
        tpu.wait_indirect_dma semaphore(%arg16 : memref<!tpu.dma_semaphore, #tpu.memory_space<semaphore_mem>>) src(%arg11 : memref<128x128xf32, #tpu.memory_space<vmem>>) dst(%dma_wait3A_72 : memref<10112x128xf32, #tpu.memory_space<vmem_shared>>)
        %add3A_73 = arith.constant 1 : i32
        %add3A_74 = arith.addi %scan3A_39, %add3A_73 : i32
        %lt3A = arith.constant 32 : i32
        %lt3A_75 = arith.cmpi slt, %add3A_74, %lt3A : i32
        %convert_element_type3A_76 = arith.extui %lt3A_75 : i1 to i32
        %cond3A_77 = arith.constant 0 : i32
        %cond3A_78 = arith.cmpi ne, %convert_element_type3A_76, %cond3A_77 : i32
        scf.if %cond3A_78 {
          %add3A_81 = arith.constant 2 : i32
          %add3A_82 = arith.addi %mul3A_41, %add3A_81 : i32
          %dma_start3A_83 = arith.constant 0 : i32
          %dma_start3A_84 = tpu.memref_slice %arg9[%add3A_82, %dma_start3A_83] : memref<64x128xi32, #tpu.memory_space<vmem>> -> memref<1x128xi32, #tpu.memory_space<vmem>>
          %dma_start3A_85 = tpu.memref_squeeze %dma_start3A_84 : memref<1x128xi32, #tpu.memory_space<vmem>> -> memref<128xi32, #tpu.memory_space<vmem>>
          %dma_start3A_86 = arith.constant 0 : i32
          %dma_start3A_87 = arith.constant 0 : i32
          %dma_start3A_88 = tpu.memref_slice %arg2[%dma_start3A_86, %dma_start3A_87] : memref<10000x128xf32, #tpu.memory_space<hbm>> -> memref<10000x128xf32, #tpu.memory_space<hbm>>
          tpu.enqueue_indirect_dma source(%dma_start3A_88 : memref<10000x128xf32, #tpu.memory_space<hbm>>) target(%arg11 : memref<128x128xf32, #tpu.memory_space<vmem>>) offsets(%dma_start3A_85 : memref<128xi32, #tpu.memory_space<vmem>>) semaphore(%arg14 : memref<!tpu.dma_semaphore, #tpu.memory_space<semaphore_mem>>)
        } else {
        }
        %add3A_79 = arith.constant 1 : i32
        %add3A_80 = arith.addi %mul3A_41, %add3A_79 : i32
        "tpu.region"() ({
          %run_scoped3A = tpu.sem_alloc : memref<!tpu.dma_semaphore, #tpu.memory_space<semaphore_mem>>
          %dma_start3A_81 = arith.constant 0 : i32
          %dma_start3A_82 = tpu.memref_slice %arg10[%add3A_80, %dma_start3A_81] : memref<64x128xi32, #tpu.memory_space<vmem>> -> memref<1x128xi32, #tpu.memory_space<vmem>>
          %dma_start3A_83 = tpu.memref_squeeze %dma_start3A_82 : memref<1x128xi32, #tpu.memory_space<vmem>> -> memref<128xi32, #tpu.memory_space<vmem>>
          %dma_start3A_84 = arith.constant 0 : i32
          %dma_start3A_85 = arith.constant 0 : i32
          %dma_start3A_86 = tpu.memref_slice %arg13[%dma_start3A_84, %dma_start3A_85] : memref<10112x128xf32, #tpu.memory_space<vmem_shared>> -> memref<10112x128xf32, #tpu.memory_space<vmem_shared>>
          tpu.enqueue_indirect_dma source(%arg12 : memref<128x128xf32, #tpu.memory_space<vmem>>) target(%dma_start3A_86 : memref<10112x128xf32, #tpu.memory_space<vmem_shared>>) offsets(%dma_start3A_83 : memref<128xi32, #tpu.memory_space<vmem>>) semaphore(%run_scoped3A : memref<!tpu.dma_semaphore, #tpu.memory_space<semaphore_mem>>) {add = true}
          %dma_wait3A_87 = arith.constant 0 : i32
          %dma_wait3A_88 = tpu.memref_slice %arg10[%add3A_80, %dma_wait3A_87] : memref<64x128xi32, #tpu.memory_space<vmem>> -> memref<1x128xi32, #tpu.memory_space<vmem>>
          %dma_wait3A_89 = tpu.memref_squeeze %dma_wait3A_88 : memref<1x128xi32, #tpu.memory_space<vmem>> -> memref<128xi32, #tpu.memory_space<vmem>>
          %dma_wait3A_90 = arith.constant 0 : i32
          %dma_wait3A_91 = arith.constant 0 : i32
          %dma_wait3A_92 = tpu.memref_slice %arg13[%dma_wait3A_90, %dma_wait3A_91] : memref<10112x128xf32, #tpu.memory_space<vmem_shared>> -> memref<10112x128xf32, #tpu.memory_space<vmem_shared>>
          tpu.wait_indirect_dma semaphore(%run_scoped3A : memref<!tpu.dma_semaphore, #tpu.memory_space<semaphore_mem>>) src(%arg12 : memref<128x128xf32, #tpu.memory_space<vmem>>) dst(%dma_wait3A_92 : memref<10112x128xf32, #tpu.memory_space<vmem_shared>>)
          tpu.yield
        }) : () -> ()
      }
      %scan3A_38 = arith.constant 32 : i32
    } else {
    }
    %eq3A_3 = arith.constant 1 : i32
    %eq3A_4 = arith.cmpi eq, %arg0, %eq3A_3 : i32
    %convert_element_type3A_5 = arith.extui %eq3A_4 : i1 to i32
    %cond3A_6 = arith.constant 0 : i32
    %cond3A_7 = arith.cmpi ne, %convert_element_type3A_5, %cond3A_6 : i32
    scf.if %cond3A_7 {
      "tpu.region"() ({
        %run_scoped3A = tpu.sem_alloc : memref<!tpu.dma_semaphore, #tpu.memory_space<semaphore_mem>>
        %dma_start3A = arith.constant 0 : i32
        %dma_start3A_20 = arith.constant 0 : i32
        %dma_start3A_21 = tpu.memref_slice %arg9[%dma_start3A, %dma_start3A_20] : memref<64x128xi32, #tpu.memory_space<vmem>> -> memref<30x128xi32, #tpu.memory_space<vmem>>
        %dma_start3A_22 = arith.constant 0 : i32
        %dma_start3A_23 = arith.constant 0 : i32
        %dma_start3A_24 = tpu.memref_slice %arg5[%arg1, %dma_start3A_22, %dma_start3A_23] : memref<16x30x128xi32, #tpu.memory_space<hbm>> -> memref<1x30x128xi32, #tpu.memory_space<hbm>>
        %dma_start3A_25 = tpu.memref_squeeze %dma_start3A_24 : memref<1x30x128xi32, #tpu.memory_space<hbm>> -> memref<30x128xi32, #tpu.memory_space<hbm>>
        %dma_start3A_26 = arith.constant 0 : i32
        %dma_start3A_27 = arith.constant 0 : i32
        %dma_start3A_28 = tpu.memref_slice %arg9[%dma_start3A_26, %dma_start3A_27] : memref<64x128xi32, #tpu.memory_space<vmem>> -> memref<30x128xi32, #tpu.memory_space<vmem>>
        %dma_start3A_29 = arith.constant 0 : i32
        %dma_start3A_30 = arith.constant 0 : i32
        %dma_start3A_31 = tpu.memref_slice %arg5[%arg1, %dma_start3A_29, %dma_start3A_30] : memref<16x30x128xi32, #tpu.memory_space<hbm>> -> memref<1x30x128xi32, #tpu.memory_space<hbm>>
        %dma_start3A_32 = tpu.memref_squeeze %dma_start3A_31 : memref<1x30x128xi32, #tpu.memory_space<hbm>> -> memref<30x128xi32, #tpu.memory_space<hbm>>
        tpu.enqueue_dma source(%dma_start3A_32 : memref<30x128xi32, #tpu.memory_space<hbm>>) target(%dma_start3A_28 : memref<30x128xi32, #tpu.memory_space<vmem>>) target_semaphore(%run_scoped3A : memref<!tpu.dma_semaphore, #tpu.memory_space<semaphore_mem>>)
        %dma_wait3A = arith.constant 0 : i32
        %dma_wait3A_33 = arith.constant 0 : i32
        %dma_wait3A_34 = tpu.memref_slice %arg9[%dma_wait3A, %dma_wait3A_33] : memref<64x128xi32, #tpu.memory_space<vmem>> -> memref<30x128xi32, #tpu.memory_space<vmem>>
        %dma_wait3A_35 = arith.constant 0 : i32
        %dma_wait3A_36 = arith.constant 0 : i32
        %dma_wait3A_37 = tpu.memref_slice %arg5[%arg1, %dma_wait3A_35, %dma_wait3A_36] : memref<16x30x128xi32, #tpu.memory_space<hbm>> -> memref<1x30x128xi32, #tpu.memory_space<hbm>>
        %dma_wait3A_38 = tpu.memref_squeeze %dma_wait3A_37 : memref<1x30x128xi32, #tpu.memory_space<hbm>> -> memref<30x128xi32, #tpu.memory_space<hbm>>
        %dma_wait3A_39 = arith.constant 0 : i32
        %dma_wait3A_40 = arith.constant 0 : i32
        %dma_wait3A_41 = tpu.memref_slice %arg9[%dma_wait3A_39, %dma_wait3A_40] : memref<64x128xi32, #tpu.memory_space<vmem>> -> memref<30x128xi32, #tpu.memory_space<vmem>>
        %dma_wait3A_42 = arith.constant 0 : i32
        %dma_wait3A_43 = arith.constant 0 : i32
        %dma_wait3A_44 = tpu.memref_slice %arg5[%arg1, %dma_wait3A_42, %dma_wait3A_43] : memref<16x30x128xi32, #tpu.memory_space<hbm>> -> memref<1x30x128xi32, #tpu.memory_space<hbm>>
        %dma_wait3A_45 = tpu.memref_squeeze %dma_wait3A_44 : memref<1x30x128xi32, #tpu.memory_space<hbm>> -> memref<30x128xi32, #tpu.memory_space<hbm>>
        tpu.wait_dma2 semaphore(%run_scoped3A : memref<!tpu.dma_semaphore, #tpu.memory_space<semaphore_mem>>) src(%dma_wait3A_45 : memref<30x128xi32, #tpu.memory_space<hbm>>) dst(%dma_wait3A_41 : memref<30x128xi32, #tpu.memory_space<vmem>>)
        tpu.yield
      }) : () -> ()
      "tpu.region"() ({
        %run_scoped3A = tpu.sem_alloc : memref<!tpu.dma_semaphore, #tpu.memory_space<semaphore_mem>>
        %dma_start3A = arith.constant 0 : i32
        %dma_start3A_20 = arith.constant 0 : i32
        %dma_start3A_21 = tpu.memref_slice %arg10[%dma_start3A, %dma_start3A_20] : memref<64x128xi32, #tpu.memory_space<vmem>> -> memref<30x128xi32, #tpu.memory_space<vmem>>
        %dma_start3A_22 = arith.constant 0 : i32
        %dma_start3A_23 = arith.constant 0 : i32
        %dma_start3A_24 = tpu.memref_slice %arg6[%arg1, %dma_start3A_22, %dma_start3A_23] : memref<16x30x128xi32, #tpu.memory_space<hbm>> -> memref<1x30x128xi32, #tpu.memory_space<hbm>>
        %dma_start3A_25 = tpu.memref_squeeze %dma_start3A_24 : memref<1x30x128xi32, #tpu.memory_space<hbm>> -> memref<30x128xi32, #tpu.memory_space<hbm>>
        %dma_start3A_26 = arith.constant 0 : i32
        %dma_start3A_27 = arith.constant 0 : i32
        %dma_start3A_28 = tpu.memref_slice %arg10[%dma_start3A_26, %dma_start3A_27] : memref<64x128xi32, #tpu.memory_space<vmem>> -> memref<30x128xi32, #tpu.memory_space<vmem>>
        %dma_start3A_29 = arith.constant 0 : i32
        %dma_start3A_30 = arith.constant 0 : i32
        %dma_start3A_31 = tpu.memref_slice %arg6[%arg1, %dma_start3A_29, %dma_start3A_30] : memref<16x30x128xi32, #tpu.memory_space<hbm>> -> memref<1x30x128xi32, #tpu.memory_space<hbm>>
        %dma_start3A_32 = tpu.memref_squeeze %dma_start3A_31 : memref<1x30x128xi32, #tpu.memory_space<hbm>> -> memref<30x128xi32, #tpu.memory_space<hbm>>
        tpu.enqueue_dma source(%dma_start3A_32 : memref<30x128xi32, #tpu.memory_space<hbm>>) target(%dma_start3A_28 : memref<30x128xi32, #tpu.memory_space<vmem>>) target_semaphore(%run_scoped3A : memref<!tpu.dma_semaphore, #tpu.memory_space<semaphore_mem>>)
        %dma_wait3A = arith.constant 0 : i32
        %dma_wait3A_33 = arith.constant 0 : i32
        %dma_wait3A_34 = tpu.memref_slice %arg10[%dma_wait3A, %dma_wait3A_33] : memref<64x128xi32, #tpu.memory_space<vmem>> -> memref<30x128xi32, #tpu.memory_space<vmem>>
        %dma_wait3A_35 = arith.constant 0 : i32
        %dma_wait3A_36 = arith.constant 0 : i32
        %dma_wait3A_37 = tpu.memref_slice %arg6[%arg1, %dma_wait3A_35, %dma_wait3A_36] : memref<16x30x128xi32, #tpu.memory_space<hbm>> -> memref<1x30x128xi32, #tpu.memory_space<hbm>>
        %dma_wait3A_38 = tpu.memref_squeeze %dma_wait3A_37 : memref<1x30x128xi32, #tpu.memory_space<hbm>> -> memref<30x128xi32, #tpu.memory_space<hbm>>
        %dma_wait3A_39 = arith.constant 0 : i32
        %dma_wait3A_40 = arith.constant 0 : i32
        %dma_wait3A_41 = tpu.memref_slice %arg10[%dma_wait3A_39, %dma_wait3A_40] : memref<64x128xi32, #tpu.memory_space<vmem>> -> memref<30x128xi32, #tpu.memory_space<vmem>>
        %dma_wait3A_42 = arith.constant 0 : i32
        %dma_wait3A_43 = arith.constant 0 : i32
        %dma_wait3A_44 = tpu.memref_slice %arg6[%arg1, %dma_wait3A_42, %dma_wait3A_43] : memref<16x30x128xi32, #tpu.memory_space<hbm>> -> memref<1x30x128xi32, #tpu.memory_space<hbm>>
        %dma_wait3A_45 = tpu.memref_squeeze %dma_wait3A_44 : memref<1x30x128xi32, #tpu.memory_space<hbm>> -> memref<30x128xi32, #tpu.memory_space<hbm>>
        tpu.wait_dma2 semaphore(%run_scoped3A : memref<!tpu.dma_semaphore, #tpu.memory_space<semaphore_mem>>) src(%dma_wait3A_45 : memref<30x128xi32, #tpu.memory_space<hbm>>) dst(%dma_wait3A_41 : memref<30x128xi32, #tpu.memory_space<vmem>>)
        tpu.yield
      }) : () -> ()
      %scan3A = arith.constant 0 : i32
      %scan3A_15 = arith.constant 0 : i32
      %scan3A_16 = arith.constant 30 : i32
      %scan3A_17 = arith.addi %scan3A_15, %scan3A_16 : i32
      %scan3A_18 = arith.constant 1 : i32
      scf.for %scan3A_20 = %scan3A_15 to %scan3A_17 step %scan3A_18  : i32 {
        %dma_start3A = arith.constant 0 : i32
        %dma_start3A_21 = tpu.memref_slice %arg9[%scan3A_20, %dma_start3A] : memref<64x128xi32, #tpu.memory_space<vmem>> -> memref<1x128xi32, #tpu.memory_space<vmem>>
        %dma_start3A_22 = tpu.memref_squeeze %dma_start3A_21 : memref<1x128xi32, #tpu.memory_space<vmem>> -> memref<128xi32, #tpu.memory_space<vmem>>
        %dma_start3A_23 = arith.constant 0 : i32
        %dma_start3A_24 = arith.constant 0 : i32
        %dma_start3A_25 = tpu.memref_slice %arg2[%dma_start3A_23, %dma_start3A_24] : memref<10000x128xf32, #tpu.memory_space<hbm>> -> memref<10000x128xf32, #tpu.memory_space<hbm>>
        tpu.enqueue_indirect_dma source(%dma_start3A_25 : memref<10000x128xf32, #tpu.memory_space<hbm>>) target(%arg11 : memref<128x128xf32, #tpu.memory_space<vmem>>) offsets(%dma_start3A_22 : memref<128xi32, #tpu.memory_space<vmem>>) semaphore(%arg14 : memref<!tpu.dma_semaphore, #tpu.memory_space<semaphore_mem>>)
        %dma_wait3A = arith.constant 0 : i32
        %dma_wait3A_26 = tpu.memref_slice %arg9[%scan3A_20, %dma_wait3A] : memref<64x128xi32, #tpu.memory_space<vmem>> -> memref<1x128xi32, #tpu.memory_space<vmem>>
        %dma_wait3A_27 = tpu.memref_squeeze %dma_wait3A_26 : memref<1x128xi32, #tpu.memory_space<vmem>> -> memref<128xi32, #tpu.memory_space<vmem>>
        %dma_wait3A_28 = arith.constant 0 : i32
        %dma_wait3A_29 = arith.constant 0 : i32
        %dma_wait3A_30 = tpu.memref_slice %arg2[%dma_wait3A_28, %dma_wait3A_29] : memref<10000x128xf32, #tpu.memory_space<hbm>> -> memref<10000x128xf32, #tpu.memory_space<hbm>>
        tpu.wait_indirect_dma semaphore(%arg14 : memref<!tpu.dma_semaphore, #tpu.memory_space<semaphore_mem>>) src(%dma_wait3A_30 : memref<10000x128xf32, #tpu.memory_space<hbm>>) dst(%arg11 : memref<128x128xf32, #tpu.memory_space<vmem>>)
        "tpu.region"() ({
          %run_scoped3A = tpu.sem_alloc : memref<!tpu.dma_semaphore, #tpu.memory_space<semaphore_mem>>
          %dma_start3A_31 = arith.constant 0 : i32
          %dma_start3A_32 = tpu.memref_slice %arg10[%scan3A_20, %dma_start3A_31] : memref<64x128xi32, #tpu.memory_space<vmem>> -> memref<1x128xi32, #tpu.memory_space<vmem>>
          %dma_start3A_33 = tpu.memref_squeeze %dma_start3A_32 : memref<1x128xi32, #tpu.memory_space<vmem>> -> memref<128xi32, #tpu.memory_space<vmem>>
          %dma_start3A_34 = arith.constant 0 : i32
          %dma_start3A_35 = arith.constant 0 : i32
          %dma_start3A_36 = tpu.memref_slice %arg13[%dma_start3A_34, %dma_start3A_35] : memref<10112x128xf32, #tpu.memory_space<vmem_shared>> -> memref<10112x128xf32, #tpu.memory_space<vmem_shared>>
          tpu.enqueue_indirect_dma source(%arg11 : memref<128x128xf32, #tpu.memory_space<vmem>>) target(%dma_start3A_36 : memref<10112x128xf32, #tpu.memory_space<vmem_shared>>) offsets(%dma_start3A_33 : memref<128xi32, #tpu.memory_space<vmem>>) semaphore(%run_scoped3A : memref<!tpu.dma_semaphore, #tpu.memory_space<semaphore_mem>>) {add = true}
          %dma_wait3A_37 = arith.constant 0 : i32
          %dma_wait3A_38 = tpu.memref_slice %arg10[%scan3A_20, %dma_wait3A_37] : memref<64x128xi32, #tpu.memory_space<vmem>> -> memref<1x128xi32, #tpu.memory_space<vmem>>
          %dma_wait3A_39 = tpu.memref_squeeze %dma_wait3A_38 : memref<1x128xi32, #tpu.memory_space<vmem>> -> memref<128xi32, #tpu.memory_space<vmem>>
          %dma_wait3A_40 = arith.constant 0 : i32
          %dma_wait3A_41 = arith.constant 0 : i32
          %dma_wait3A_42 = tpu.memref_slice %arg13[%dma_wait3A_40, %dma_wait3A_41] : memref<10112x128xf32, #tpu.memory_space<vmem_shared>> -> memref<10112x128xf32, #tpu.memory_space<vmem_shared>>
          tpu.wait_indirect_dma semaphore(%run_scoped3A : memref<!tpu.dma_semaphore, #tpu.memory_space<semaphore_mem>>) src(%arg11 : memref<128x128xf32, #tpu.memory_space<vmem>>) dst(%dma_wait3A_42 : memref<10112x128xf32, #tpu.memory_space<vmem_shared>>)
          tpu.yield
        }) : () -> ()
      }
      %scan3A_19 = arith.constant 30 : i32
    } else {
    }
    %barrier3A_8 = arith.constant 0 : index
    tpu.barrier barrier_id(%barrier3A_8)
    %mul3A_9 = arith.constant 632 : i32
    %mul3A_10 = arith.muli %arg1, %mul3A_9 : i32
    %mul3A_11 = arith.constant 10112 : i32
    %mul3A_12 = arith.muli %arg0, %mul3A_11 : i32
    %mul3A_13 = arith.constant 632 : i32
    %mul3A_14 = arith.muli %arg1, %mul3A_13 : i32
    %add3A = arith.addi %mul3A_12, %mul3A_14 : i32
    "tpu.region"() ({
      %run_scoped3A = tpu.sem_alloc : memref<!tpu.dma_semaphore, #tpu.memory_space<semaphore_mem>>
      %dma_start3A = arith.constant 0 : i32
      %dma_start3A_15 = tpu.memref_slice %arg8[%add3A, %dma_start3A] : memref<20224x128xf32, #tpu.memory_space<hbm>> -> memref<632x128xf32, #tpu.memory_space<hbm>>
      %dma_start3A_16 = arith.constant 0 : i32
      %dma_start3A_17 = tpu.memref_slice %arg13[%mul3A_10, %dma_start3A_16] : memref<10112x128xf32, #tpu.memory_space<vmem_shared>> -> memref<632x128xf32, #tpu.memory_space<vmem_shared>>
      tpu.enqueue_dma source(%dma_start3A_17 : memref<632x128xf32, #tpu.memory_space<vmem_shared>>) target(%dma_start3A_15 : memref<632x128xf32, #tpu.memory_space<hbm>>) target_semaphore(%run_scoped3A : memref<!tpu.dma_semaphore, #tpu.memory_space<semaphore_mem>>)
      %dma_wait3A = arith.constant 0 : i32
      %dma_wait3A_18 = tpu.memref_slice %arg8[%add3A, %dma_wait3A] : memref<20224x128xf32, #tpu.memory_space<hbm>> -> memref<632x128xf32, #tpu.memory_space<hbm>>
      %dma_wait3A_19 = arith.constant 0 : i32
      %dma_wait3A_20 = tpu.memref_slice %arg13[%mul3A_10, %dma_wait3A_19] : memref<10112x128xf32, #tpu.memory_space<vmem_shared>> -> memref<632x128xf32, #tpu.memory_space<vmem_shared>>
      tpu.wait_dma2 semaphore(%run_scoped3A : memref<!tpu.dma_semaphore, #tpu.memory_space<semaphore_mem>>) src(%dma_wait3A_20 : memref<632x128xf32, #tpu.memory_space<vmem_shared>>) dst(%dma_wait3A_18 : memref<632x128xf32, #tpu.memory_space<hbm>>)
      tpu.yield
    }) : () -> ()
    return
  }
}

#map = affine_map<(d0, d1) -> (0, 0)>
#map1 = affine_map<(d0, d1) -> (0, 0, 0)>
module attributes {stable_mosaic.version = 14 : i64} {
  func.func @segsum_kernel(%arg0: i32, %arg1: i32, %arg2: memref<10000x128xf32, #tpu.memory_space<hbm>>, %arg3: memref<16x128x128xi32, #tpu.memory_space<hbm>>, %arg4: memref<16x128x128xi32, #tpu.memory_space<hbm>>, %arg5: memref<16x30x128xi32, #tpu.memory_space<hbm>>, %arg6: memref<16x30x128xi32, #tpu.memory_space<hbm>>, %arg7: memref<632x128xf32, #tpu.memory_space<hbm>>, %arg8: memref<20224x128xf32, #tpu.memory_space<hbm>>, %arg9: memref<64x128xi32, #tpu.memory_space<vmem>>, %arg10: memref<64x128xi32, #tpu.memory_space<vmem>>, %arg11: memref<128x128xf32, #tpu.memory_space<vmem>>, %arg12: memref<128x128xf32, #tpu.memory_space<vmem>>, %arg13: memref<10112x128xf32, #tpu.memory_space<vmem_shared>>, %arg14: memref<!tpu.dma_semaphore, #tpu.memory_space<semaphore_mem>>, %arg15: memref<!tpu.dma_semaphore, #tpu.memory_space<semaphore_mem>>, %arg16: memref<!tpu.dma_semaphore, #tpu.memory_space<semaphore_mem>>) attributes {dimension_semantics = [#tpu.dimension_semantics<core_parallel>, #tpu.dimension_semantics<subcore_parallel>], iteration_bounds = array<i64: 2, 16>, scalar_prefetch = 0 : i64, scratch_operands = 8 : i64, tpu.core_type = #tpu.core_type<sc_vector_subcore>, window_params = [{transform_indices = #map}, {transform_indices = #map1}, {transform_indices = #map1}, {transform_indices = #map1}, {transform_indices = #map1}, {transform_indices = #map}, {transform_indices = #map}]} {
    %mul3A = arith.constant 632 : i32
    %mul3A_0 = arith.muli %arg1, %mul3A : i32
    "tpu.region"() ({
      %run_scoped3A = tpu.sem_alloc : memref<!tpu.dma_semaphore, #tpu.memory_space<semaphore_mem>>
      %dma_start3A = arith.constant 0 : i32
      %dma_start3A_15 = tpu.memref_slice %arg13[%mul3A_0, %dma_start3A] : memref<10112x128xf32, #tpu.memory_space<vmem_shared>> -> memref<632x128xf32, #tpu.memory_space<vmem_shared>>
      tpu.enqueue_dma source(%arg7 : memref<632x128xf32, #tpu.memory_space<hbm>>) target(%dma_start3A_15 : memref<632x128xf32, #tpu.memory_space<vmem_shared>>) target_semaphore(%run_scoped3A : memref<!tpu.dma_semaphore, #tpu.memory_space<semaphore_mem>>)
      %dma_wait3A = arith.constant 0 : i32
      %dma_wait3A_16 = tpu.memref_slice %arg13[%mul3A_0, %dma_wait3A] : memref<10112x128xf32, #tpu.memory_space<vmem_shared>> -> memref<632x128xf32, #tpu.memory_space<vmem_shared>>
      tpu.wait_dma2 semaphore(%run_scoped3A : memref<!tpu.dma_semaphore, #tpu.memory_space<semaphore_mem>>) src(%arg7 : memref<632x128xf32, #tpu.memory_space<hbm>>) dst(%dma_wait3A_16 : memref<632x128xf32, #tpu.memory_space<vmem_shared>>)
      tpu.yield
    }) : () -> ()
    %barrier3A = arith.constant 0 : index
    tpu.barrier barrier_id(%barrier3A)
    %eq3A = arith.constant 0 : i32
    %eq3A_1 = arith.cmpi eq, %arg0, %eq3A : i32
    %convert_element_type3A = arith.extui %eq3A_1 : i1 to i32
    %cond3A = arith.constant 0 : i32
    %cond3A_2 = arith.cmpi ne, %convert_element_type3A, %cond3A : i32
    scf.if %cond3A_2 {
      "tpu.region"() ({
        %run_scoped3A = tpu.sem_alloc : memref<!tpu.dma_semaphore, #tpu.memory_space<semaphore_mem>>
        %dma_start3A_39 = arith.constant 0 : i32
        %dma_start3A_40 = arith.constant 0 : i32
        %dma_start3A_41 = tpu.memref_slice %arg9[%dma_start3A_39, %dma_start3A_40] : memref<64x128xi32, #tpu.memory_space<vmem>> -> memref<64x128xi32, #tpu.memory_space<vmem>>
        %dma_start3A_42 = arith.constant 0 : i32
        %dma_start3A_43 = arith.constant 0 : i32
        %dma_start3A_44 = tpu.memref_slice %arg3[%arg1, %dma_start3A_42, %dma_start3A_43] : memref<16x128x128xi32, #tpu.memory_space<hbm>> -> memref<1x64x128xi32, #tpu.memory_space<hbm>>
        %dma_start3A_45 = tpu.memref_squeeze %dma_start3A_44 : memref<1x64x128xi32, #tpu.memory_space<hbm>> -> memref<64x128xi32, #tpu.memory_space<hbm>>
        %dma_start3A_46 = arith.constant 0 : i32
        %dma_start3A_47 = arith.constant 0 : i32
        %dma_start3A_48 = tpu.memref_slice %arg9[%dma_start3A_46, %dma_start3A_47] : memref<64x128xi32, #tpu.memory_space<vmem>> -> memref<64x128xi32, #tpu.memory_space<vmem>>
        %dma_start3A_49 = arith.constant 0 : i32
        %dma_start3A_50 = arith.constant 0 : i32
        %dma_start3A_51 = tpu.memref_slice %arg3[%arg1, %dma_start3A_49, %dma_start3A_50] : memref<16x128x128xi32, #tpu.memory_space<hbm>> -> memref<1x64x128xi32, #tpu.memory_space<hbm>>
        %dma_start3A_52 = tpu.memref_squeeze %dma_start3A_51 : memref<1x64x128xi32, #tpu.memory_space<hbm>> -> memref<64x128xi32, #tpu.memory_space<hbm>>
        tpu.enqueue_dma source(%dma_start3A_52 : memref<64x128xi32, #tpu.memory_space<hbm>>) target(%dma_start3A_48 : memref<64x128xi32, #tpu.memory_space<vmem>>) target_semaphore(%run_scoped3A : memref<!tpu.dma_semaphore, #tpu.memory_space<semaphore_mem>>)
        %dma_wait3A = arith.constant 0 : i32
        %dma_wait3A_53 = arith.constant 0 : i32
        %dma_wait3A_54 = tpu.memref_slice %arg9[%dma_wait3A, %dma_wait3A_53] : memref<64x128xi32, #tpu.memory_space<vmem>> -> memref<64x128xi32, #tpu.memory_space<vmem>>
        %dma_wait3A_55 = arith.constant 0 : i32
        %dma_wait3A_56 = arith.constant 0 : i32
        %dma_wait3A_57 = tpu.memref_slice %arg3[%arg1, %dma_wait3A_55, %dma_wait3A_56] : memref<16x128x128xi32, #tpu.memory_space<hbm>> -> memref<1x64x128xi32, #tpu.memory_space<hbm>>
        %dma_wait3A_58 = tpu.memref_squeeze %dma_wait3A_57 : memref<1x64x128xi32, #tpu.memory_space<hbm>> -> memref<64x128xi32, #tpu.memory_space<hbm>>
        %dma_wait3A_59 = arith.constant 0 : i32
        %dma_wait3A_60 = arith.constant 0 : i32
        %dma_wait3A_61 = tpu.memref_slice %arg9[%dma_wait3A_59, %dma_wait3A_60] : memref<64x128xi32, #tpu.memory_space<vmem>> -> memref<64x128xi32, #tpu.memory_space<vmem>>
        %dma_wait3A_62 = arith.constant 0 : i32
        %dma_wait3A_63 = arith.constant 0 : i32
        %dma_wait3A_64 = tpu.memref_slice %arg3[%arg1, %dma_wait3A_62, %dma_wait3A_63] : memref<16x128x128xi32, #tpu.memory_space<hbm>> -> memref<1x64x128xi32, #tpu.memory_space<hbm>>
        %dma_wait3A_65 = tpu.memref_squeeze %dma_wait3A_64 : memref<1x64x128xi32, #tpu.memory_space<hbm>> -> memref<64x128xi32, #tpu.memory_space<hbm>>
        tpu.wait_dma2 semaphore(%run_scoped3A : memref<!tpu.dma_semaphore, #tpu.memory_space<semaphore_mem>>) src(%dma_wait3A_65 : memref<64x128xi32, #tpu.memory_space<hbm>>) dst(%dma_wait3A_61 : memref<64x128xi32, #tpu.memory_space<vmem>>)
        tpu.yield
      }) : () -> ()
      "tpu.region"() ({
        %run_scoped3A = tpu.sem_alloc : memref<!tpu.dma_semaphore, #tpu.memory_space<semaphore_mem>>
        %dma_start3A_39 = arith.constant 0 : i32
        %dma_start3A_40 = arith.constant 0 : i32
        %dma_start3A_41 = tpu.memref_slice %arg10[%dma_start3A_39, %dma_start3A_40] : memref<64x128xi32, #tpu.memory_space<vmem>> -> memref<64x128xi32, #tpu.memory_space<vmem>>
        %dma_start3A_42 = arith.constant 0 : i32
        %dma_start3A_43 = arith.constant 0 : i32
        %dma_start3A_44 = tpu.memref_slice %arg4[%arg1, %dma_start3A_42, %dma_start3A_43] : memref<16x128x128xi32, #tpu.memory_space<hbm>> -> memref<1x64x128xi32, #tpu.memory_space<hbm>>
        %dma_start3A_45 = tpu.memref_squeeze %dma_start3A_44 : memref<1x64x128xi32, #tpu.memory_space<hbm>> -> memref<64x128xi32, #tpu.memory_space<hbm>>
        %dma_start3A_46 = arith.constant 0 : i32
        %dma_start3A_47 = arith.constant 0 : i32
        %dma_start3A_48 = tpu.memref_slice %arg10[%dma_start3A_46, %dma_start3A_47] : memref<64x128xi32, #tpu.memory_space<vmem>> -> memref<64x128xi32, #tpu.memory_space<vmem>>
        %dma_start3A_49 = arith.constant 0 : i32
        %dma_start3A_50 = arith.constant 0 : i32
        %dma_start3A_51 = tpu.memref_slice %arg4[%arg1, %dma_start3A_49, %dma_start3A_50] : memref<16x128x128xi32, #tpu.memory_space<hbm>> -> memref<1x64x128xi32, #tpu.memory_space<hbm>>
        %dma_start3A_52 = tpu.memref_squeeze %dma_start3A_51 : memref<1x64x128xi32, #tpu.memory_space<hbm>> -> memref<64x128xi32, #tpu.memory_space<hbm>>
        tpu.enqueue_dma source(%dma_start3A_52 : memref<64x128xi32, #tpu.memory_space<hbm>>) target(%dma_start3A_48 : memref<64x128xi32, #tpu.memory_space<vmem>>) target_semaphore(%run_scoped3A : memref<!tpu.dma_semaphore, #tpu.memory_space<semaphore_mem>>)
        %dma_wait3A = arith.constant 0 : i32
        %dma_wait3A_53 = arith.constant 0 : i32
        %dma_wait3A_54 = tpu.memref_slice %arg10[%dma_wait3A, %dma_wait3A_53] : memref<64x128xi32, #tpu.memory_space<vmem>> -> memref<64x128xi32, #tpu.memory_space<vmem>>
        %dma_wait3A_55 = arith.constant 0 : i32
        %dma_wait3A_56 = arith.constant 0 : i32
        %dma_wait3A_57 = tpu.memref_slice %arg4[%arg1, %dma_wait3A_55, %dma_wait3A_56] : memref<16x128x128xi32, #tpu.memory_space<hbm>> -> memref<1x64x128xi32, #tpu.memory_space<hbm>>
        %dma_wait3A_58 = tpu.memref_squeeze %dma_wait3A_57 : memref<1x64x128xi32, #tpu.memory_space<hbm>> -> memref<64x128xi32, #tpu.memory_space<hbm>>
        %dma_wait3A_59 = arith.constant 0 : i32
        %dma_wait3A_60 = arith.constant 0 : i32
        %dma_wait3A_61 = tpu.memref_slice %arg10[%dma_wait3A_59, %dma_wait3A_60] : memref<64x128xi32, #tpu.memory_space<vmem>> -> memref<64x128xi32, #tpu.memory_space<vmem>>
        %dma_wait3A_62 = arith.constant 0 : i32
        %dma_wait3A_63 = arith.constant 0 : i32
        %dma_wait3A_64 = tpu.memref_slice %arg4[%arg1, %dma_wait3A_62, %dma_wait3A_63] : memref<16x128x128xi32, #tpu.memory_space<hbm>> -> memref<1x64x128xi32, #tpu.memory_space<hbm>>
        %dma_wait3A_65 = tpu.memref_squeeze %dma_wait3A_64 : memref<1x64x128xi32, #tpu.memory_space<hbm>> -> memref<64x128xi32, #tpu.memory_space<hbm>>
        tpu.wait_dma2 semaphore(%run_scoped3A : memref<!tpu.dma_semaphore, #tpu.memory_space<semaphore_mem>>) src(%dma_wait3A_65 : memref<64x128xi32, #tpu.memory_space<hbm>>) dst(%dma_wait3A_61 : memref<64x128xi32, #tpu.memory_space<vmem>>)
        tpu.yield
      }) : () -> ()
      %dma_start3A = arith.constant 0 : i32
      %dma_start3A_15 = arith.constant 0 : i32
      %dma_start3A_16 = tpu.memref_slice %arg9[%dma_start3A, %dma_start3A_15] : memref<64x128xi32, #tpu.memory_space<vmem>> -> memref<1x128xi32, #tpu.memory_space<vmem>>
      %dma_start3A_17 = tpu.memref_squeeze %dma_start3A_16 : memref<1x128xi32, #tpu.memory_space<vmem>> -> memref<128xi32, #tpu.memory_space<vmem>>
      %dma_start3A_18 = arith.constant 0 : i32
      %dma_start3A_19 = arith.constant 0 : i32
      %dma_start3A_20 = tpu.memref_slice %arg2[%dma_start3A_18, %dma_start3A_19] : memref<10000x128xf32, #tpu.memory_space<hbm>> -> memref<10000x128xf32, #tpu.memory_space<hbm>>
      tpu.enqueue_indirect_dma source(%dma_start3A_20 : memref<10000x128xf32, #tpu.memory_space<hbm>>) target(%arg11 : memref<128x128xf32, #tpu.memory_space<vmem>>) offsets(%dma_start3A_17 : memref<128xi32, #tpu.memory_space<vmem>>) semaphore(%arg14 : memref<!tpu.dma_semaphore, #tpu.memory_space<semaphore_mem>>)
      %scan3A = arith.constant 0 : i32
      %scan3A_21 = arith.constant 0 : i32
      %scan3A_22 = arith.constant 32 : i32
      %scan3A_23 = arith.addi %scan3A_21, %scan3A_22 : i32
      %scan3A_24 = arith.constant 1 : i32
      scf.for %scan3A_39 = %scan3A_21 to %scan3A_23 step %scan3A_24  : i32 {
        %mul3A_40 = arith.constant 2 : i32
        %mul3A_41 = arith.muli %scan3A_39, %mul3A_40 : i32
        %dma_wait3A = arith.constant 0 : i32
        %dma_wait3A_42 = tpu.memref_slice %arg9[%mul3A_41, %dma_wait3A] : memref<64x128xi32, #tpu.memory_space<vmem>> -> memref<1x128xi32, #tpu.memory_space<vmem>>
        %dma_wait3A_43 = tpu.memref_squeeze %dma_wait3A_42 : memref<1x128xi32, #tpu.memory_space<vmem>> -> memref<128xi32, #tpu.memory_space<vmem>>
        %dma_wait3A_44 = arith.constant 0 : i32
        %dma_wait3A_45 = arith.constant 0 : i32
        %dma_wait3A_46 = tpu.memref_slice %arg2[%dma_wait3A_44, %dma_wait3A_45] : memref<10000x128xf32, #tpu.memory_space<hbm>> -> memref<10000x128xf32, #tpu.memory_space<hbm>>
        tpu.wait_indirect_dma semaphore(%arg14 : memref<!tpu.dma_semaphore, #tpu.memory_space<semaphore_mem>>) src(%dma_wait3A_46 : memref<10000x128xf32, #tpu.memory_space<hbm>>) dst(%arg11 : memref<128x128xf32, #tpu.memory_space<vmem>>)
        %add3A_47 = arith.constant 1 : i32
        %add3A_48 = arith.addi %mul3A_41, %add3A_47 : i32
        %dma_start3A_49 = arith.constant 0 : i32
        %dma_start3A_50 = tpu.memref_slice %arg9[%add3A_48, %dma_start3A_49] : memref<64x128xi32, #tpu.memory_space<vmem>> -> memref<1x128xi32, #tpu.memory_space<vmem>>
        %dma_start3A_51 = tpu.memref_squeeze %dma_start3A_50 : memref<1x128xi32, #tpu.memory_space<vmem>> -> memref<128xi32, #tpu.memory_space<vmem>>
        %dma_start3A_52 = arith.constant 0 : i32
        %dma_start3A_53 = arith.constant 0 : i32
        %dma_start3A_54 = tpu.memref_slice %arg2[%dma_start3A_52, %dma_start3A_53] : memref<10000x128xf32, #tpu.memory_space<hbm>> -> memref<10000x128xf32, #tpu.memory_space<hbm>>
        tpu.enqueue_indirect_dma source(%dma_start3A_54 : memref<10000x128xf32, #tpu.memory_space<hbm>>) target(%arg12 : memref<128x128xf32, #tpu.memory_space<vmem>>) offsets(%dma_start3A_51 : memref<128xi32, #tpu.memory_space<vmem>>) semaphore(%arg15 : memref<!tpu.dma_semaphore, #tpu.memory_space<semaphore_mem>>)
        %dma_start3A_55 = arith.constant 0 : i32
        %dma_start3A_56 = tpu.memref_slice %arg10[%mul3A_41, %dma_start3A_55] : memref<64x128xi32, #tpu.memory_space<vmem>> -> memref<1x128xi32, #tpu.memory_space<vmem>>
        %dma_start3A_57 = tpu.memref_squeeze %dma_start3A_56 : memref<1x128xi32, #tpu.memory_space<vmem>> -> memref<128xi32, #tpu.memory_space<vmem>>
        %dma_start3A_58 = arith.constant 0 : i32
        %dma_start3A_59 = arith.constant 0 : i32
        %dma_start3A_60 = tpu.memref_slice %arg13[%dma_start3A_58, %dma_start3A_59] : memref<10112x128xf32, #tpu.memory_space<vmem_shared>> -> memref<10112x128xf32, #tpu.memory_space<vmem_shared>>
        tpu.enqueue_indirect_dma source(%arg11 : memref<128x128xf32, #tpu.memory_space<vmem>>) target(%dma_start3A_60 : memref<10112x128xf32, #tpu.memory_space<vmem_shared>>) offsets(%dma_start3A_57 : memref<128xi32, #tpu.memory_space<vmem>>) semaphore(%arg16 : memref<!tpu.dma_semaphore, #tpu.memory_space<semaphore_mem>>) {add = true}
        %dma_wait3A_61 = arith.constant 0 : i32
        %dma_wait3A_62 = tpu.memref_slice %arg9[%mul3A_41, %dma_wait3A_61] : memref<64x128xi32, #tpu.memory_space<vmem>> -> memref<1x128xi32, #tpu.memory_space<vmem>>
        %dma_wait3A_63 = tpu.memref_squeeze %dma_wait3A_62 : memref<1x128xi32, #tpu.memory_space<vmem>> -> memref<128xi32, #tpu.memory_space<vmem>>
        %dma_wait3A_64 = arith.constant 0 : i32
        %dma_wait3A_65 = arith.constant 0 : i32
        %dma_wait3A_66 = tpu.memref_slice %arg2[%dma_wait3A_64, %dma_wait3A_65] : memref<10000x128xf32, #tpu.memory_space<hbm>> -> memref<10000x128xf32, #tpu.memory_space<hbm>>
        tpu.wait_indirect_dma semaphore(%arg15 : memref<!tpu.dma_semaphore, #tpu.memory_space<semaphore_mem>>) src(%dma_wait3A_66 : memref<10000x128xf32, #tpu.memory_space<hbm>>) dst(%arg12 : memref<128x128xf32, #tpu.memory_space<vmem>>)
        %dma_wait3A_67 = arith.constant 0 : i32
        %dma_wait3A_68 = tpu.memref_slice %arg10[%mul3A_41, %dma_wait3A_67] : memref<64x128xi32, #tpu.memory_space<vmem>> -> memref<1x128xi32, #tpu.memory_space<vmem>>
        %dma_wait3A_69 = tpu.memref_squeeze %dma_wait3A_68 : memref<1x128xi32, #tpu.memory_space<vmem>> -> memref<128xi32, #tpu.memory_space<vmem>>
        %dma_wait3A_70 = arith.constant 0 : i32
        %dma_wait3A_71 = arith.constant 0 : i32
        %dma_wait3A_72 = tpu.memref_slice %arg13[%dma_wait3A_70, %dma_wait3A_71] : memref<10112x128xf32, #tpu.memory_space<vmem_shared>> -> memref<10112x128xf32, #tpu.memory_space<vmem_shared>>
        tpu.wait_indirect_dma semaphore(%arg16 : memref<!tpu.dma_semaphore, #tpu.memory_space<semaphore_mem>>) src(%arg11 : memref<128x128xf32, #tpu.memory_space<vmem>>) dst(%dma_wait3A_72 : memref<10112x128xf32, #tpu.memory_space<vmem_shared>>)
        %add3A_73 = arith.constant 1 : i32
        %add3A_74 = arith.addi %scan3A_39, %add3A_73 : i32
        %lt3A = arith.constant 32 : i32
        %lt3A_75 = arith.cmpi slt, %add3A_74, %lt3A : i32
        %convert_element_type3A_76 = arith.extui %lt3A_75 : i1 to i32
        %cond3A_77 = arith.constant 0 : i32
        %cond3A_78 = arith.cmpi ne, %convert_element_type3A_76, %cond3A_77 : i32
        scf.if %cond3A_78 {
          %add3A_81 = arith.constant 2 : i32
          %add3A_82 = arith.addi %mul3A_41, %add3A_81 : i32
          %dma_start3A_83 = arith.constant 0 : i32
          %dma_start3A_84 = tpu.memref_slice %arg9[%add3A_82, %dma_start3A_83] : memref<64x128xi32, #tpu.memory_space<vmem>> -> memref<1x128xi32, #tpu.memory_space<vmem>>
          %dma_start3A_85 = tpu.memref_squeeze %dma_start3A_84 : memref<1x128xi32, #tpu.memory_space<vmem>> -> memref<128xi32, #tpu.memory_space<vmem>>
          %dma_start3A_86 = arith.constant 0 : i32
          %dma_start3A_87 = arith.constant 0 : i32
          %dma_start3A_88 = tpu.memref_slice %arg2[%dma_start3A_86, %dma_start3A_87] : memref<10000x128xf32, #tpu.memory_space<hbm>> -> memref<10000x128xf32, #tpu.memory_space<hbm>>
          tpu.enqueue_indirect_dma source(%dma_start3A_88 : memref<10000x128xf32, #tpu.memory_space<hbm>>) target(%arg11 : memref<128x128xf32, #tpu.memory_space<vmem>>) offsets(%dma_start3A_85 : memref<128xi32, #tpu.memory_space<vmem>>) semaphore(%arg14 : memref<!tpu.dma_semaphore, #tpu.memory_space<semaphore_mem>>)
        } else {
        }
        %add3A_79 = arith.constant 1 : i32
        %add3A_80 = arith.addi %mul3A_41, %add3A_79 : i32
        "tpu.region"() ({
          %run_scoped3A = tpu.sem_alloc : memref<!tpu.dma_semaphore, #tpu.memory_space<semaphore_mem>>
          %dma_start3A_81 = arith.constant 0 : i32
          %dma_start3A_82 = tpu.memref_slice %arg10[%add3A_80, %dma_start3A_81] : memref<64x128xi32, #tpu.memory_space<vmem>> -> memref<1x128xi32, #tpu.memory_space<vmem>>
          %dma_start3A_83 = tpu.memref_squeeze %dma_start3A_82 : memref<1x128xi32, #tpu.memory_space<vmem>> -> memref<128xi32, #tpu.memory_space<vmem>>
          %dma_start3A_84 = arith.constant 0 : i32
          %dma_start3A_85 = arith.constant 0 : i32
          %dma_start3A_86 = tpu.memref_slice %arg13[%dma_start3A_84, %dma_start3A_85] : memref<10112x128xf32, #tpu.memory_space<vmem_shared>> -> memref<10112x128xf32, #tpu.memory_space<vmem_shared>>
          tpu.enqueue_indirect_dma source(%arg12 : memref<128x128xf32, #tpu.memory_space<vmem>>) target(%dma_start3A_86 : memref<10112x128xf32, #tpu.memory_space<vmem_shared>>) offsets(%dma_start3A_83 : memref<128xi32, #tpu.memory_space<vmem>>) semaphore(%run_scoped3A : memref<!tpu.dma_semaphore, #tpu.memory_space<semaphore_mem>>) {add = true}
          %dma_wait3A_87 = arith.constant 0 : i32
          %dma_wait3A_88 = tpu.memref_slice %arg10[%add3A_80, %dma_wait3A_87] : memref<64x128xi32, #tpu.memory_space<vmem>> -> memref<1x128xi32, #tpu.memory_space<vmem>>
          %dma_wait3A_89 = tpu.memref_squeeze %dma_wait3A_88 : memref<1x128xi32, #tpu.memory_space<vmem>> -> memref<128xi32, #tpu.memory_space<vmem>>
          %dma_wait3A_90 = arith.constant 0 : i32
          %dma_wait3A_91 = arith.constant 0 : i32
          %dma_wait3A_92 = tpu.memref_slice %arg13[%dma_wait3A_90, %dma_wait3A_91] : memref<10112x128xf32, #tpu.memory_space<vmem_shared>> -> memref<10112x128xf32, #tpu.memory_space<vmem_shared>>
          tpu.wait_indirect_dma semaphore(%run_scoped3A : memref<!tpu.dma_semaphore, #tpu.memory_space<semaphore_mem>>) src(%arg12 : memref<128x128xf32, #tpu.memory_space<vmem>>) dst(%dma_wait3A_92 : memref<10112x128xf32, #tpu.memory_space<vmem_shared>>)
          tpu.yield
        }) : () -> ()
      }
      %scan3A_25 = arith.constant 32 : i32
      "tpu.region"() ({
        %run_scoped3A = tpu.sem_alloc : memref<!tpu.dma_semaphore, #tpu.memory_space<semaphore_mem>>
        %dma_start3A_39 = arith.constant 0 : i32
        %dma_start3A_40 = arith.constant 0 : i32
        %dma_start3A_41 = tpu.memref_slice %arg9[%dma_start3A_39, %dma_start3A_40] : memref<64x128xi32, #tpu.memory_space<vmem>> -> memref<64x128xi32, #tpu.memory_space<vmem>>
        %dma_start3A_42 = arith.constant 64 : i32
        %dma_start3A_43 = arith.constant 0 : i32
        %dma_start3A_44 = tpu.memref_slice %arg3[%arg1, %dma_start3A_42, %dma_start3A_43] : memref<16x128x128xi32, #tpu.memory_space<hbm>> -> memref<1x64x128xi32, #tpu.memory_space<hbm>>
        %dma_start3A_45 = tpu.memref_squeeze %dma_start3A_44 : memref<1x64x128xi32, #tpu.memory_space<hbm>> -> memref<64x128xi32, #tpu.memory_space<hbm>>
        %dma_start3A_46 = arith.constant 0 : i32
        %dma_start3A_47 = arith.constant 0 : i32
        %dma_start3A_48 = tpu.memref_slice %arg9[%dma_start3A_46, %dma_start3A_47] : memref<64x128xi32, #tpu.memory_space<vmem>> -> memref<64x128xi32, #tpu.memory_space<vmem>>
        %dma_start3A_49 = arith.constant 64 : i32
        %dma_start3A_50 = arith.constant 0 : i32
        %dma_start3A_51 = tpu.memref_slice %arg3[%arg1, %dma_start3A_49, %dma_start3A_50] : memref<16x128x128xi32, #tpu.memory_space<hbm>> -> memref<1x64x128xi32, #tpu.memory_space<hbm>>
        %dma_start3A_52 = tpu.memref_squeeze %dma_start3A_51 : memref<1x64x128xi32, #tpu.memory_space<hbm>> -> memref<64x128xi32, #tpu.memory_space<hbm>>
        tpu.enqueue_dma source(%dma_start3A_52 : memref<64x128xi32, #tpu.memory_space<hbm>>) target(%dma_start3A_48 : memref<64x128xi32, #tpu.memory_space<vmem>>) target_semaphore(%run_scoped3A : memref<!tpu.dma_semaphore, #tpu.memory_space<semaphore_mem>>)
        %dma_wait3A = arith.constant 0 : i32
        %dma_wait3A_53 = arith.constant 0 : i32
        %dma_wait3A_54 = tpu.memref_slice %arg9[%dma_wait3A, %dma_wait3A_53] : memref<64x128xi32, #tpu.memory_space<vmem>> -> memref<64x128xi32, #tpu.memory_space<vmem>>
        %dma_wait3A_55 = arith.constant 64 : i32
        %dma_wait3A_56 = arith.constant 0 : i32
        %dma_wait3A_57 = tpu.memref_slice %arg3[%arg1, %dma_wait3A_55, %dma_wait3A_56] : memref<16x128x128xi32, #tpu.memory_space<hbm>> -> memref<1x64x128xi32, #tpu.memory_space<hbm>>
        %dma_wait3A_58 = tpu.memref_squeeze %dma_wait3A_57 : memref<1x64x128xi32, #tpu.memory_space<hbm>> -> memref<64x128xi32, #tpu.memory_space<hbm>>
        %dma_wait3A_59 = arith.constant 0 : i32
        %dma_wait3A_60 = arith.constant 0 : i32
        %dma_wait3A_61 = tpu.memref_slice %arg9[%dma_wait3A_59, %dma_wait3A_60] : memref<64x128xi32, #tpu.memory_space<vmem>> -> memref<64x128xi32, #tpu.memory_space<vmem>>
        %dma_wait3A_62 = arith.constant 64 : i32
        %dma_wait3A_63 = arith.constant 0 : i32
        %dma_wait3A_64 = tpu.memref_slice %arg3[%arg1, %dma_wait3A_62, %dma_wait3A_63] : memref<16x128x128xi32, #tpu.memory_space<hbm>> -> memref<1x64x128xi32, #tpu.memory_space<hbm>>
        %dma_wait3A_65 = tpu.memref_squeeze %dma_wait3A_64 : memref<1x64x128xi32, #tpu.memory_space<hbm>> -> memref<64x128xi32, #tpu.memory_space<hbm>>
        tpu.wait_dma2 semaphore(%run_scoped3A : memref<!tpu.dma_semaphore, #tpu.memory_space<semaphore_mem>>) src(%dma_wait3A_65 : memref<64x128xi32, #tpu.memory_space<hbm>>) dst(%dma_wait3A_61 : memref<64x128xi32, #tpu.memory_space<vmem>>)
        tpu.yield
      }) : () -> ()
      "tpu.region"() ({
        %run_scoped3A = tpu.sem_alloc : memref<!tpu.dma_semaphore, #tpu.memory_space<semaphore_mem>>
        %dma_start3A_39 = arith.constant 0 : i32
        %dma_start3A_40 = arith.constant 0 : i32
        %dma_start3A_41 = tpu.memref_slice %arg10[%dma_start3A_39, %dma_start3A_40] : memref<64x128xi32, #tpu.memory_space<vmem>> -> memref<64x128xi32, #tpu.memory_space<vmem>>
        %dma_start3A_42 = arith.constant 64 : i32
        %dma_start3A_43 = arith.constant 0 : i32
        %dma_start3A_44 = tpu.memref_slice %arg4[%arg1, %dma_start3A_42, %dma_start3A_43] : memref<16x128x128xi32, #tpu.memory_space<hbm>> -> memref<1x64x128xi32, #tpu.memory_space<hbm>>
        %dma_start3A_45 = tpu.memref_squeeze %dma_start3A_44 : memref<1x64x128xi32, #tpu.memory_space<hbm>> -> memref<64x128xi32, #tpu.memory_space<hbm>>
        %dma_start3A_46 = arith.constant 0 : i32
        %dma_start3A_47 = arith.constant 0 : i32
        %dma_start3A_48 = tpu.memref_slice %arg10[%dma_start3A_46, %dma_start3A_47] : memref<64x128xi32, #tpu.memory_space<vmem>> -> memref<64x128xi32, #tpu.memory_space<vmem>>
        %dma_start3A_49 = arith.constant 64 : i32
        %dma_start3A_50 = arith.constant 0 : i32
        %dma_start3A_51 = tpu.memref_slice %arg4[%arg1, %dma_start3A_49, %dma_start3A_50] : memref<16x128x128xi32, #tpu.memory_space<hbm>> -> memref<1x64x128xi32, #tpu.memory_space<hbm>>
        %dma_start3A_52 = tpu.memref_squeeze %dma_start3A_51 : memref<1x64x128xi32, #tpu.memory_space<hbm>> -> memref<64x128xi32, #tpu.memory_space<hbm>>
        tpu.enqueue_dma source(%dma_start3A_52 : memref<64x128xi32, #tpu.memory_space<hbm>>) target(%dma_start3A_48 : memref<64x128xi32, #tpu.memory_space<vmem>>) target_semaphore(%run_scoped3A : memref<!tpu.dma_semaphore, #tpu.memory_space<semaphore_mem>>)
        %dma_wait3A = arith.constant 0 : i32
        %dma_wait3A_53 = arith.constant 0 : i32
        %dma_wait3A_54 = tpu.memref_slice %arg10[%dma_wait3A, %dma_wait3A_53] : memref<64x128xi32, #tpu.memory_space<vmem>> -> memref<64x128xi32, #tpu.memory_space<vmem>>
        %dma_wait3A_55 = arith.constant 64 : i32
        %dma_wait3A_56 = arith.constant 0 : i32
        %dma_wait3A_57 = tpu.memref_slice %arg4[%arg1, %dma_wait3A_55, %dma_wait3A_56] : memref<16x128x128xi32, #tpu.memory_space<hbm>> -> memref<1x64x128xi32, #tpu.memory_space<hbm>>
        %dma_wait3A_58 = tpu.memref_squeeze %dma_wait3A_57 : memref<1x64x128xi32, #tpu.memory_space<hbm>> -> memref<64x128xi32, #tpu.memory_space<hbm>>
        %dma_wait3A_59 = arith.constant 0 : i32
        %dma_wait3A_60 = arith.constant 0 : i32
        %dma_wait3A_61 = tpu.memref_slice %arg10[%dma_wait3A_59, %dma_wait3A_60] : memref<64x128xi32, #tpu.memory_space<vmem>> -> memref<64x128xi32, #tpu.memory_space<vmem>>
        %dma_wait3A_62 = arith.constant 64 : i32
        %dma_wait3A_63 = arith.constant 0 : i32
        %dma_wait3A_64 = tpu.memref_slice %arg4[%arg1, %dma_wait3A_62, %dma_wait3A_63] : memref<16x128x128xi32, #tpu.memory_space<hbm>> -> memref<1x64x128xi32, #tpu.memory_space<hbm>>
        %dma_wait3A_65 = tpu.memref_squeeze %dma_wait3A_64 : memref<1x64x128xi32, #tpu.memory_space<hbm>> -> memref<64x128xi32, #tpu.memory_space<hbm>>
        tpu.wait_dma2 semaphore(%run_scoped3A : memref<!tpu.dma_semaphore, #tpu.memory_space<semaphore_mem>>) src(%dma_wait3A_65 : memref<64x128xi32, #tpu.memory_space<hbm>>) dst(%dma_wait3A_61 : memref<64x128xi32, #tpu.memory_space<vmem>>)
        tpu.yield
      }) : () -> ()
      %dma_start3A_26 = arith.constant 0 : i32
      %dma_start3A_27 = arith.constant 0 : i32
      %dma_start3A_28 = tpu.memref_slice %arg9[%dma_start3A_26, %dma_start3A_27] : memref<64x128xi32, #tpu.memory_space<vmem>> -> memref<1x128xi32, #tpu.memory_space<vmem>>
      %dma_start3A_29 = tpu.memref_squeeze %dma_start3A_28 : memref<1x128xi32, #tpu.memory_space<vmem>> -> memref<128xi32, #tpu.memory_space<vmem>>
      %dma_start3A_30 = arith.constant 0 : i32
      %dma_start3A_31 = arith.constant 0 : i32
      %dma_start3A_32 = tpu.memref_slice %arg2[%dma_start3A_30, %dma_start3A_31] : memref<10000x128xf32, #tpu.memory_space<hbm>> -> memref<10000x128xf32, #tpu.memory_space<hbm>>
      tpu.enqueue_indirect_dma source(%dma_start3A_32 : memref<10000x128xf32, #tpu.memory_space<hbm>>) target(%arg11 : memref<128x128xf32, #tpu.memory_space<vmem>>) offsets(%dma_start3A_29 : memref<128xi32, #tpu.memory_space<vmem>>) semaphore(%arg14 : memref<!tpu.dma_semaphore, #tpu.memory_space<semaphore_mem>>)
      %scan3A_33 = arith.constant 0 : i32
      %scan3A_34 = arith.constant 0 : i32
      %scan3A_35 = arith.constant 32 : i32
      %scan3A_36 = arith.addi %scan3A_34, %scan3A_35 : i32
      %scan3A_37 = arith.constant 1 : i32
      scf.for %scan3A_39 = %scan3A_34 to %scan3A_36 step %scan3A_37  : i32 {
        %mul3A_40 = arith.constant 2 : i32
        %mul3A_41 = arith.muli %scan3A_39, %mul3A_40 : i32
        %dma_wait3A = arith.constant 0 : i32
        %dma_wait3A_42 = tpu.memref_slice %arg9[%mul3A_41, %dma_wait3A] : memref<64x128xi32, #tpu.memory_space<vmem>> -> memref<1x128xi32, #tpu.memory_space<vmem>>
        %dma_wait3A_43 = tpu.memref_squeeze %dma_wait3A_42 : memref<1x128xi32, #tpu.memory_space<vmem>> -> memref<128xi32, #tpu.memory_space<vmem>>
        %dma_wait3A_44 = arith.constant 0 : i32
        %dma_wait3A_45 = arith.constant 0 : i32
        %dma_wait3A_46 = tpu.memref_slice %arg2[%dma_wait3A_44, %dma_wait3A_45] : memref<10000x128xf32, #tpu.memory_space<hbm>> -> memref<10000x128xf32, #tpu.memory_space<hbm>>
        tpu.wait_indirect_dma semaphore(%arg14 : memref<!tpu.dma_semaphore, #tpu.memory_space<semaphore_mem>>) src(%dma_wait3A_46 : memref<10000x128xf32, #tpu.memory_space<hbm>>) dst(%arg11 : memref<128x128xf32, #tpu.memory_space<vmem>>)
        %add3A_47 = arith.constant 1 : i32
        %add3A_48 = arith.addi %mul3A_41, %add3A_47 : i32
        %dma_start3A_49 = arith.constant 0 : i32
        %dma_start3A_50 = tpu.memref_slice %arg9[%add3A_48, %dma_start3A_49] : memref<64x128xi32, #tpu.memory_space<vmem>> -> memref<1x128xi32, #tpu.memory_space<vmem>>
        %dma_start3A_51 = tpu.memref_squeeze %dma_start3A_50 : memref<1x128xi32, #tpu.memory_space<vmem>> -> memref<128xi32, #tpu.memory_space<vmem>>
        %dma_start3A_52 = arith.constant 0 : i32
        %dma_start3A_53 = arith.constant 0 : i32
        %dma_start3A_54 = tpu.memref_slice %arg2[%dma_start3A_52, %dma_start3A_53] : memref<10000x128xf32, #tpu.memory_space<hbm>> -> memref<10000x128xf32, #tpu.memory_space<hbm>>
        tpu.enqueue_indirect_dma source(%dma_start3A_54 : memref<10000x128xf32, #tpu.memory_space<hbm>>) target(%arg12 : memref<128x128xf32, #tpu.memory_space<vmem>>) offsets(%dma_start3A_51 : memref<128xi32, #tpu.memory_space<vmem>>) semaphore(%arg15 : memref<!tpu.dma_semaphore, #tpu.memory_space<semaphore_mem>>)
        %dma_start3A_55 = arith.constant 0 : i32
        %dma_start3A_56 = tpu.memref_slice %arg10[%mul3A_41, %dma_start3A_55] : memref<64x128xi32, #tpu.memory_space<vmem>> -> memref<1x128xi32, #tpu.memory_space<vmem>>
        %dma_start3A_57 = tpu.memref_squeeze %dma_start3A_56 : memref<1x128xi32, #tpu.memory_space<vmem>> -> memref<128xi32, #tpu.memory_space<vmem>>
        %dma_start3A_58 = arith.constant 0 : i32
        %dma_start3A_59 = arith.constant 0 : i32
        %dma_start3A_60 = tpu.memref_slice %arg13[%dma_start3A_58, %dma_start3A_59] : memref<10112x128xf32, #tpu.memory_space<vmem_shared>> -> memref<10112x128xf32, #tpu.memory_space<vmem_shared>>
        tpu.enqueue_indirect_dma source(%arg11 : memref<128x128xf32, #tpu.memory_space<vmem>>) target(%dma_start3A_60 : memref<10112x128xf32, #tpu.memory_space<vmem_shared>>) offsets(%dma_start3A_57 : memref<128xi32, #tpu.memory_space<vmem>>) semaphore(%arg16 : memref<!tpu.dma_semaphore, #tpu.memory_space<semaphore_mem>>) {add = true}
        %dma_wait3A_61 = arith.constant 0 : i32
        %dma_wait3A_62 = tpu.memref_slice %arg9[%mul3A_41, %dma_wait3A_61] : memref<64x128xi32, #tpu.memory_space<vmem>> -> memref<1x128xi32, #tpu.memory_space<vmem>>
        %dma_wait3A_63 = tpu.memref_squeeze %dma_wait3A_62 : memref<1x128xi32, #tpu.memory_space<vmem>> -> memref<128xi32, #tpu.memory_space<vmem>>
        %dma_wait3A_64 = arith.constant 0 : i32
        %dma_wait3A_65 = arith.constant 0 : i32
        %dma_wait3A_66 = tpu.memref_slice %arg2[%dma_wait3A_64, %dma_wait3A_65] : memref<10000x128xf32, #tpu.memory_space<hbm>> -> memref<10000x128xf32, #tpu.memory_space<hbm>>
        tpu.wait_indirect_dma semaphore(%arg15 : memref<!tpu.dma_semaphore, #tpu.memory_space<semaphore_mem>>) src(%dma_wait3A_66 : memref<10000x128xf32, #tpu.memory_space<hbm>>) dst(%arg12 : memref<128x128xf32, #tpu.memory_space<vmem>>)
        %dma_wait3A_67 = arith.constant 0 : i32
        %dma_wait3A_68 = tpu.memref_slice %arg10[%mul3A_41, %dma_wait3A_67] : memref<64x128xi32, #tpu.memory_space<vmem>> -> memref<1x128xi32, #tpu.memory_space<vmem>>
        %dma_wait3A_69 = tpu.memref_squeeze %dma_wait3A_68 : memref<1x128xi32, #tpu.memory_space<vmem>> -> memref<128xi32, #tpu.memory_space<vmem>>
        %dma_wait3A_70 = arith.constant 0 : i32
        %dma_wait3A_71 = arith.constant 0 : i32
        %dma_wait3A_72 = tpu.memref_slice %arg13[%dma_wait3A_70, %dma_wait3A_71] : memref<10112x128xf32, #tpu.memory_space<vmem_shared>> -> memref<10112x128xf32, #tpu.memory_space<vmem_shared>>
        tpu.wait_indirect_dma semaphore(%arg16 : memref<!tpu.dma_semaphore, #tpu.memory_space<semaphore_mem>>) src(%arg11 : memref<128x128xf32, #tpu.memory_space<vmem>>) dst(%dma_wait3A_72 : memref<10112x128xf32, #tpu.memory_space<vmem_shared>>)
        %add3A_73 = arith.constant 1 : i32
        %add3A_74 = arith.addi %scan3A_39, %add3A_73 : i32
        %lt3A = arith.constant 32 : i32
        %lt3A_75 = arith.cmpi slt, %add3A_74, %lt3A : i32
        %convert_element_type3A_76 = arith.extui %lt3A_75 : i1 to i32
        %cond3A_77 = arith.constant 0 : i32
        %cond3A_78 = arith.cmpi ne, %convert_element_type3A_76, %cond3A_77 : i32
        scf.if %cond3A_78 {
          %add3A_81 = arith.constant 2 : i32
          %add3A_82 = arith.addi %mul3A_41, %add3A_81 : i32
          %dma_start3A_83 = arith.constant 0 : i32
          %dma_start3A_84 = tpu.memref_slice %arg9[%add3A_82, %dma_start3A_83] : memref<64x128xi32, #tpu.memory_space<vmem>> -> memref<1x128xi32, #tpu.memory_space<vmem>>
          %dma_start3A_85 = tpu.memref_squeeze %dma_start3A_84 : memref<1x128xi32, #tpu.memory_space<vmem>> -> memref<128xi32, #tpu.memory_space<vmem>>
          %dma_start3A_86 = arith.constant 0 : i32
          %dma_start3A_87 = arith.constant 0 : i32
          %dma_start3A_88 = tpu.memref_slice %arg2[%dma_start3A_86, %dma_start3A_87] : memref<10000x128xf32, #tpu.memory_space<hbm>> -> memref<10000x128xf32, #tpu.memory_space<hbm>>
          tpu.enqueue_indirect_dma source(%dma_start3A_88 : memref<10000x128xf32, #tpu.memory_space<hbm>>) target(%arg11 : memref<128x128xf32, #tpu.memory_space<vmem>>) offsets(%dma_start3A_85 : memref<128xi32, #tpu.memory_space<vmem>>) semaphore(%arg14 : memref<!tpu.dma_semaphore, #tpu.memory_space<semaphore_mem>>)
        } else {
        }
        %add3A_79 = arith.constant 1 : i32
        %add3A_80 = arith.addi %mul3A_41, %add3A_79 : i32
        "tpu.region"() ({
          %run_scoped3A = tpu.sem_alloc : memref<!tpu.dma_semaphore, #tpu.memory_space<semaphore_mem>>
          %dma_start3A_81 = arith.constant 0 : i32
          %dma_start3A_82 = tpu.memref_slice %arg10[%add3A_80, %dma_start3A_81] : memref<64x128xi32, #tpu.memory_space<vmem>> -> memref<1x128xi32, #tpu.memory_space<vmem>>
          %dma_start3A_83 = tpu.memref_squeeze %dma_start3A_82 : memref<1x128xi32, #tpu.memory_space<vmem>> -> memref<128xi32, #tpu.memory_space<vmem>>
          %dma_start3A_84 = arith.constant 0 : i32
          %dma_start3A_85 = arith.constant 0 : i32
          %dma_start3A_86 = tpu.memref_slice %arg13[%dma_start3A_84, %dma_start3A_85] : memref<10112x128xf32, #tpu.memory_space<vmem_shared>> -> memref<10112x128xf32, #tpu.memory_space<vmem_shared>>
          tpu.enqueue_indirect_dma source(%arg12 : memref<128x128xf32, #tpu.memory_space<vmem>>) target(%dma_start3A_86 : memref<10112x128xf32, #tpu.memory_space<vmem_shared>>) offsets(%dma_start3A_83 : memref<128xi32, #tpu.memory_space<vmem>>) semaphore(%run_scoped3A : memref<!tpu.dma_semaphore, #tpu.memory_space<semaphore_mem>>) {add = true}
          %dma_wait3A_87 = arith.constant 0 : i32
          %dma_wait3A_88 = tpu.memref_slice %arg10[%add3A_80, %dma_wait3A_87] : memref<64x128xi32, #tpu.memory_space<vmem>> -> memref<1x128xi32, #tpu.memory_space<vmem>>
          %dma_wait3A_89 = tpu.memref_squeeze %dma_wait3A_88 : memref<1x128xi32, #tpu.memory_space<vmem>> -> memref<128xi32, #tpu.memory_space<vmem>>
          %dma_wait3A_90 = arith.constant 0 : i32
          %dma_wait3A_91 = arith.constant 0 : i32
          %dma_wait3A_92 = tpu.memref_slice %arg13[%dma_wait3A_90, %dma_wait3A_91] : memref<10112x128xf32, #tpu.memory_space<vmem_shared>> -> memref<10112x128xf32, #tpu.memory_space<vmem_shared>>
          tpu.wait_indirect_dma semaphore(%run_scoped3A : memref<!tpu.dma_semaphore, #tpu.memory_space<semaphore_mem>>) src(%arg12 : memref<128x128xf32, #tpu.memory_space<vmem>>) dst(%dma_wait3A_92 : memref<10112x128xf32, #tpu.memory_space<vmem_shared>>)
          tpu.yield
        }) : () -> ()
      }
      %scan3A_38 = arith.constant 32 : i32
    } else {
    }
    %eq3A_3 = arith.constant 1 : i32
    %eq3A_4 = arith.cmpi eq, %arg0, %eq3A_3 : i32
    %convert_element_type3A_5 = arith.extui %eq3A_4 : i1 to i32
    %cond3A_6 = arith.constant 0 : i32
    %cond3A_7 = arith.cmpi ne, %convert_element_type3A_5, %cond3A_6 : i32
    scf.if %cond3A_7 {
      "tpu.region"() ({
        %run_scoped3A = tpu.sem_alloc : memref<!tpu.dma_semaphore, #tpu.memory_space<semaphore_mem>>
        %dma_start3A = arith.constant 0 : i32
        %dma_start3A_20 = arith.constant 0 : i32
        %dma_start3A_21 = tpu.memref_slice %arg9[%dma_start3A, %dma_start3A_20] : memref<64x128xi32, #tpu.memory_space<vmem>> -> memref<30x128xi32, #tpu.memory_space<vmem>>
        %dma_start3A_22 = arith.constant 0 : i32
        %dma_start3A_23 = arith.constant 0 : i32
        %dma_start3A_24 = tpu.memref_slice %arg5[%arg1, %dma_start3A_22, %dma_start3A_23] : memref<16x30x128xi32, #tpu.memory_space<hbm>> -> memref<1x30x128xi32, #tpu.memory_space<hbm>>
        %dma_start3A_25 = tpu.memref_squeeze %dma_start3A_24 : memref<1x30x128xi32, #tpu.memory_space<hbm>> -> memref<30x128xi32, #tpu.memory_space<hbm>>
        %dma_start3A_26 = arith.constant 0 : i32
        %dma_start3A_27 = arith.constant 0 : i32
        %dma_start3A_28 = tpu.memref_slice %arg9[%dma_start3A_26, %dma_start3A_27] : memref<64x128xi32, #tpu.memory_space<vmem>> -> memref<30x128xi32, #tpu.memory_space<vmem>>
        %dma_start3A_29 = arith.constant 0 : i32
        %dma_start3A_30 = arith.constant 0 : i32
        %dma_start3A_31 = tpu.memref_slice %arg5[%arg1, %dma_start3A_29, %dma_start3A_30] : memref<16x30x128xi32, #tpu.memory_space<hbm>> -> memref<1x30x128xi32, #tpu.memory_space<hbm>>
        %dma_start3A_32 = tpu.memref_squeeze %dma_start3A_31 : memref<1x30x128xi32, #tpu.memory_space<hbm>> -> memref<30x128xi32, #tpu.memory_space<hbm>>
        tpu.enqueue_dma source(%dma_start3A_32 : memref<30x128xi32, #tpu.memory_space<hbm>>) target(%dma_start3A_28 : memref<30x128xi32, #tpu.memory_space<vmem>>) target_semaphore(%run_scoped3A : memref<!tpu.dma_semaphore, #tpu.memory_space<semaphore_mem>>)
        %dma_wait3A = arith.constant 0 : i32
        %dma_wait3A_33 = arith.constant 0 : i32
        %dma_wait3A_34 = tpu.memref_slice %arg9[%dma_wait3A, %dma_wait3A_33] : memref<64x128xi32, #tpu.memory_space<vmem>> -> memref<30x128xi32, #tpu.memory_space<vmem>>
        %dma_wait3A_35 = arith.constant 0 : i32
        %dma_wait3A_36 = arith.constant 0 : i32
        %dma_wait3A_37 = tpu.memref_slice %arg5[%arg1, %dma_wait3A_35, %dma_wait3A_36] : memref<16x30x128xi32, #tpu.memory_space<hbm>> -> memref<1x30x128xi32, #tpu.memory_space<hbm>>
        %dma_wait3A_38 = tpu.memref_squeeze %dma_wait3A_37 : memref<1x30x128xi32, #tpu.memory_space<hbm>> -> memref<30x128xi32, #tpu.memory_space<hbm>>
        %dma_wait3A_39 = arith.constant 0 : i32
        %dma_wait3A_40 = arith.constant 0 : i32
        %dma_wait3A_41 = tpu.memref_slice %arg9[%dma_wait3A_39, %dma_wait3A_40] : memref<64x128xi32, #tpu.memory_space<vmem>> -> memref<30x128xi32, #tpu.memory_space<vmem>>
        %dma_wait3A_42 = arith.constant 0 : i32
        %dma_wait3A_43 = arith.constant 0 : i32
        %dma_wait3A_44 = tpu.memref_slice %arg5[%arg1, %dma_wait3A_42, %dma_wait3A_43] : memref<16x30x128xi32, #tpu.memory_space<hbm>> -> memref<1x30x128xi32, #tpu.memory_space<hbm>>
        %dma_wait3A_45 = tpu.memref_squeeze %dma_wait3A_44 : memref<1x30x128xi32, #tpu.memory_space<hbm>> -> memref<30x128xi32, #tpu.memory_space<hbm>>
        tpu.wait_dma2 semaphore(%run_scoped3A : memref<!tpu.dma_semaphore, #tpu.memory_space<semaphore_mem>>) src(%dma_wait3A_45 : memref<30x128xi32, #tpu.memory_space<hbm>>) dst(%dma_wait3A_41 : memref<30x128xi32, #tpu.memory_space<vmem>>)
        tpu.yield
      }) : () -> ()
      "tpu.region"() ({
        %run_scoped3A = tpu.sem_alloc : memref<!tpu.dma_semaphore, #tpu.memory_space<semaphore_mem>>
        %dma_start3A = arith.constant 0 : i32
        %dma_start3A_20 = arith.constant 0 : i32
        %dma_start3A_21 = tpu.memref_slice %arg10[%dma_start3A, %dma_start3A_20] : memref<64x128xi32, #tpu.memory_space<vmem>> -> memref<30x128xi32, #tpu.memory_space<vmem>>
        %dma_start3A_22 = arith.constant 0 : i32
        %dma_start3A_23 = arith.constant 0 : i32
        %dma_start3A_24 = tpu.memref_slice %arg6[%arg1, %dma_start3A_22, %dma_start3A_23] : memref<16x30x128xi32, #tpu.memory_space<hbm>> -> memref<1x30x128xi32, #tpu.memory_space<hbm>>
        %dma_start3A_25 = tpu.memref_squeeze %dma_start3A_24 : memref<1x30x128xi32, #tpu.memory_space<hbm>> -> memref<30x128xi32, #tpu.memory_space<hbm>>
        %dma_start3A_26 = arith.constant 0 : i32
        %dma_start3A_27 = arith.constant 0 : i32
        %dma_start3A_28 = tpu.memref_slice %arg10[%dma_start3A_26, %dma_start3A_27] : memref<64x128xi32, #tpu.memory_space<vmem>> -> memref<30x128xi32, #tpu.memory_space<vmem>>
        %dma_start3A_29 = arith.constant 0 : i32
        %dma_start3A_30 = arith.constant 0 : i32
        %dma_start3A_31 = tpu.memref_slice %arg6[%arg1, %dma_start3A_29, %dma_start3A_30] : memref<16x30x128xi32, #tpu.memory_space<hbm>> -> memref<1x30x128xi32, #tpu.memory_space<hbm>>
        %dma_start3A_32 = tpu.memref_squeeze %dma_start3A_31 : memref<1x30x128xi32, #tpu.memory_space<hbm>> -> memref<30x128xi32, #tpu.memory_space<hbm>>
        tpu.enqueue_dma source(%dma_start3A_32 : memref<30x128xi32, #tpu.memory_space<hbm>>) target(%dma_start3A_28 : memref<30x128xi32, #tpu.memory_space<vmem>>) target_semaphore(%run_scoped3A : memref<!tpu.dma_semaphore, #tpu.memory_space<semaphore_mem>>)
        %dma_wait3A = arith.constant 0 : i32
        %dma_wait3A_33 = arith.constant 0 : i32
        %dma_wait3A_34 = tpu.memref_slice %arg10[%dma_wait3A, %dma_wait3A_33] : memref<64x128xi32, #tpu.memory_space<vmem>> -> memref<30x128xi32, #tpu.memory_space<vmem>>
        %dma_wait3A_35 = arith.constant 0 : i32
        %dma_wait3A_36 = arith.constant 0 : i32
        %dma_wait3A_37 = tpu.memref_slice %arg6[%arg1, %dma_wait3A_35, %dma_wait3A_36] : memref<16x30x128xi32, #tpu.memory_space<hbm>> -> memref<1x30x128xi32, #tpu.memory_space<hbm>>
        %dma_wait3A_38 = tpu.memref_squeeze %dma_wait3A_37 : memref<1x30x128xi32, #tpu.memory_space<hbm>> -> memref<30x128xi32, #tpu.memory_space<hbm>>
        %dma_wait3A_39 = arith.constant 0 : i32
        %dma_wait3A_40 = arith.constant 0 : i32
        %dma_wait3A_41 = tpu.memref_slice %arg10[%dma_wait3A_39, %dma_wait3A_40] : memref<64x128xi32, #tpu.memory_space<vmem>> -> memref<30x128xi32, #tpu.memory_space<vmem>>
        %dma_wait3A_42 = arith.constant 0 : i32
        %dma_wait3A_43 = arith.constant 0 : i32
        %dma_wait3A_44 = tpu.memref_slice %arg6[%arg1, %dma_wait3A_42, %dma_wait3A_43] : memref<16x30x128xi32, #tpu.memory_space<hbm>> -> memref<1x30x128xi32, #tpu.memory_space<hbm>>
        %dma_wait3A_45 = tpu.memref_squeeze %dma_wait3A_44 : memref<1x30x128xi32, #tpu.memory_space<hbm>> -> memref<30x128xi32, #tpu.memory_space<hbm>>
        tpu.wait_dma2 semaphore(%run_scoped3A : memref<!tpu.dma_semaphore, #tpu.memory_space<semaphore_mem>>) src(%dma_wait3A_45 : memref<30x128xi32, #tpu.memory_space<hbm>>) dst(%dma_wait3A_41 : memref<30x128xi32, #tpu.memory_space<vmem>>)
        tpu.yield
      }) : () -> ()
      %scan3A = arith.constant 0 : i32
      %scan3A_15 = arith.constant 0 : i32
      %scan3A_16 = arith.constant 30 : i32
      %scan3A_17 = arith.addi %scan3A_15, %scan3A_16 : i32
      %scan3A_18 = arith.constant 1 : i32
      scf.for %scan3A_20 = %scan3A_15 to %scan3A_17 step %scan3A_18  : i32 {
        %dma_start3A = arith.constant 0 : i32
        %dma_start3A_21 = tpu.memref_slice %arg9[%scan3A_20, %dma_start3A] : memref<64x128xi32, #tpu.memory_space<vmem>> -> memref<1x128xi32, #tpu.memory_space<vmem>>
        %dma_start3A_22 = tpu.memref_squeeze %dma_start3A_21 : memref<1x128xi32, #tpu.memory_space<vmem>> -> memref<128xi32, #tpu.memory_space<vmem>>
        %dma_start3A_23 = arith.constant 0 : i32
        %dma_start3A_24 = arith.constant 0 : i32
        %dma_start3A_25 = tpu.memref_slice %arg2[%dma_start3A_23, %dma_start3A_24] : memref<10000x128xf32, #tpu.memory_space<hbm>> -> memref<10000x128xf32, #tpu.memory_space<hbm>>
        tpu.enqueue_indirect_dma source(%dma_start3A_25 : memref<10000x128xf32, #tpu.memory_space<hbm>>) target(%arg11 : memref<128x128xf32, #tpu.memory_space<vmem>>) offsets(%dma_start3A_22 : memref<128xi32, #tpu.memory_space<vmem>>) semaphore(%arg14 : memref<!tpu.dma_semaphore, #tpu.memory_space<semaphore_mem>>)
        %dma_wait3A = arith.constant 0 : i32
        %dma_wait3A_26 = tpu.memref_slice %arg9[%scan3A_20, %dma_wait3A] : memref<64x128xi32, #tpu.memory_space<vmem>> -> memref<1x128xi32, #tpu.memory_space<vmem>>
        %dma_wait3A_27 = tpu.memref_squeeze %dma_wait3A_26 : memref<1x128xi32, #tpu.memory_space<vmem>> -> memref<128xi32, #tpu.memory_space<vmem>>
        %dma_wait3A_28 = arith.constant 0 : i32
        %dma_wait3A_29 = arith.constant 0 : i32
        %dma_wait3A_30 = tpu.memref_slice %arg2[%dma_wait3A_28, %dma_wait3A_29] : memref<10000x128xf32, #tpu.memory_space<hbm>> -> memref<10000x128xf32, #tpu.memory_space<hbm>>
        tpu.wait_indirect_dma semaphore(%arg14 : memref<!tpu.dma_semaphore, #tpu.memory_space<semaphore_mem>>) src(%dma_wait3A_30 : memref<10000x128xf32, #tpu.memory_space<hbm>>) dst(%arg11 : memref<128x128xf32, #tpu.memory_space<vmem>>)
        "tpu.region"() ({
          %run_scoped3A = tpu.sem_alloc : memref<!tpu.dma_semaphore, #tpu.memory_space<semaphore_mem>>
          %dma_start3A_31 = arith.constant 0 : i32
          %dma_start3A_32 = tpu.memref_slice %arg10[%scan3A_20, %dma_start3A_31] : memref<64x128xi32, #tpu.memory_space<vmem>> -> memref<1x128xi32, #tpu.memory_space<vmem>>
          %dma_start3A_33 = tpu.memref_squeeze %dma_start3A_32 : memref<1x128xi32, #tpu.memory_space<vmem>> -> memref<128xi32, #tpu.memory_space<vmem>>
          %dma_start3A_34 = arith.constant 0 : i32
          %dma_start3A_35 = arith.constant 0 : i32
          %dma_start3A_36 = tpu.memref_slice %arg13[%dma_start3A_34, %dma_start3A_35] : memref<10112x128xf32, #tpu.memory_space<vmem_shared>> -> memref<10112x128xf32, #tpu.memory_space<vmem_shared>>
          tpu.enqueue_indirect_dma source(%arg11 : memref<128x128xf32, #tpu.memory_space<vmem>>) target(%dma_start3A_36 : memref<10112x128xf32, #tpu.memory_space<vmem_shared>>) offsets(%dma_start3A_33 : memref<128xi32, #tpu.memory_space<vmem>>) semaphore(%run_scoped3A : memref<!tpu.dma_semaphore, #tpu.memory_space<semaphore_mem>>) {add = true}
          %dma_wait3A_37 = arith.constant 0 : i32
          %dma_wait3A_38 = tpu.memref_slice %arg10[%scan3A_20, %dma_wait3A_37] : memref<64x128xi32, #tpu.memory_space<vmem>> -> memref<1x128xi32, #tpu.memory_space<vmem>>
          %dma_wait3A_39 = tpu.memref_squeeze %dma_wait3A_38 : memref<1x128xi32, #tpu.memory_space<vmem>> -> memref<128xi32, #tpu.memory_space<vmem>>
          %dma_wait3A_40 = arith.constant 0 : i32
          %dma_wait3A_41 = arith.constant 0 : i32
          %dma_wait3A_42 = tpu.memref_slice %arg13[%dma_wait3A_40, %dma_wait3A_41] : memref<10112x128xf32, #tpu.memory_space<vmem_shared>> -> memref<10112x128xf32, #tpu.memory_space<vmem_shared>>
          tpu.wait_indirect_dma semaphore(%run_scoped3A : memref<!tpu.dma_semaphore, #tpu.memory_space<semaphore_mem>>) src(%arg11 : memref<128x128xf32, #tpu.memory_space<vmem>>) dst(%dma_wait3A_42 : memref<10112x128xf32, #tpu.memory_space<vmem_shared>>)
          tpu.yield
        }) : () -> ()
      }
      %scan3A_19 = arith.constant 30 : i32
    } else {
    }
    %barrier3A_8 = arith.constant 0 : index
    tpu.barrier barrier_id(%barrier3A_8)
    %mul3A_9 = arith.constant 632 : i32
    %mul3A_10 = arith.muli %arg1, %mul3A_9 : i32
    %mul3A_11 = arith.constant 10112 : i32
    %mul3A_12 = arith.muli %arg0, %mul3A_11 : i32
    %mul3A_13 = arith.constant 632 : i32
    %mul3A_14 = arith.muli %arg1, %mul3A_13 : i32
    %add3A = arith.addi %mul3A_12, %mul3A_14 : i32
    "tpu.region"() ({
      %run_scoped3A = tpu.sem_alloc : memref<!tpu.dma_semaphore, #tpu.memory_space<semaphore_mem>>
      %dma_start3A = arith.constant 0 : i32
      %dma_start3A_15 = tpu.memref_slice %arg8[%add3A, %dma_start3A] : memref<20224x128xf32, #tpu.memory_space<hbm>> -> memref<632x128xf32, #tpu.memory_space<hbm>>
      %dma_start3A_16 = arith.constant 0 : i32
      %dma_start3A_17 = tpu.memref_slice %arg13[%mul3A_10, %dma_start3A_16] : memref<10112x128xf32, #tpu.memory_space<vmem_shared>> -> memref<632x128xf32, #tpu.memory_space<vmem_shared>>
      tpu.enqueue_dma source(%dma_start3A_17 : memref<632x128xf32, #tpu.memory_space<vmem_shared>>) target(%dma_start3A_15 : memref<632x128xf32, #tpu.memory_space<hbm>>) target_semaphore(%run_scoped3A : memref<!tpu.dma_semaphore, #tpu.memory_space<semaphore_mem>>)
      %dma_wait3A = arith.constant 0 : i32
      %dma_wait3A_18 = tpu.memref_slice %arg8[%add3A, %dma_wait3A] : memref<20224x128xf32, #tpu.memory_space<hbm>> -> memref<632x128xf32, #tpu.memory_space<hbm>>
      %dma_wait3A_19 = arith.constant 0 : i32
      %dma_wait3A_20 = tpu.memref_slice %arg13[%mul3A_10, %dma_wait3A_19] : memref<10112x128xf32, #tpu.memory_space<vmem_shared>> -> memref<632x128xf32, #tpu.memory_space<vmem_shared>>
      tpu.wait_dma2 semaphore(%run_scoped3A : memref<!tpu.dma_semaphore, #tpu.memory_space<semaphore_mem>>) src(%dma_wait3A_20 : memref<632x128xf32, #tpu.memory_space<vmem_shared>>) dst(%dma_wait3A_18 : memref<632x128xf32, #tpu.memory_space<hbm>>)
      tpu.yield
    }) : () -> ()
    return
  }
}

#map = affine_map<(d0, d1) -> (0, 0)>
#map1 = affine_map<(d0, d1) -> (0, 0, 0)>
module attributes {stable_mosaic.version = 14 : i64} {
  func.func @segsum_kernel(%arg0: i32, %arg1: i32, %arg2: memref<10000x128xf32, #tpu.memory_space<hbm>>, %arg3: memref<16x128x128xi32, #tpu.memory_space<hbm>>, %arg4: memref<16x128x128xi32, #tpu.memory_space<hbm>>, %arg5: memref<16x30x128xi32, #tpu.memory_space<hbm>>, %arg6: memref<16x30x128xi32, #tpu.memory_space<hbm>>, %arg7: memref<632x128xf32, #tpu.memory_space<hbm>>, %arg8: memref<20224x128xf32, #tpu.memory_space<hbm>>, %arg9: memref<64x128xi32, #tpu.memory_space<vmem>>, %arg10: memref<64x128xi32, #tpu.memory_space<vmem>>, %arg11: memref<128x128xf32, #tpu.memory_space<vmem>>, %arg12: memref<128x128xf32, #tpu.memory_space<vmem>>, %arg13: memref<10112x128xf32, #tpu.memory_space<vmem_shared>>, %arg14: memref<!tpu.dma_semaphore, #tpu.memory_space<semaphore_mem>>, %arg15: memref<!tpu.dma_semaphore, #tpu.memory_space<semaphore_mem>>, %arg16: memref<!tpu.dma_semaphore, #tpu.memory_space<semaphore_mem>>) attributes {dimension_semantics = [#tpu.dimension_semantics<core_parallel>, #tpu.dimension_semantics<subcore_parallel>], iteration_bounds = array<i64: 2, 16>, scalar_prefetch = 0 : i64, scratch_operands = 8 : i64, tpu.core_type = #tpu.core_type<sc_vector_subcore>, window_params = [{transform_indices = #map}, {transform_indices = #map1}, {transform_indices = #map1}, {transform_indices = #map1}, {transform_indices = #map1}, {transform_indices = #map}, {transform_indices = #map}]} {
    %mul3A = arith.constant 632 : i32
    %mul3A_0 = arith.muli %arg1, %mul3A : i32
    "tpu.region"() ({
      %run_scoped3A = tpu.sem_alloc : memref<!tpu.dma_semaphore, #tpu.memory_space<semaphore_mem>>
      %dma_start3A = arith.constant 0 : i32
      %dma_start3A_15 = tpu.memref_slice %arg13[%mul3A_0, %dma_start3A] : memref<10112x128xf32, #tpu.memory_space<vmem_shared>> -> memref<632x128xf32, #tpu.memory_space<vmem_shared>>
      tpu.enqueue_dma source(%arg7 : memref<632x128xf32, #tpu.memory_space<hbm>>) target(%dma_start3A_15 : memref<632x128xf32, #tpu.memory_space<vmem_shared>>) target_semaphore(%run_scoped3A : memref<!tpu.dma_semaphore, #tpu.memory_space<semaphore_mem>>)
      %dma_wait3A = arith.constant 0 : i32
      %dma_wait3A_16 = tpu.memref_slice %arg13[%mul3A_0, %dma_wait3A] : memref<10112x128xf32, #tpu.memory_space<vmem_shared>> -> memref<632x128xf32, #tpu.memory_space<vmem_shared>>
      tpu.wait_dma2 semaphore(%run_scoped3A : memref<!tpu.dma_semaphore, #tpu.memory_space<semaphore_mem>>) src(%arg7 : memref<632x128xf32, #tpu.memory_space<hbm>>) dst(%dma_wait3A_16 : memref<632x128xf32, #tpu.memory_space<vmem_shared>>)
      tpu.yield
    }) : () -> ()
    %barrier3A = arith.constant 0 : index
    tpu.barrier barrier_id(%barrier3A)
    %eq3A = arith.constant 0 : i32
    %eq3A_1 = arith.cmpi eq, %arg0, %eq3A : i32
    %convert_element_type3A = arith.extui %eq3A_1 : i1 to i32
    %cond3A = arith.constant 0 : i32
    %cond3A_2 = arith.cmpi ne, %convert_element_type3A, %cond3A : i32
    scf.if %cond3A_2 {
      "tpu.region"() ({
        %run_scoped3A = tpu.sem_alloc : memref<!tpu.dma_semaphore, #tpu.memory_space<semaphore_mem>>
        %dma_start3A_39 = arith.constant 0 : i32
        %dma_start3A_40 = arith.constant 0 : i32
        %dma_start3A_41 = tpu.memref_slice %arg9[%dma_start3A_39, %dma_start3A_40] : memref<64x128xi32, #tpu.memory_space<vmem>> -> memref<64x128xi32, #tpu.memory_space<vmem>>
        %dma_start3A_42 = arith.constant 0 : i32
        %dma_start3A_43 = arith.constant 0 : i32
        %dma_start3A_44 = tpu.memref_slice %arg3[%arg1, %dma_start3A_42, %dma_start3A_43] : memref<16x128x128xi32, #tpu.memory_space<hbm>> -> memref<1x64x128xi32, #tpu.memory_space<hbm>>
        %dma_start3A_45 = tpu.memref_squeeze %dma_start3A_44 : memref<1x64x128xi32, #tpu.memory_space<hbm>> -> memref<64x128xi32, #tpu.memory_space<hbm>>
        %dma_start3A_46 = arith.constant 0 : i32
        %dma_start3A_47 = arith.constant 0 : i32
        %dma_start3A_48 = tpu.memref_slice %arg9[%dma_start3A_46, %dma_start3A_47] : memref<64x128xi32, #tpu.memory_space<vmem>> -> memref<64x128xi32, #tpu.memory_space<vmem>>
        %dma_start3A_49 = arith.constant 0 : i32
        %dma_start3A_50 = arith.constant 0 : i32
        %dma_start3A_51 = tpu.memref_slice %arg3[%arg1, %dma_start3A_49, %dma_start3A_50] : memref<16x128x128xi32, #tpu.memory_space<hbm>> -> memref<1x64x128xi32, #tpu.memory_space<hbm>>
        %dma_start3A_52 = tpu.memref_squeeze %dma_start3A_51 : memref<1x64x128xi32, #tpu.memory_space<hbm>> -> memref<64x128xi32, #tpu.memory_space<hbm>>
        tpu.enqueue_dma source(%dma_start3A_52 : memref<64x128xi32, #tpu.memory_space<hbm>>) target(%dma_start3A_48 : memref<64x128xi32, #tpu.memory_space<vmem>>) target_semaphore(%run_scoped3A : memref<!tpu.dma_semaphore, #tpu.memory_space<semaphore_mem>>)
        %dma_wait3A = arith.constant 0 : i32
        %dma_wait3A_53 = arith.constant 0 : i32
        %dma_wait3A_54 = tpu.memref_slice %arg9[%dma_wait3A, %dma_wait3A_53] : memref<64x128xi32, #tpu.memory_space<vmem>> -> memref<64x128xi32, #tpu.memory_space<vmem>>
        %dma_wait3A_55 = arith.constant 0 : i32
        %dma_wait3A_56 = arith.constant 0 : i32
        %dma_wait3A_57 = tpu.memref_slice %arg3[%arg1, %dma_wait3A_55, %dma_wait3A_56] : memref<16x128x128xi32, #tpu.memory_space<hbm>> -> memref<1x64x128xi32, #tpu.memory_space<hbm>>
        %dma_wait3A_58 = tpu.memref_squeeze %dma_wait3A_57 : memref<1x64x128xi32, #tpu.memory_space<hbm>> -> memref<64x128xi32, #tpu.memory_space<hbm>>
        %dma_wait3A_59 = arith.constant 0 : i32
        %dma_wait3A_60 = arith.constant 0 : i32
        %dma_wait3A_61 = tpu.memref_slice %arg9[%dma_wait3A_59, %dma_wait3A_60] : memref<64x128xi32, #tpu.memory_space<vmem>> -> memref<64x128xi32, #tpu.memory_space<vmem>>
        %dma_wait3A_62 = arith.constant 0 : i32
        %dma_wait3A_63 = arith.constant 0 : i32
        %dma_wait3A_64 = tpu.memref_slice %arg3[%arg1, %dma_wait3A_62, %dma_wait3A_63] : memref<16x128x128xi32, #tpu.memory_space<hbm>> -> memref<1x64x128xi32, #tpu.memory_space<hbm>>
        %dma_wait3A_65 = tpu.memref_squeeze %dma_wait3A_64 : memref<1x64x128xi32, #tpu.memory_space<hbm>> -> memref<64x128xi32, #tpu.memory_space<hbm>>
        tpu.wait_dma2 semaphore(%run_scoped3A : memref<!tpu.dma_semaphore, #tpu.memory_space<semaphore_mem>>) src(%dma_wait3A_65 : memref<64x128xi32, #tpu.memory_space<hbm>>) dst(%dma_wait3A_61 : memref<64x128xi32, #tpu.memory_space<vmem>>)
        tpu.yield
      }) : () -> ()
      "tpu.region"() ({
        %run_scoped3A = tpu.sem_alloc : memref<!tpu.dma_semaphore, #tpu.memory_space<semaphore_mem>>
        %dma_start3A_39 = arith.constant 0 : i32
        %dma_start3A_40 = arith.constant 0 : i32
        %dma_start3A_41 = tpu.memref_slice %arg10[%dma_start3A_39, %dma_start3A_40] : memref<64x128xi32, #tpu.memory_space<vmem>> -> memref<64x128xi32, #tpu.memory_space<vmem>>
        %dma_start3A_42 = arith.constant 0 : i32
        %dma_start3A_43 = arith.constant 0 : i32
        %dma_start3A_44 = tpu.memref_slice %arg4[%arg1, %dma_start3A_42, %dma_start3A_43] : memref<16x128x128xi32, #tpu.memory_space<hbm>> -> memref<1x64x128xi32, #tpu.memory_space<hbm>>
        %dma_start3A_45 = tpu.memref_squeeze %dma_start3A_44 : memref<1x64x128xi32, #tpu.memory_space<hbm>> -> memref<64x128xi32, #tpu.memory_space<hbm>>
        %dma_start3A_46 = arith.constant 0 : i32
        %dma_start3A_47 = arith.constant 0 : i32
        %dma_start3A_48 = tpu.memref_slice %arg10[%dma_start3A_46, %dma_start3A_47] : memref<64x128xi32, #tpu.memory_space<vmem>> -> memref<64x128xi32, #tpu.memory_space<vmem>>
        %dma_start3A_49 = arith.constant 0 : i32
        %dma_start3A_50 = arith.constant 0 : i32
        %dma_start3A_51 = tpu.memref_slice %arg4[%arg1, %dma_start3A_49, %dma_start3A_50] : memref<16x128x128xi32, #tpu.memory_space<hbm>> -> memref<1x64x128xi32, #tpu.memory_space<hbm>>
        %dma_start3A_52 = tpu.memref_squeeze %dma_start3A_51 : memref<1x64x128xi32, #tpu.memory_space<hbm>> -> memref<64x128xi32, #tpu.memory_space<hbm>>
        tpu.enqueue_dma source(%dma_start3A_52 : memref<64x128xi32, #tpu.memory_space<hbm>>) target(%dma_start3A_48 : memref<64x128xi32, #tpu.memory_space<vmem>>) target_semaphore(%run_scoped3A : memref<!tpu.dma_semaphore, #tpu.memory_space<semaphore_mem>>)
        %dma_wait3A = arith.constant 0 : i32
        %dma_wait3A_53 = arith.constant 0 : i32
        %dma_wait3A_54 = tpu.memref_slice %arg10[%dma_wait3A, %dma_wait3A_53] : memref<64x128xi32, #tpu.memory_space<vmem>> -> memref<64x128xi32, #tpu.memory_space<vmem>>
        %dma_wait3A_55 = arith.constant 0 : i32
        %dma_wait3A_56 = arith.constant 0 : i32
        %dma_wait3A_57 = tpu.memref_slice %arg4[%arg1, %dma_wait3A_55, %dma_wait3A_56] : memref<16x128x128xi32, #tpu.memory_space<hbm>> -> memref<1x64x128xi32, #tpu.memory_space<hbm>>
        %dma_wait3A_58 = tpu.memref_squeeze %dma_wait3A_57 : memref<1x64x128xi32, #tpu.memory_space<hbm>> -> memref<64x128xi32, #tpu.memory_space<hbm>>
        %dma_wait3A_59 = arith.constant 0 : i32
        %dma_wait3A_60 = arith.constant 0 : i32
        %dma_wait3A_61 = tpu.memref_slice %arg10[%dma_wait3A_59, %dma_wait3A_60] : memref<64x128xi32, #tpu.memory_space<vmem>> -> memref<64x128xi32, #tpu.memory_space<vmem>>
        %dma_wait3A_62 = arith.constant 0 : i32
        %dma_wait3A_63 = arith.constant 0 : i32
        %dma_wait3A_64 = tpu.memref_slice %arg4[%arg1, %dma_wait3A_62, %dma_wait3A_63] : memref<16x128x128xi32, #tpu.memory_space<hbm>> -> memref<1x64x128xi32, #tpu.memory_space<hbm>>
        %dma_wait3A_65 = tpu.memref_squeeze %dma_wait3A_64 : memref<1x64x128xi32, #tpu.memory_space<hbm>> -> memref<64x128xi32, #tpu.memory_space<hbm>>
        tpu.wait_dma2 semaphore(%run_scoped3A : memref<!tpu.dma_semaphore, #tpu.memory_space<semaphore_mem>>) src(%dma_wait3A_65 : memref<64x128xi32, #tpu.memory_space<hbm>>) dst(%dma_wait3A_61 : memref<64x128xi32, #tpu.memory_space<vmem>>)
        tpu.yield
      }) : () -> ()
      %dma_start3A = arith.constant 0 : i32
      %dma_start3A_15 = arith.constant 0 : i32
      %dma_start3A_16 = tpu.memref_slice %arg9[%dma_start3A, %dma_start3A_15] : memref<64x128xi32, #tpu.memory_space<vmem>> -> memref<1x128xi32, #tpu.memory_space<vmem>>
      %dma_start3A_17 = tpu.memref_squeeze %dma_start3A_16 : memref<1x128xi32, #tpu.memory_space<vmem>> -> memref<128xi32, #tpu.memory_space<vmem>>
      %dma_start3A_18 = arith.constant 0 : i32
      %dma_start3A_19 = arith.constant 0 : i32
      %dma_start3A_20 = tpu.memref_slice %arg2[%dma_start3A_18, %dma_start3A_19] : memref<10000x128xf32, #tpu.memory_space<hbm>> -> memref<10000x128xf32, #tpu.memory_space<hbm>>
      tpu.enqueue_indirect_dma source(%dma_start3A_20 : memref<10000x128xf32, #tpu.memory_space<hbm>>) target(%arg11 : memref<128x128xf32, #tpu.memory_space<vmem>>) offsets(%dma_start3A_17 : memref<128xi32, #tpu.memory_space<vmem>>) semaphore(%arg14 : memref<!tpu.dma_semaphore, #tpu.memory_space<semaphore_mem>>)
      %scan3A = arith.constant 0 : i32
      %scan3A_21 = arith.constant 0 : i32
      %scan3A_22 = arith.constant 32 : i32
      %scan3A_23 = arith.addi %scan3A_21, %scan3A_22 : i32
      %scan3A_24 = arith.constant 1 : i32
      scf.for %scan3A_39 = %scan3A_21 to %scan3A_23 step %scan3A_24  : i32 {
        %mul3A_40 = arith.constant 2 : i32
        %mul3A_41 = arith.muli %scan3A_39, %mul3A_40 : i32
        %dma_wait3A = arith.constant 0 : i32
        %dma_wait3A_42 = tpu.memref_slice %arg9[%mul3A_41, %dma_wait3A] : memref<64x128xi32, #tpu.memory_space<vmem>> -> memref<1x128xi32, #tpu.memory_space<vmem>>
        %dma_wait3A_43 = tpu.memref_squeeze %dma_wait3A_42 : memref<1x128xi32, #tpu.memory_space<vmem>> -> memref<128xi32, #tpu.memory_space<vmem>>
        %dma_wait3A_44 = arith.constant 0 : i32
        %dma_wait3A_45 = arith.constant 0 : i32
        %dma_wait3A_46 = tpu.memref_slice %arg2[%dma_wait3A_44, %dma_wait3A_45] : memref<10000x128xf32, #tpu.memory_space<hbm>> -> memref<10000x128xf32, #tpu.memory_space<hbm>>
        tpu.wait_indirect_dma semaphore(%arg14 : memref<!tpu.dma_semaphore, #tpu.memory_space<semaphore_mem>>) src(%dma_wait3A_46 : memref<10000x128xf32, #tpu.memory_space<hbm>>) dst(%arg11 : memref<128x128xf32, #tpu.memory_space<vmem>>)
        %add3A_47 = arith.constant 1 : i32
        %add3A_48 = arith.addi %mul3A_41, %add3A_47 : i32
        %dma_start3A_49 = arith.constant 0 : i32
        %dma_start3A_50 = tpu.memref_slice %arg9[%add3A_48, %dma_start3A_49] : memref<64x128xi32, #tpu.memory_space<vmem>> -> memref<1x128xi32, #tpu.memory_space<vmem>>
        %dma_start3A_51 = tpu.memref_squeeze %dma_start3A_50 : memref<1x128xi32, #tpu.memory_space<vmem>> -> memref<128xi32, #tpu.memory_space<vmem>>
        %dma_start3A_52 = arith.constant 0 : i32
        %dma_start3A_53 = arith.constant 0 : i32
        %dma_start3A_54 = tpu.memref_slice %arg2[%dma_start3A_52, %dma_start3A_53] : memref<10000x128xf32, #tpu.memory_space<hbm>> -> memref<10000x128xf32, #tpu.memory_space<hbm>>
        tpu.enqueue_indirect_dma source(%dma_start3A_54 : memref<10000x128xf32, #tpu.memory_space<hbm>>) target(%arg12 : memref<128x128xf32, #tpu.memory_space<vmem>>) offsets(%dma_start3A_51 : memref<128xi32, #tpu.memory_space<vmem>>) semaphore(%arg15 : memref<!tpu.dma_semaphore, #tpu.memory_space<semaphore_mem>>)
        %dma_start3A_55 = arith.constant 0 : i32
        %dma_start3A_56 = tpu.memref_slice %arg10[%mul3A_41, %dma_start3A_55] : memref<64x128xi32, #tpu.memory_space<vmem>> -> memref<1x128xi32, #tpu.memory_space<vmem>>
        %dma_start3A_57 = tpu.memref_squeeze %dma_start3A_56 : memref<1x128xi32, #tpu.memory_space<vmem>> -> memref<128xi32, #tpu.memory_space<vmem>>
        %dma_start3A_58 = arith.constant 0 : i32
        %dma_start3A_59 = arith.constant 0 : i32
        %dma_start3A_60 = tpu.memref_slice %arg13[%dma_start3A_58, %dma_start3A_59] : memref<10112x128xf32, #tpu.memory_space<vmem_shared>> -> memref<10112x128xf32, #tpu.memory_space<vmem_shared>>
        tpu.enqueue_indirect_dma source(%arg11 : memref<128x128xf32, #tpu.memory_space<vmem>>) target(%dma_start3A_60 : memref<10112x128xf32, #tpu.memory_space<vmem_shared>>) offsets(%dma_start3A_57 : memref<128xi32, #tpu.memory_space<vmem>>) semaphore(%arg16 : memref<!tpu.dma_semaphore, #tpu.memory_space<semaphore_mem>>) {add = true}
        %dma_wait3A_61 = arith.constant 0 : i32
        %dma_wait3A_62 = tpu.memref_slice %arg9[%mul3A_41, %dma_wait3A_61] : memref<64x128xi32, #tpu.memory_space<vmem>> -> memref<1x128xi32, #tpu.memory_space<vmem>>
        %dma_wait3A_63 = tpu.memref_squeeze %dma_wait3A_62 : memref<1x128xi32, #tpu.memory_space<vmem>> -> memref<128xi32, #tpu.memory_space<vmem>>
        %dma_wait3A_64 = arith.constant 0 : i32
        %dma_wait3A_65 = arith.constant 0 : i32
        %dma_wait3A_66 = tpu.memref_slice %arg2[%dma_wait3A_64, %dma_wait3A_65] : memref<10000x128xf32, #tpu.memory_space<hbm>> -> memref<10000x128xf32, #tpu.memory_space<hbm>>
        tpu.wait_indirect_dma semaphore(%arg15 : memref<!tpu.dma_semaphore, #tpu.memory_space<semaphore_mem>>) src(%dma_wait3A_66 : memref<10000x128xf32, #tpu.memory_space<hbm>>) dst(%arg12 : memref<128x128xf32, #tpu.memory_space<vmem>>)
        %dma_wait3A_67 = arith.constant 0 : i32
        %dma_wait3A_68 = tpu.memref_slice %arg10[%mul3A_41, %dma_wait3A_67] : memref<64x128xi32, #tpu.memory_space<vmem>> -> memref<1x128xi32, #tpu.memory_space<vmem>>
        %dma_wait3A_69 = tpu.memref_squeeze %dma_wait3A_68 : memref<1x128xi32, #tpu.memory_space<vmem>> -> memref<128xi32, #tpu.memory_space<vmem>>
        %dma_wait3A_70 = arith.constant 0 : i32
        %dma_wait3A_71 = arith.constant 0 : i32
        %dma_wait3A_72 = tpu.memref_slice %arg13[%dma_wait3A_70, %dma_wait3A_71] : memref<10112x128xf32, #tpu.memory_space<vmem_shared>> -> memref<10112x128xf32, #tpu.memory_space<vmem_shared>>
        tpu.wait_indirect_dma semaphore(%arg16 : memref<!tpu.dma_semaphore, #tpu.memory_space<semaphore_mem>>) src(%arg11 : memref<128x128xf32, #tpu.memory_space<vmem>>) dst(%dma_wait3A_72 : memref<10112x128xf32, #tpu.memory_space<vmem_shared>>)
        %add3A_73 = arith.constant 1 : i32
        %add3A_74 = arith.addi %scan3A_39, %add3A_73 : i32
        %lt3A = arith.constant 32 : i32
        %lt3A_75 = arith.cmpi slt, %add3A_74, %lt3A : i32
        %convert_element_type3A_76 = arith.extui %lt3A_75 : i1 to i32
        %cond3A_77 = arith.constant 0 : i32
        %cond3A_78 = arith.cmpi ne, %convert_element_type3A_76, %cond3A_77 : i32
        scf.if %cond3A_78 {
          %add3A_81 = arith.constant 2 : i32
          %add3A_82 = arith.addi %mul3A_41, %add3A_81 : i32
          %dma_start3A_83 = arith.constant 0 : i32
          %dma_start3A_84 = tpu.memref_slice %arg9[%add3A_82, %dma_start3A_83] : memref<64x128xi32, #tpu.memory_space<vmem>> -> memref<1x128xi32, #tpu.memory_space<vmem>>
          %dma_start3A_85 = tpu.memref_squeeze %dma_start3A_84 : memref<1x128xi32, #tpu.memory_space<vmem>> -> memref<128xi32, #tpu.memory_space<vmem>>
          %dma_start3A_86 = arith.constant 0 : i32
          %dma_start3A_87 = arith.constant 0 : i32
          %dma_start3A_88 = tpu.memref_slice %arg2[%dma_start3A_86, %dma_start3A_87] : memref<10000x128xf32, #tpu.memory_space<hbm>> -> memref<10000x128xf32, #tpu.memory_space<hbm>>
          tpu.enqueue_indirect_dma source(%dma_start3A_88 : memref<10000x128xf32, #tpu.memory_space<hbm>>) target(%arg11 : memref<128x128xf32, #tpu.memory_space<vmem>>) offsets(%dma_start3A_85 : memref<128xi32, #tpu.memory_space<vmem>>) semaphore(%arg14 : memref<!tpu.dma_semaphore, #tpu.memory_space<semaphore_mem>>)
        } else {
        }
        %add3A_79 = arith.constant 1 : i32
        %add3A_80 = arith.addi %mul3A_41, %add3A_79 : i32
        "tpu.region"() ({
          %run_scoped3A = tpu.sem_alloc : memref<!tpu.dma_semaphore, #tpu.memory_space<semaphore_mem>>
          %dma_start3A_81 = arith.constant 0 : i32
          %dma_start3A_82 = tpu.memref_slice %arg10[%add3A_80, %dma_start3A_81] : memref<64x128xi32, #tpu.memory_space<vmem>> -> memref<1x128xi32, #tpu.memory_space<vmem>>
          %dma_start3A_83 = tpu.memref_squeeze %dma_start3A_82 : memref<1x128xi32, #tpu.memory_space<vmem>> -> memref<128xi32, #tpu.memory_space<vmem>>
          %dma_start3A_84 = arith.constant 0 : i32
          %dma_start3A_85 = arith.constant 0 : i32
          %dma_start3A_86 = tpu.memref_slice %arg13[%dma_start3A_84, %dma_start3A_85] : memref<10112x128xf32, #tpu.memory_space<vmem_shared>> -> memref<10112x128xf32, #tpu.memory_space<vmem_shared>>
          tpu.enqueue_indirect_dma source(%arg12 : memref<128x128xf32, #tpu.memory_space<vmem>>) target(%dma_start3A_86 : memref<10112x128xf32, #tpu.memory_space<vmem_shared>>) offsets(%dma_start3A_83 : memref<128xi32, #tpu.memory_space<vmem>>) semaphore(%run_scoped3A : memref<!tpu.dma_semaphore, #tpu.memory_space<semaphore_mem>>) {add = true}
          %dma_wait3A_87 = arith.constant 0 : i32
          %dma_wait3A_88 = tpu.memref_slice %arg10[%add3A_80, %dma_wait3A_87] : memref<64x128xi32, #tpu.memory_space<vmem>> -> memref<1x128xi32, #tpu.memory_space<vmem>>
          %dma_wait3A_89 = tpu.memref_squeeze %dma_wait3A_88 : memref<1x128xi32, #tpu.memory_space<vmem>> -> memref<128xi32, #tpu.memory_space<vmem>>
          %dma_wait3A_90 = arith.constant 0 : i32
          %dma_wait3A_91 = arith.constant 0 : i32
          %dma_wait3A_92 = tpu.memref_slice %arg13[%dma_wait3A_90, %dma_wait3A_91] : memref<10112x128xf32, #tpu.memory_space<vmem_shared>> -> memref<10112x128xf32, #tpu.memory_space<vmem_shared>>
          tpu.wait_indirect_dma semaphore(%run_scoped3A : memref<!tpu.dma_semaphore, #tpu.memory_space<semaphore_mem>>) src(%arg12 : memref<128x128xf32, #tpu.memory_space<vmem>>) dst(%dma_wait3A_92 : memref<10112x128xf32, #tpu.memory_space<vmem_shared>>)
          tpu.yield
        }) : () -> ()
      }
      %scan3A_25 = arith.constant 32 : i32
      "tpu.region"() ({
        %run_scoped3A = tpu.sem_alloc : memref<!tpu.dma_semaphore, #tpu.memory_space<semaphore_mem>>
        %dma_start3A_39 = arith.constant 0 : i32
        %dma_start3A_40 = arith.constant 0 : i32
        %dma_start3A_41 = tpu.memref_slice %arg9[%dma_start3A_39, %dma_start3A_40] : memref<64x128xi32, #tpu.memory_space<vmem>> -> memref<64x128xi32, #tpu.memory_space<vmem>>
        %dma_start3A_42 = arith.constant 64 : i32
        %dma_start3A_43 = arith.constant 0 : i32
        %dma_start3A_44 = tpu.memref_slice %arg3[%arg1, %dma_start3A_42, %dma_start3A_43] : memref<16x128x128xi32, #tpu.memory_space<hbm>> -> memref<1x64x128xi32, #tpu.memory_space<hbm>>
        %dma_start3A_45 = tpu.memref_squeeze %dma_start3A_44 : memref<1x64x128xi32, #tpu.memory_space<hbm>> -> memref<64x128xi32, #tpu.memory_space<hbm>>
        %dma_start3A_46 = arith.constant 0 : i32
        %dma_start3A_47 = arith.constant 0 : i32
        %dma_start3A_48 = tpu.memref_slice %arg9[%dma_start3A_46, %dma_start3A_47] : memref<64x128xi32, #tpu.memory_space<vmem>> -> memref<64x128xi32, #tpu.memory_space<vmem>>
        %dma_start3A_49 = arith.constant 64 : i32
        %dma_start3A_50 = arith.constant 0 : i32
        %dma_start3A_51 = tpu.memref_slice %arg3[%arg1, %dma_start3A_49, %dma_start3A_50] : memref<16x128x128xi32, #tpu.memory_space<hbm>> -> memref<1x64x128xi32, #tpu.memory_space<hbm>>
        %dma_start3A_52 = tpu.memref_squeeze %dma_start3A_51 : memref<1x64x128xi32, #tpu.memory_space<hbm>> -> memref<64x128xi32, #tpu.memory_space<hbm>>
        tpu.enqueue_dma source(%dma_start3A_52 : memref<64x128xi32, #tpu.memory_space<hbm>>) target(%dma_start3A_48 : memref<64x128xi32, #tpu.memory_space<vmem>>) target_semaphore(%run_scoped3A : memref<!tpu.dma_semaphore, #tpu.memory_space<semaphore_mem>>)
        %dma_wait3A = arith.constant 0 : i32
        %dma_wait3A_53 = arith.constant 0 : i32
        %dma_wait3A_54 = tpu.memref_slice %arg9[%dma_wait3A, %dma_wait3A_53] : memref<64x128xi32, #tpu.memory_space<vmem>> -> memref<64x128xi32, #tpu.memory_space<vmem>>
        %dma_wait3A_55 = arith.constant 64 : i32
        %dma_wait3A_56 = arith.constant 0 : i32
        %dma_wait3A_57 = tpu.memref_slice %arg3[%arg1, %dma_wait3A_55, %dma_wait3A_56] : memref<16x128x128xi32, #tpu.memory_space<hbm>> -> memref<1x64x128xi32, #tpu.memory_space<hbm>>
        %dma_wait3A_58 = tpu.memref_squeeze %dma_wait3A_57 : memref<1x64x128xi32, #tpu.memory_space<hbm>> -> memref<64x128xi32, #tpu.memory_space<hbm>>
        %dma_wait3A_59 = arith.constant 0 : i32
        %dma_wait3A_60 = arith.constant 0 : i32
        %dma_wait3A_61 = tpu.memref_slice %arg9[%dma_wait3A_59, %dma_wait3A_60] : memref<64x128xi32, #tpu.memory_space<vmem>> -> memref<64x128xi32, #tpu.memory_space<vmem>>
        %dma_wait3A_62 = arith.constant 64 : i32
        %dma_wait3A_63 = arith.constant 0 : i32
        %dma_wait3A_64 = tpu.memref_slice %arg3[%arg1, %dma_wait3A_62, %dma_wait3A_63] : memref<16x128x128xi32, #tpu.memory_space<hbm>> -> memref<1x64x128xi32, #tpu.memory_space<hbm>>
        %dma_wait3A_65 = tpu.memref_squeeze %dma_wait3A_64 : memref<1x64x128xi32, #tpu.memory_space<hbm>> -> memref<64x128xi32, #tpu.memory_space<hbm>>
        tpu.wait_dma2 semaphore(%run_scoped3A : memref<!tpu.dma_semaphore, #tpu.memory_space<semaphore_mem>>) src(%dma_wait3A_65 : memref<64x128xi32, #tpu.memory_space<hbm>>) dst(%dma_wait3A_61 : memref<64x128xi32, #tpu.memory_space<vmem>>)
        tpu.yield
      }) : () -> ()
      "tpu.region"() ({
        %run_scoped3A = tpu.sem_alloc : memref<!tpu.dma_semaphore, #tpu.memory_space<semaphore_mem>>
        %dma_start3A_39 = arith.constant 0 : i32
        %dma_start3A_40 = arith.constant 0 : i32
        %dma_start3A_41 = tpu.memref_slice %arg10[%dma_start3A_39, %dma_start3A_40] : memref<64x128xi32, #tpu.memory_space<vmem>> -> memref<64x128xi32, #tpu.memory_space<vmem>>
        %dma_start3A_42 = arith.constant 64 : i32
        %dma_start3A_43 = arith.constant 0 : i32
        %dma_start3A_44 = tpu.memref_slice %arg4[%arg1, %dma_start3A_42, %dma_start3A_43] : memref<16x128x128xi32, #tpu.memory_space<hbm>> -> memref<1x64x128xi32, #tpu.memory_space<hbm>>
        %dma_start3A_45 = tpu.memref_squeeze %dma_start3A_44 : memref<1x64x128xi32, #tpu.memory_space<hbm>> -> memref<64x128xi32, #tpu.memory_space<hbm>>
        %dma_start3A_46 = arith.constant 0 : i32
        %dma_start3A_47 = arith.constant 0 : i32
        %dma_start3A_48 = tpu.memref_slice %arg10[%dma_start3A_46, %dma_start3A_47] : memref<64x128xi32, #tpu.memory_space<vmem>> -> memref<64x128xi32, #tpu.memory_space<vmem>>
        %dma_start3A_49 = arith.constant 64 : i32
        %dma_start3A_50 = arith.constant 0 : i32
        %dma_start3A_51 = tpu.memref_slice %arg4[%arg1, %dma_start3A_49, %dma_start3A_50] : memref<16x128x128xi32, #tpu.memory_space<hbm>> -> memref<1x64x128xi32, #tpu.memory_space<hbm>>
        %dma_start3A_52 = tpu.memref_squeeze %dma_start3A_51 : memref<1x64x128xi32, #tpu.memory_space<hbm>> -> memref<64x128xi32, #tpu.memory_space<hbm>>
        tpu.enqueue_dma source(%dma_start3A_52 : memref<64x128xi32, #tpu.memory_space<hbm>>) target(%dma_start3A_48 : memref<64x128xi32, #tpu.memory_space<vmem>>) target_semaphore(%run_scoped3A : memref<!tpu.dma_semaphore, #tpu.memory_space<semaphore_mem>>)
        %dma_wait3A = arith.constant 0 : i32
        %dma_wait3A_53 = arith.constant 0 : i32
        %dma_wait3A_54 = tpu.memref_slice %arg10[%dma_wait3A, %dma_wait3A_53] : memref<64x128xi32, #tpu.memory_space<vmem>> -> memref<64x128xi32, #tpu.memory_space<vmem>>
        %dma_wait3A_55 = arith.constant 64 : i32
        %dma_wait3A_56 = arith.constant 0 : i32
        %dma_wait3A_57 = tpu.memref_slice %arg4[%arg1, %dma_wait3A_55, %dma_wait3A_56] : memref<16x128x128xi32, #tpu.memory_space<hbm>> -> memref<1x64x128xi32, #tpu.memory_space<hbm>>
        %dma_wait3A_58 = tpu.memref_squeeze %dma_wait3A_57 : memref<1x64x128xi32, #tpu.memory_space<hbm>> -> memref<64x128xi32, #tpu.memory_space<hbm>>
        %dma_wait3A_59 = arith.constant 0 : i32
        %dma_wait3A_60 = arith.constant 0 : i32
        %dma_wait3A_61 = tpu.memref_slice %arg10[%dma_wait3A_59, %dma_wait3A_60] : memref<64x128xi32, #tpu.memory_space<vmem>> -> memref<64x128xi32, #tpu.memory_space<vmem>>
        %dma_wait3A_62 = arith.constant 64 : i32
        %dma_wait3A_63 = arith.constant 0 : i32
        %dma_wait3A_64 = tpu.memref_slice %arg4[%arg1, %dma_wait3A_62, %dma_wait3A_63] : memref<16x128x128xi32, #tpu.memory_space<hbm>> -> memref<1x64x128xi32, #tpu.memory_space<hbm>>
        %dma_wait3A_65 = tpu.memref_squeeze %dma_wait3A_64 : memref<1x64x128xi32, #tpu.memory_space<hbm>> -> memref<64x128xi32, #tpu.memory_space<hbm>>
        tpu.wait_dma2 semaphore(%run_scoped3A : memref<!tpu.dma_semaphore, #tpu.memory_space<semaphore_mem>>) src(%dma_wait3A_65 : memref<64x128xi32, #tpu.memory_space<hbm>>) dst(%dma_wait3A_61 : memref<64x128xi32, #tpu.memory_space<vmem>>)
        tpu.yield
      }) : () -> ()
      %dma_start3A_26 = arith.constant 0 : i32
      %dma_start3A_27 = arith.constant 0 : i32
      %dma_start3A_28 = tpu.memref_slice %arg9[%dma_start3A_26, %dma_start3A_27] : memref<64x128xi32, #tpu.memory_space<vmem>> -> memref<1x128xi32, #tpu.memory_space<vmem>>
      %dma_start3A_29 = tpu.memref_squeeze %dma_start3A_28 : memref<1x128xi32, #tpu.memory_space<vmem>> -> memref<128xi32, #tpu.memory_space<vmem>>
      %dma_start3A_30 = arith.constant 0 : i32
      %dma_start3A_31 = arith.constant 0 : i32
      %dma_start3A_32 = tpu.memref_slice %arg2[%dma_start3A_30, %dma_start3A_31] : memref<10000x128xf32, #tpu.memory_space<hbm>> -> memref<10000x128xf32, #tpu.memory_space<hbm>>
      tpu.enqueue_indirect_dma source(%dma_start3A_32 : memref<10000x128xf32, #tpu.memory_space<hbm>>) target(%arg11 : memref<128x128xf32, #tpu.memory_space<vmem>>) offsets(%dma_start3A_29 : memref<128xi32, #tpu.memory_space<vmem>>) semaphore(%arg14 : memref<!tpu.dma_semaphore, #tpu.memory_space<semaphore_mem>>)
      %scan3A_33 = arith.constant 0 : i32
      %scan3A_34 = arith.constant 0 : i32
      %scan3A_35 = arith.constant 32 : i32
      %scan3A_36 = arith.addi %scan3A_34, %scan3A_35 : i32
      %scan3A_37 = arith.constant 1 : i32
      scf.for %scan3A_39 = %scan3A_34 to %scan3A_36 step %scan3A_37  : i32 {
        %mul3A_40 = arith.constant 2 : i32
        %mul3A_41 = arith.muli %scan3A_39, %mul3A_40 : i32
        %dma_wait3A = arith.constant 0 : i32
        %dma_wait3A_42 = tpu.memref_slice %arg9[%mul3A_41, %dma_wait3A] : memref<64x128xi32, #tpu.memory_space<vmem>> -> memref<1x128xi32, #tpu.memory_space<vmem>>
        %dma_wait3A_43 = tpu.memref_squeeze %dma_wait3A_42 : memref<1x128xi32, #tpu.memory_space<vmem>> -> memref<128xi32, #tpu.memory_space<vmem>>
        %dma_wait3A_44 = arith.constant 0 : i32
        %dma_wait3A_45 = arith.constant 0 : i32
        %dma_wait3A_46 = tpu.memref_slice %arg2[%dma_wait3A_44, %dma_wait3A_45] : memref<10000x128xf32, #tpu.memory_space<hbm>> -> memref<10000x128xf32, #tpu.memory_space<hbm>>
        tpu.wait_indirect_dma semaphore(%arg14 : memref<!tpu.dma_semaphore, #tpu.memory_space<semaphore_mem>>) src(%dma_wait3A_46 : memref<10000x128xf32, #tpu.memory_space<hbm>>) dst(%arg11 : memref<128x128xf32, #tpu.memory_space<vmem>>)
        %add3A_47 = arith.constant 1 : i32
        %add3A_48 = arith.addi %mul3A_41, %add3A_47 : i32
        %dma_start3A_49 = arith.constant 0 : i32
        %dma_start3A_50 = tpu.memref_slice %arg9[%add3A_48, %dma_start3A_49] : memref<64x128xi32, #tpu.memory_space<vmem>> -> memref<1x128xi32, #tpu.memory_space<vmem>>
        %dma_start3A_51 = tpu.memref_squeeze %dma_start3A_50 : memref<1x128xi32, #tpu.memory_space<vmem>> -> memref<128xi32, #tpu.memory_space<vmem>>
        %dma_start3A_52 = arith.constant 0 : i32
        %dma_start3A_53 = arith.constant 0 : i32
        %dma_start3A_54 = tpu.memref_slice %arg2[%dma_start3A_52, %dma_start3A_53] : memref<10000x128xf32, #tpu.memory_space<hbm>> -> memref<10000x128xf32, #tpu.memory_space<hbm>>
        tpu.enqueue_indirect_dma source(%dma_start3A_54 : memref<10000x128xf32, #tpu.memory_space<hbm>>) target(%arg12 : memref<128x128xf32, #tpu.memory_space<vmem>>) offsets(%dma_start3A_51 : memref<128xi32, #tpu.memory_space<vmem>>) semaphore(%arg15 : memref<!tpu.dma_semaphore, #tpu.memory_space<semaphore_mem>>)
        %dma_start3A_55 = arith.constant 0 : i32
        %dma_start3A_56 = tpu.memref_slice %arg10[%mul3A_41, %dma_start3A_55] : memref<64x128xi32, #tpu.memory_space<vmem>> -> memref<1x128xi32, #tpu.memory_space<vmem>>
        %dma_start3A_57 = tpu.memref_squeeze %dma_start3A_56 : memref<1x128xi32, #tpu.memory_space<vmem>> -> memref<128xi32, #tpu.memory_space<vmem>>
        %dma_start3A_58 = arith.constant 0 : i32
        %dma_start3A_59 = arith.constant 0 : i32
        %dma_start3A_60 = tpu.memref_slice %arg13[%dma_start3A_58, %dma_start3A_59] : memref<10112x128xf32, #tpu.memory_space<vmem_shared>> -> memref<10112x128xf32, #tpu.memory_space<vmem_shared>>
        tpu.enqueue_indirect_dma source(%arg11 : memref<128x128xf32, #tpu.memory_space<vmem>>) target(%dma_start3A_60 : memref<10112x128xf32, #tpu.memory_space<vmem_shared>>) offsets(%dma_start3A_57 : memref<128xi32, #tpu.memory_space<vmem>>) semaphore(%arg16 : memref<!tpu.dma_semaphore, #tpu.memory_space<semaphore_mem>>) {add = true}
        %dma_wait3A_61 = arith.constant 0 : i32
        %dma_wait3A_62 = tpu.memref_slice %arg9[%mul3A_41, %dma_wait3A_61] : memref<64x128xi32, #tpu.memory_space<vmem>> -> memref<1x128xi32, #tpu.memory_space<vmem>>
        %dma_wait3A_63 = tpu.memref_squeeze %dma_wait3A_62 : memref<1x128xi32, #tpu.memory_space<vmem>> -> memref<128xi32, #tpu.memory_space<vmem>>
        %dma_wait3A_64 = arith.constant 0 : i32
        %dma_wait3A_65 = arith.constant 0 : i32
        %dma_wait3A_66 = tpu.memref_slice %arg2[%dma_wait3A_64, %dma_wait3A_65] : memref<10000x128xf32, #tpu.memory_space<hbm>> -> memref<10000x128xf32, #tpu.memory_space<hbm>>
        tpu.wait_indirect_dma semaphore(%arg15 : memref<!tpu.dma_semaphore, #tpu.memory_space<semaphore_mem>>) src(%dma_wait3A_66 : memref<10000x128xf32, #tpu.memory_space<hbm>>) dst(%arg12 : memref<128x128xf32, #tpu.memory_space<vmem>>)
        %dma_wait3A_67 = arith.constant 0 : i32
        %dma_wait3A_68 = tpu.memref_slice %arg10[%mul3A_41, %dma_wait3A_67] : memref<64x128xi32, #tpu.memory_space<vmem>> -> memref<1x128xi32, #tpu.memory_space<vmem>>
        %dma_wait3A_69 = tpu.memref_squeeze %dma_wait3A_68 : memref<1x128xi32, #tpu.memory_space<vmem>> -> memref<128xi32, #tpu.memory_space<vmem>>
        %dma_wait3A_70 = arith.constant 0 : i32
        %dma_wait3A_71 = arith.constant 0 : i32
        %dma_wait3A_72 = tpu.memref_slice %arg13[%dma_wait3A_70, %dma_wait3A_71] : memref<10112x128xf32, #tpu.memory_space<vmem_shared>> -> memref<10112x128xf32, #tpu.memory_space<vmem_shared>>
        tpu.wait_indirect_dma semaphore(%arg16 : memref<!tpu.dma_semaphore, #tpu.memory_space<semaphore_mem>>) src(%arg11 : memref<128x128xf32, #tpu.memory_space<vmem>>) dst(%dma_wait3A_72 : memref<10112x128xf32, #tpu.memory_space<vmem_shared>>)
        %add3A_73 = arith.constant 1 : i32
        %add3A_74 = arith.addi %scan3A_39, %add3A_73 : i32
        %lt3A = arith.constant 32 : i32
        %lt3A_75 = arith.cmpi slt, %add3A_74, %lt3A : i32
        %convert_element_type3A_76 = arith.extui %lt3A_75 : i1 to i32
        %cond3A_77 = arith.constant 0 : i32
        %cond3A_78 = arith.cmpi ne, %convert_element_type3A_76, %cond3A_77 : i32
        scf.if %cond3A_78 {
          %add3A_81 = arith.constant 2 : i32
          %add3A_82 = arith.addi %mul3A_41, %add3A_81 : i32
          %dma_start3A_83 = arith.constant 0 : i32
          %dma_start3A_84 = tpu.memref_slice %arg9[%add3A_82, %dma_start3A_83] : memref<64x128xi32, #tpu.memory_space<vmem>> -> memref<1x128xi32, #tpu.memory_space<vmem>>
          %dma_start3A_85 = tpu.memref_squeeze %dma_start3A_84 : memref<1x128xi32, #tpu.memory_space<vmem>> -> memref<128xi32, #tpu.memory_space<vmem>>
          %dma_start3A_86 = arith.constant 0 : i32
          %dma_start3A_87 = arith.constant 0 : i32
          %dma_start3A_88 = tpu.memref_slice %arg2[%dma_start3A_86, %dma_start3A_87] : memref<10000x128xf32, #tpu.memory_space<hbm>> -> memref<10000x128xf32, #tpu.memory_space<hbm>>
          tpu.enqueue_indirect_dma source(%dma_start3A_88 : memref<10000x128xf32, #tpu.memory_space<hbm>>) target(%arg11 : memref<128x128xf32, #tpu.memory_space<vmem>>) offsets(%dma_start3A_85 : memref<128xi32, #tpu.memory_space<vmem>>) semaphore(%arg14 : memref<!tpu.dma_semaphore, #tpu.memory_space<semaphore_mem>>)
        } else {
        }
        %add3A_79 = arith.constant 1 : i32
        %add3A_80 = arith.addi %mul3A_41, %add3A_79 : i32
        "tpu.region"() ({
          %run_scoped3A = tpu.sem_alloc : memref<!tpu.dma_semaphore, #tpu.memory_space<semaphore_mem>>
          %dma_start3A_81 = arith.constant 0 : i32
          %dma_start3A_82 = tpu.memref_slice %arg10[%add3A_80, %dma_start3A_81] : memref<64x128xi32, #tpu.memory_space<vmem>> -> memref<1x128xi32, #tpu.memory_space<vmem>>
          %dma_start3A_83 = tpu.memref_squeeze %dma_start3A_82 : memref<1x128xi32, #tpu.memory_space<vmem>> -> memref<128xi32, #tpu.memory_space<vmem>>
          %dma_start3A_84 = arith.constant 0 : i32
          %dma_start3A_85 = arith.constant 0 : i32
          %dma_start3A_86 = tpu.memref_slice %arg13[%dma_start3A_84, %dma_start3A_85] : memref<10112x128xf32, #tpu.memory_space<vmem_shared>> -> memref<10112x128xf32, #tpu.memory_space<vmem_shared>>
          tpu.enqueue_indirect_dma source(%arg12 : memref<128x128xf32, #tpu.memory_space<vmem>>) target(%dma_start3A_86 : memref<10112x128xf32, #tpu.memory_space<vmem_shared>>) offsets(%dma_start3A_83 : memref<128xi32, #tpu.memory_space<vmem>>) semaphore(%run_scoped3A : memref<!tpu.dma_semaphore, #tpu.memory_space<semaphore_mem>>) {add = true}
          %dma_wait3A_87 = arith.constant 0 : i32
          %dma_wait3A_88 = tpu.memref_slice %arg10[%add3A_80, %dma_wait3A_87] : memref<64x128xi32, #tpu.memory_space<vmem>> -> memref<1x128xi32, #tpu.memory_space<vmem>>
          %dma_wait3A_89 = tpu.memref_squeeze %dma_wait3A_88 : memref<1x128xi32, #tpu.memory_space<vmem>> -> memref<128xi32, #tpu.memory_space<vmem>>
          %dma_wait3A_90 = arith.constant 0 : i32
          %dma_wait3A_91 = arith.constant 0 : i32
          %dma_wait3A_92 = tpu.memref_slice %arg13[%dma_wait3A_90, %dma_wait3A_91] : memref<10112x128xf32, #tpu.memory_space<vmem_shared>> -> memref<10112x128xf32, #tpu.memory_space<vmem_shared>>
          tpu.wait_indirect_dma semaphore(%run_scoped3A : memref<!tpu.dma_semaphore, #tpu.memory_space<semaphore_mem>>) src(%arg12 : memref<128x128xf32, #tpu.memory_space<vmem>>) dst(%dma_wait3A_92 : memref<10112x128xf32, #tpu.memory_space<vmem_shared>>)
          tpu.yield
        }) : () -> ()
      }
      %scan3A_38 = arith.constant 32 : i32
    } else {
    }
    %eq3A_3 = arith.constant 1 : i32
    %eq3A_4 = arith.cmpi eq, %arg0, %eq3A_3 : i32
    %convert_element_type3A_5 = arith.extui %eq3A_4 : i1 to i32
    %cond3A_6 = arith.constant 0 : i32
    %cond3A_7 = arith.cmpi ne, %convert_element_type3A_5, %cond3A_6 : i32
    scf.if %cond3A_7 {
      "tpu.region"() ({
        %run_scoped3A = tpu.sem_alloc : memref<!tpu.dma_semaphore, #tpu.memory_space<semaphore_mem>>
        %dma_start3A = arith.constant 0 : i32
        %dma_start3A_20 = arith.constant 0 : i32
        %dma_start3A_21 = tpu.memref_slice %arg9[%dma_start3A, %dma_start3A_20] : memref<64x128xi32, #tpu.memory_space<vmem>> -> memref<30x128xi32, #tpu.memory_space<vmem>>
        %dma_start3A_22 = arith.constant 0 : i32
        %dma_start3A_23 = arith.constant 0 : i32
        %dma_start3A_24 = tpu.memref_slice %arg5[%arg1, %dma_start3A_22, %dma_start3A_23] : memref<16x30x128xi32, #tpu.memory_space<hbm>> -> memref<1x30x128xi32, #tpu.memory_space<hbm>>
        %dma_start3A_25 = tpu.memref_squeeze %dma_start3A_24 : memref<1x30x128xi32, #tpu.memory_space<hbm>> -> memref<30x128xi32, #tpu.memory_space<hbm>>
        %dma_start3A_26 = arith.constant 0 : i32
        %dma_start3A_27 = arith.constant 0 : i32
        %dma_start3A_28 = tpu.memref_slice %arg9[%dma_start3A_26, %dma_start3A_27] : memref<64x128xi32, #tpu.memory_space<vmem>> -> memref<30x128xi32, #tpu.memory_space<vmem>>
        %dma_start3A_29 = arith.constant 0 : i32
        %dma_start3A_30 = arith.constant 0 : i32
        %dma_start3A_31 = tpu.memref_slice %arg5[%arg1, %dma_start3A_29, %dma_start3A_30] : memref<16x30x128xi32, #tpu.memory_space<hbm>> -> memref<1x30x128xi32, #tpu.memory_space<hbm>>
        %dma_start3A_32 = tpu.memref_squeeze %dma_start3A_31 : memref<1x30x128xi32, #tpu.memory_space<hbm>> -> memref<30x128xi32, #tpu.memory_space<hbm>>
        tpu.enqueue_dma source(%dma_start3A_32 : memref<30x128xi32, #tpu.memory_space<hbm>>) target(%dma_start3A_28 : memref<30x128xi32, #tpu.memory_space<vmem>>) target_semaphore(%run_scoped3A : memref<!tpu.dma_semaphore, #tpu.memory_space<semaphore_mem>>)
        %dma_wait3A = arith.constant 0 : i32
        %dma_wait3A_33 = arith.constant 0 : i32
        %dma_wait3A_34 = tpu.memref_slice %arg9[%dma_wait3A, %dma_wait3A_33] : memref<64x128xi32, #tpu.memory_space<vmem>> -> memref<30x128xi32, #tpu.memory_space<vmem>>
        %dma_wait3A_35 = arith.constant 0 : i32
        %dma_wait3A_36 = arith.constant 0 : i32
        %dma_wait3A_37 = tpu.memref_slice %arg5[%arg1, %dma_wait3A_35, %dma_wait3A_36] : memref<16x30x128xi32, #tpu.memory_space<hbm>> -> memref<1x30x128xi32, #tpu.memory_space<hbm>>
        %dma_wait3A_38 = tpu.memref_squeeze %dma_wait3A_37 : memref<1x30x128xi32, #tpu.memory_space<hbm>> -> memref<30x128xi32, #tpu.memory_space<hbm>>
        %dma_wait3A_39 = arith.constant 0 : i32
        %dma_wait3A_40 = arith.constant 0 : i32
        %dma_wait3A_41 = tpu.memref_slice %arg9[%dma_wait3A_39, %dma_wait3A_40] : memref<64x128xi32, #tpu.memory_space<vmem>> -> memref<30x128xi32, #tpu.memory_space<vmem>>
        %dma_wait3A_42 = arith.constant 0 : i32
        %dma_wait3A_43 = arith.constant 0 : i32
        %dma_wait3A_44 = tpu.memref_slice %arg5[%arg1, %dma_wait3A_42, %dma_wait3A_43] : memref<16x30x128xi32, #tpu.memory_space<hbm>> -> memref<1x30x128xi32, #tpu.memory_space<hbm>>
        %dma_wait3A_45 = tpu.memref_squeeze %dma_wait3A_44 : memref<1x30x128xi32, #tpu.memory_space<hbm>> -> memref<30x128xi32, #tpu.memory_space<hbm>>
        tpu.wait_dma2 semaphore(%run_scoped3A : memref<!tpu.dma_semaphore, #tpu.memory_space<semaphore_mem>>) src(%dma_wait3A_45 : memref<30x128xi32, #tpu.memory_space<hbm>>) dst(%dma_wait3A_41 : memref<30x128xi32, #tpu.memory_space<vmem>>)
        tpu.yield
      }) : () -> ()
      "tpu.region"() ({
        %run_scoped3A = tpu.sem_alloc : memref<!tpu.dma_semaphore, #tpu.memory_space<semaphore_mem>>
        %dma_start3A = arith.constant 0 : i32
        %dma_start3A_20 = arith.constant 0 : i32
        %dma_start3A_21 = tpu.memref_slice %arg10[%dma_start3A, %dma_start3A_20] : memref<64x128xi32, #tpu.memory_space<vmem>> -> memref<30x128xi32, #tpu.memory_space<vmem>>
        %dma_start3A_22 = arith.constant 0 : i32
        %dma_start3A_23 = arith.constant 0 : i32
        %dma_start3A_24 = tpu.memref_slice %arg6[%arg1, %dma_start3A_22, %dma_start3A_23] : memref<16x30x128xi32, #tpu.memory_space<hbm>> -> memref<1x30x128xi32, #tpu.memory_space<hbm>>
        %dma_start3A_25 = tpu.memref_squeeze %dma_start3A_24 : memref<1x30x128xi32, #tpu.memory_space<hbm>> -> memref<30x128xi32, #tpu.memory_space<hbm>>
        %dma_start3A_26 = arith.constant 0 : i32
        %dma_start3A_27 = arith.constant 0 : i32
        %dma_start3A_28 = tpu.memref_slice %arg10[%dma_start3A_26, %dma_start3A_27] : memref<64x128xi32, #tpu.memory_space<vmem>> -> memref<30x128xi32, #tpu.memory_space<vmem>>
        %dma_start3A_29 = arith.constant 0 : i32
        %dma_start3A_30 = arith.constant 0 : i32
        %dma_start3A_31 = tpu.memref_slice %arg6[%arg1, %dma_start3A_29, %dma_start3A_30] : memref<16x30x128xi32, #tpu.memory_space<hbm>> -> memref<1x30x128xi32, #tpu.memory_space<hbm>>
        %dma_start3A_32 = tpu.memref_squeeze %dma_start3A_31 : memref<1x30x128xi32, #tpu.memory_space<hbm>> -> memref<30x128xi32, #tpu.memory_space<hbm>>
        tpu.enqueue_dma source(%dma_start3A_32 : memref<30x128xi32, #tpu.memory_space<hbm>>) target(%dma_start3A_28 : memref<30x128xi32, #tpu.memory_space<vmem>>) target_semaphore(%run_scoped3A : memref<!tpu.dma_semaphore, #tpu.memory_space<semaphore_mem>>)
        %dma_wait3A = arith.constant 0 : i32
        %dma_wait3A_33 = arith.constant 0 : i32
        %dma_wait3A_34 = tpu.memref_slice %arg10[%dma_wait3A, %dma_wait3A_33] : memref<64x128xi32, #tpu.memory_space<vmem>> -> memref<30x128xi32, #tpu.memory_space<vmem>>
        %dma_wait3A_35 = arith.constant 0 : i32
        %dma_wait3A_36 = arith.constant 0 : i32
        %dma_wait3A_37 = tpu.memref_slice %arg6[%arg1, %dma_wait3A_35, %dma_wait3A_36] : memref<16x30x128xi32, #tpu.memory_space<hbm>> -> memref<1x30x128xi32, #tpu.memory_space<hbm>>
        %dma_wait3A_38 = tpu.memref_squeeze %dma_wait3A_37 : memref<1x30x128xi32, #tpu.memory_space<hbm>> -> memref<30x128xi32, #tpu.memory_space<hbm>>
        %dma_wait3A_39 = arith.constant 0 : i32
        %dma_wait3A_40 = arith.constant 0 : i32
        %dma_wait3A_41 = tpu.memref_slice %arg10[%dma_wait3A_39, %dma_wait3A_40] : memref<64x128xi32, #tpu.memory_space<vmem>> -> memref<30x128xi32, #tpu.memory_space<vmem>>
        %dma_wait3A_42 = arith.constant 0 : i32
        %dma_wait3A_43 = arith.constant 0 : i32
        %dma_wait3A_44 = tpu.memref_slice %arg6[%arg1, %dma_wait3A_42, %dma_wait3A_43] : memref<16x30x128xi32, #tpu.memory_space<hbm>> -> memref<1x30x128xi32, #tpu.memory_space<hbm>>
        %dma_wait3A_45 = tpu.memref_squeeze %dma_wait3A_44 : memref<1x30x128xi32, #tpu.memory_space<hbm>> -> memref<30x128xi32, #tpu.memory_space<hbm>>
        tpu.wait_dma2 semaphore(%run_scoped3A : memref<!tpu.dma_semaphore, #tpu.memory_space<semaphore_mem>>) src(%dma_wait3A_45 : memref<30x128xi32, #tpu.memory_space<hbm>>) dst(%dma_wait3A_41 : memref<30x128xi32, #tpu.memory_space<vmem>>)
        tpu.yield
      }) : () -> ()
      %scan3A = arith.constant 0 : i32
      %scan3A_15 = arith.constant 0 : i32
      %scan3A_16 = arith.constant 30 : i32
      %scan3A_17 = arith.addi %scan3A_15, %scan3A_16 : i32
      %scan3A_18 = arith.constant 1 : i32
      scf.for %scan3A_20 = %scan3A_15 to %scan3A_17 step %scan3A_18  : i32 {
        %dma_start3A = arith.constant 0 : i32
        %dma_start3A_21 = tpu.memref_slice %arg9[%scan3A_20, %dma_start3A] : memref<64x128xi32, #tpu.memory_space<vmem>> -> memref<1x128xi32, #tpu.memory_space<vmem>>
        %dma_start3A_22 = tpu.memref_squeeze %dma_start3A_21 : memref<1x128xi32, #tpu.memory_space<vmem>> -> memref<128xi32, #tpu.memory_space<vmem>>
        %dma_start3A_23 = arith.constant 0 : i32
        %dma_start3A_24 = arith.constant 0 : i32
        %dma_start3A_25 = tpu.memref_slice %arg2[%dma_start3A_23, %dma_start3A_24] : memref<10000x128xf32, #tpu.memory_space<hbm>> -> memref<10000x128xf32, #tpu.memory_space<hbm>>
        tpu.enqueue_indirect_dma source(%dma_start3A_25 : memref<10000x128xf32, #tpu.memory_space<hbm>>) target(%arg11 : memref<128x128xf32, #tpu.memory_space<vmem>>) offsets(%dma_start3A_22 : memref<128xi32, #tpu.memory_space<vmem>>) semaphore(%arg14 : memref<!tpu.dma_semaphore, #tpu.memory_space<semaphore_mem>>)
        %dma_wait3A = arith.constant 0 : i32
        %dma_wait3A_26 = tpu.memref_slice %arg9[%scan3A_20, %dma_wait3A] : memref<64x128xi32, #tpu.memory_space<vmem>> -> memref<1x128xi32, #tpu.memory_space<vmem>>
        %dma_wait3A_27 = tpu.memref_squeeze %dma_wait3A_26 : memref<1x128xi32, #tpu.memory_space<vmem>> -> memref<128xi32, #tpu.memory_space<vmem>>
        %dma_wait3A_28 = arith.constant 0 : i32
        %dma_wait3A_29 = arith.constant 0 : i32
        %dma_wait3A_30 = tpu.memref_slice %arg2[%dma_wait3A_28, %dma_wait3A_29] : memref<10000x128xf32, #tpu.memory_space<hbm>> -> memref<10000x128xf32, #tpu.memory_space<hbm>>
        tpu.wait_indirect_dma semaphore(%arg14 : memref<!tpu.dma_semaphore, #tpu.memory_space<semaphore_mem>>) src(%dma_wait3A_30 : memref<10000x128xf32, #tpu.memory_space<hbm>>) dst(%arg11 : memref<128x128xf32, #tpu.memory_space<vmem>>)
        "tpu.region"() ({
          %run_scoped3A = tpu.sem_alloc : memref<!tpu.dma_semaphore, #tpu.memory_space<semaphore_mem>>
          %dma_start3A_31 = arith.constant 0 : i32
          %dma_start3A_32 = tpu.memref_slice %arg10[%scan3A_20, %dma_start3A_31] : memref<64x128xi32, #tpu.memory_space<vmem>> -> memref<1x128xi32, #tpu.memory_space<vmem>>
          %dma_start3A_33 = tpu.memref_squeeze %dma_start3A_32 : memref<1x128xi32, #tpu.memory_space<vmem>> -> memref<128xi32, #tpu.memory_space<vmem>>
          %dma_start3A_34 = arith.constant 0 : i32
          %dma_start3A_35 = arith.constant 0 : i32
          %dma_start3A_36 = tpu.memref_slice %arg13[%dma_start3A_34, %dma_start3A_35] : memref<10112x128xf32, #tpu.memory_space<vmem_shared>> -> memref<10112x128xf32, #tpu.memory_space<vmem_shared>>
          tpu.enqueue_indirect_dma source(%arg11 : memref<128x128xf32, #tpu.memory_space<vmem>>) target(%dma_start3A_36 : memref<10112x128xf32, #tpu.memory_space<vmem_shared>>) offsets(%dma_start3A_33 : memref<128xi32, #tpu.memory_space<vmem>>) semaphore(%run_scoped3A : memref<!tpu.dma_semaphore, #tpu.memory_space<semaphore_mem>>) {add = true}
          %dma_wait3A_37 = arith.constant 0 : i32
          %dma_wait3A_38 = tpu.memref_slice %arg10[%scan3A_20, %dma_wait3A_37] : memref<64x128xi32, #tpu.memory_space<vmem>> -> memref<1x128xi32, #tpu.memory_space<vmem>>
          %dma_wait3A_39 = tpu.memref_squeeze %dma_wait3A_38 : memref<1x128xi32, #tpu.memory_space<vmem>> -> memref<128xi32, #tpu.memory_space<vmem>>
          %dma_wait3A_40 = arith.constant 0 : i32
          %dma_wait3A_41 = arith.constant 0 : i32
          %dma_wait3A_42 = tpu.memref_slice %arg13[%dma_wait3A_40, %dma_wait3A_41] : memref<10112x128xf32, #tpu.memory_space<vmem_shared>> -> memref<10112x128xf32, #tpu.memory_space<vmem_shared>>
          tpu.wait_indirect_dma semaphore(%run_scoped3A : memref<!tpu.dma_semaphore, #tpu.memory_space<semaphore_mem>>) src(%arg11 : memref<128x128xf32, #tpu.memory_space<vmem>>) dst(%dma_wait3A_42 : memref<10112x128xf32, #tpu.memory_space<vmem_shared>>)
          tpu.yield
        }) : () -> ()
      }
      %scan3A_19 = arith.constant 30 : i32
    } else {
    }
    %barrier3A_8 = arith.constant 0 : index
    tpu.barrier barrier_id(%barrier3A_8)
    %mul3A_9 = arith.constant 632 : i32
    %mul3A_10 = arith.muli %arg1, %mul3A_9 : i32
    %mul3A_11 = arith.constant 10112 : i32
    %mul3A_12 = arith.muli %arg0, %mul3A_11 : i32
    %mul3A_13 = arith.constant 632 : i32
    %mul3A_14 = arith.muli %arg1, %mul3A_13 : i32
    %add3A = arith.addi %mul3A_12, %mul3A_14 : i32
    "tpu.region"() ({
      %run_scoped3A = tpu.sem_alloc : memref<!tpu.dma_semaphore, #tpu.memory_space<semaphore_mem>>
      %dma_start3A = arith.constant 0 : i32
      %dma_start3A_15 = tpu.memref_slice %arg8[%add3A, %dma_start3A] : memref<20224x128xf32, #tpu.memory_space<hbm>> -> memref<632x128xf32, #tpu.memory_space<hbm>>
      %dma_start3A_16 = arith.constant 0 : i32
      %dma_start3A_17 = tpu.memref_slice %arg13[%mul3A_10, %dma_start3A_16] : memref<10112x128xf32, #tpu.memory_space<vmem_shared>> -> memref<632x128xf32, #tpu.memory_space<vmem_shared>>
      tpu.enqueue_dma source(%dma_start3A_17 : memref<632x128xf32, #tpu.memory_space<vmem_shared>>) target(%dma_start3A_15 : memref<632x128xf32, #tpu.memory_space<hbm>>) target_semaphore(%run_scoped3A : memref<!tpu.dma_semaphore, #tpu.memory_space<semaphore_mem>>)
      %dma_wait3A = arith.constant 0 : i32
      %dma_wait3A_18 = tpu.memref_slice %arg8[%add3A, %dma_wait3A] : memref<20224x128xf32, #tpu.memory_space<hbm>> -> memref<632x128xf32, #tpu.memory_space<hbm>>
      %dma_wait3A_19 = arith.constant 0 : i32
      %dma_wait3A_20 = tpu.memref_slice %arg13[%mul3A_10, %dma_wait3A_19] : memref<10112x128xf32, #tpu.memory_space<vmem_shared>> -> memref<632x128xf32, #tpu.memory_space<vmem_shared>>
      tpu.wait_dma2 semaphore(%run_scoped3A : memref<!tpu.dma_semaphore, #tpu.memory_space<semaphore_mem>>) src(%dma_wait3A_20 : memref<632x128xf32, #tpu.memory_space<vmem_shared>>) dst(%dma_wait3A_18 : memref<632x128xf32, #tpu.memory_space<hbm>>)
      tpu.yield
    }) : () -> ()
    return
  }
}

module attributes {stable_mosaic.version = 14 : i64} {
  func.func @body(%arg0: memref<10000x128xf32, #tpu.memory_space<vmem>>, %arg1: memref<128x128xf32, #tpu.memory_space<vmem>>, %arg2: memref<10000x1xf32, #tpu.memory_space<vmem>>, %arg3: memref<10000x1xf32, #tpu.memory_space<vmem>>, %arg4: memref<10000x128xf32, #tpu.memory_space<vmem>>, %arg5: memref<10000x1xf32, #tpu.memory_space<vmem>>) attributes {dimension_semantics = [], scalar_prefetch = 0 : i64, scratch_operands = 0 : i64, tpu.core_type = #tpu.core_type<tc>} {
    %get3A = arith.constant 0 : index
    %get3A_0 = arith.constant 0 : index
    %get3A_1 = vector.load %arg2[%get3A, %get3A_0] : memref<10000x1xf32, #tpu.memory_space<vmem>>, vector<10000x1xf32>
    %get3A_2 = arith.constant 0 : index
    %get3A_3 = arith.constant 0 : index
    %get3A_4 = vector.load %arg3[%get3A_2, %get3A_3] : memref<10000x1xf32, #tpu.memory_space<vmem>>, vector<10000x1xf32>
    %add3A = arith.addf %get3A_1, %get3A_4 : vector<10000x1xf32>
    %add3A_5 = arith.constant 1.000000e+00 : f32
    %add3A_6 = vector.broadcast %add3A_5 : f32 to vector<10000x1xf32>
    %add3A_7 = arith.addf %add3A, %add3A_6 : vector<10000x1xf32>
    %rsqrt3A = math.rsqrt %add3A_7 : vector<10000x1xf32>
    %swap3A = arith.constant 0 : index
    %swap3A_8 = arith.constant 0 : index
    %swap3A_9 = vector.load %arg5[%swap3A, %swap3A_8] : memref<10000x1xf32, #tpu.memory_space<vmem>>, vector<10000x1xf32>
    tpu.vector_store %arg5[%swap3A, %swap3A_8], %rsqrt3A {strides = array<i32>} : memref<10000x1xf32, #tpu.memory_space<vmem>>, vector<10000x1xf32>,
    %get3A_10 = arith.constant 0 : index
    %get3A_11 = arith.constant 0 : index
    %get3A_12 = vector.load %arg0[%get3A_10, %get3A_11] : memref<10000x128xf32, #tpu.memory_space<vmem>>, vector<10000x128xf32>
    %get3A_13 = arith.constant 0 : index
    %get3A_14 = arith.constant 0 : index
    %get3A_15 = vector.load %arg1[%get3A_13, %get3A_14] : memref<128x128xf32, #tpu.memory_space<vmem>>, vector<128x128xf32>
    %dot_general3A = arith.constant dense<0.000000e+00> : vector<10000x128xf32>
    %dot_general3A_16 = tpu.matmul %get3A_12, %get3A_15, %dot_general3A {dimension_numbers = #tpu.dot_dimension_numbers<[1], [0], [0], [1], [0, 0, 1, 1], [], []>, transpose_lhs_hint = false} : vector<10000x128xf32>, vector<128x128xf32>, vector<10000x128xf32> -> vector<10000x128xf32>
    %mul3A = vector.broadcast %rsqrt3A : vector<10000x1xf32> to vector<10000x128xf32>
    %mul3A_17 = arith.mulf %dot_general3A_16, %mul3A : vector<10000x128xf32>
    %swap3A_18 = arith.constant 0 : index
    %swap3A_19 = arith.constant 0 : index
    %swap3A_20 = vector.load %arg4[%swap3A_18, %swap3A_19] : memref<10000x128xf32, #tpu.memory_space<vmem>>, vector<10000x128xf32>
    tpu.vector_store %arg4[%swap3A_18, %swap3A_19], %mul3A_17 {strides = array<i32>} : memref<10000x128xf32, #tpu.memory_space<vmem>>, vector<10000x128xf32>,
    return
  }
}

module attributes {stable_mosaic.version = 14 : i64} {
  func.func @body(%arg0: memref<10000x128xf32, #tpu.memory_space<vmem>>, %arg1: memref<10000x128xf32, #tpu.memory_space<vmem>>, %arg2: memref<10000x128xf32, #tpu.memory_space<vmem>>, %arg3: memref<10000x1xf32, #tpu.memory_space<vmem>>, %arg4: memref<1x128xf32, #tpu.memory_space<vmem>>, %arg5: memref<1x128xf32, #tpu.memory_space<vmem>>, %arg6: memref<1x128xf32, #tpu.memory_space<vmem>>, %arg7: memref<128x128xf32, #tpu.memory_space<vmem>>, %arg8: memref<10000x128xf32, #tpu.memory_space<vmem>>) attributes {dimension_semantics = [], scalar_prefetch = 0 : i64, scratch_operands = 0 : i64, tpu.core_type = #tpu.core_type<tc>} {
    %get3A = arith.constant 0 : index
    %get3A_0 = arith.constant 0 : index
    %get3A_1 = vector.load %arg3[%get3A, %get3A_0] : memref<10000x1xf32, #tpu.memory_space<vmem>>, vector<10000x1xf32>
    %get3A_2 = arith.constant 0 : index
    %get3A_3 = arith.constant 0 : index
    %get3A_4 = vector.load %arg0[%get3A_2, %get3A_3] : memref<10000x128xf32, #tpu.memory_space<vmem>>, vector<10000x128xf32>
    %get3A_5 = arith.constant 0 : index
    %get3A_6 = arith.constant 0 : index
    %get3A_7 = vector.load %arg1[%get3A_5, %get3A_6] : memref<10000x128xf32, #tpu.memory_space<vmem>>, vector<10000x128xf32>
    %add3A = arith.addf %get3A_4, %get3A_7 : vector<10000x128xf32>
    %get3A_8 = arith.constant 0 : index
    %get3A_9 = arith.constant 0 : index
    %get3A_10 = vector.load %arg2[%get3A_8, %get3A_9] : memref<10000x128xf32, #tpu.memory_space<vmem>>, vector<10000x128xf32>
    %add3A_11 = arith.addf %add3A, %get3A_10 : vector<10000x128xf32>
    %mul3A = vector.broadcast %get3A_1 : vector<10000x1xf32> to vector<10000x128xf32>
    %mul3A_12 = arith.mulf %mul3A, %add3A_11 : vector<10000x128xf32>
    %get3A_13 = arith.constant 0 : index
    %get3A_14 = arith.constant 0 : index
    %get3A_15 = vector.load %arg4[%get3A_13, %get3A_14] : memref<1x128xf32, #tpu.memory_space<vmem>>, vector<1x128xf32>
    %add3A_16 = vector.broadcast %get3A_15 : vector<1x128xf32> to vector<10000x128xf32>
    %add3A_17 = arith.addf %mul3A_12, %add3A_16 : vector<10000x128xf32>
    %reduce_sum3A = arith.constant dense<0.000000e+00> : vector<128xf32>
    %reduce_sum3A_18 = vector.multi_reduction <add>, %add3A_17, %reduce_sum3A [0] : vector<10000x128xf32> to vector<128xf32>
    %broadcast_in_dim3A = vector.shape_cast %reduce_sum3A_18 : vector<128xf32> to vector<1x128xf32>
    %div3A = arith.constant 1.000000e+04 : f32
    %div3A_19 = vector.broadcast %div3A : f32 to vector<1x128xf32>
    %div3A_20 = arith.divf %broadcast_in_dim3A, %div3A_19 : vector<1x128xf32>
    %sub3A = vector.broadcast %div3A_20 : vector<1x128xf32> to vector<10000x128xf32>
    %sub3A_21 = arith.subf %add3A_17, %sub3A : vector<10000x128xf32>
    %integer_pow3A = arith.mulf %sub3A_21, %sub3A_21 : vector<10000x128xf32>
    %reduce_sum3A_22 = arith.constant dense<0.000000e+00> : vector<128xf32>
    %reduce_sum3A_23 = vector.multi_reduction <add>, %integer_pow3A, %reduce_sum3A_22 [0] : vector<10000x128xf32> to vector<128xf32>
    %broadcast_in_dim3A_24 = vector.shape_cast %reduce_sum3A_23 : vector<128xf32> to vector<1x128xf32>
    %div3A_25 = arith.constant 1.000000e+04 : f32
    %div3A_26 = vector.broadcast %div3A_25 : f32 to vector<1x128xf32>
    %div3A_27 = arith.divf %broadcast_in_dim3A_24, %div3A_26 : vector<1x128xf32>
    %sub3A_28 = vector.broadcast %div3A_20 : vector<1x128xf32> to vector<10000x128xf32>
    %sub3A_29 = arith.subf %add3A_17, %sub3A_28 : vector<10000x128xf32>
    %add3A_30 = arith.constant 9.99999974E-6 : f32
    %add3A_31 = vector.broadcast %add3A_30 : f32 to vector<1x128xf32>
    %add3A_32 = arith.addf %div3A_27, %add3A_31 : vector<1x128xf32>
    %rsqrt3A = math.rsqrt %add3A_32 : vector<1x128xf32>
    %mul3A_33 = vector.broadcast %rsqrt3A : vector<1x128xf32> to vector<10000x128xf32>
    %mul3A_34 = arith.mulf %sub3A_29, %mul3A_33 : vector<10000x128xf32>
    %get3A_35 = arith.constant 0 : index
    %get3A_36 = arith.constant 0 : index
    %get3A_37 = vector.load %arg5[%get3A_35, %get3A_36] : memref<1x128xf32, #tpu.memory_space<vmem>>, vector<1x128xf32>
    %mul3A_38 = vector.broadcast %get3A_37 : vector<1x128xf32> to vector<10000x128xf32>
    %mul3A_39 = arith.mulf %mul3A_34, %mul3A_38 : vector<10000x128xf32>
    %get3A_40 = arith.constant 0 : index
    %get3A_41 = arith.constant 0 : index
    %get3A_42 = vector.load %arg6[%get3A_40, %get3A_41] : memref<1x128xf32, #tpu.memory_space<vmem>>, vector<1x128xf32>
    %add3A_43 = vector.broadcast %get3A_42 : vector<1x128xf32> to vector<10000x128xf32>
    %add3A_44 = arith.addf %mul3A_39, %add3A_43 : vector<10000x128xf32>
    %max3A = arith.constant 0.000000e+00 : f32
    %max3A_45 = vector.broadcast %max3A : f32 to vector<10000x128xf32>
    %max3A_46 = arith.maximumf %add3A_44, %max3A_45 : vector<10000x128xf32>
    %get3A_47 = arith.constant 0 : index
    %get3A_48 = arith.constant 0 : index
    %get3A_49 = vector.load %arg7[%get3A_47, %get3A_48] : memref<128x128xf32, #tpu.memory_space<vmem>>, vector<128x128xf32>
    %dot_general3A = arith.constant dense<0.000000e+00> : vector<10000x128xf32>
    %dot_general3A_50 = tpu.matmul %max3A_46, %get3A_49, %dot_general3A {dimension_numbers = #tpu.dot_dimension_numbers<[1], [0], [0], [1], [0, 0, 1, 1], [], []>, transpose_lhs_hint = false} : vector<10000x128xf32>, vector<128x128xf32>, vector<10000x128xf32> -> vector<10000x128xf32>
    %mul3A_51 = vector.broadcast %get3A_1 : vector<10000x1xf32> to vector<10000x128xf32>
    %mul3A_52 = arith.mulf %dot_general3A_50, %mul3A_51 : vector<10000x128xf32>
    %swap3A = arith.constant 0 : index
    %swap3A_53 = arith.constant 0 : index
    %swap3A_54 = vector.load %arg8[%swap3A, %swap3A_53] : memref<10000x128xf32, #tpu.memory_space<vmem>>, vector<10000x128xf32>
    tpu.vector_store %arg8[%swap3A, %swap3A_53], %mul3A_52 {strides = array<i32>} : memref<10000x128xf32, #tpu.memory_space<vmem>>, vector<10000x128xf32>,
    return
  }
}

module attributes {stable_mosaic.version = 14 : i64} {
  func.func @body(%arg0: memref<10000x128xf32, #tpu.memory_space<vmem>>, %arg1: memref<10000x128xf32, #tpu.memory_space<vmem>>, %arg2: memref<10000x128xf32, #tpu.memory_space<vmem>>, %arg3: memref<10000x1xf32, #tpu.memory_space<vmem>>, %arg4: memref<1x128xf32, #tpu.memory_space<vmem>>, %arg5: memref<10000x128xf32, #tpu.memory_space<vmem>>) attributes {dimension_semantics = [], scalar_prefetch = 0 : i64, scratch_operands = 0 : i64, tpu.core_type = #tpu.core_type<tc>} {
    %get3A = arith.constant 0 : index
    %get3A_0 = arith.constant 0 : index
    %get3A_1 = vector.load %arg3[%get3A, %get3A_0] : memref<10000x1xf32, #tpu.memory_space<vmem>>, vector<10000x1xf32>
    %get3A_2 = arith.constant 0 : index
    %get3A_3 = arith.constant 0 : index
    %get3A_4 = vector.load %arg0[%get3A_2, %get3A_3] : memref<10000x128xf32, #tpu.memory_space<vmem>>, vector<10000x128xf32>
    %get3A_5 = arith.constant 0 : index
    %get3A_6 = arith.constant 0 : index
    %get3A_7 = vector.load %arg1[%get3A_5, %get3A_6] : memref<10000x128xf32, #tpu.memory_space<vmem>>, vector<10000x128xf32>
    %add3A = arith.addf %get3A_4, %get3A_7 : vector<10000x128xf32>
    %get3A_8 = arith.constant 0 : index
    %get3A_9 = arith.constant 0 : index
    %get3A_10 = vector.load %arg2[%get3A_8, %get3A_9] : memref<10000x128xf32, #tpu.memory_space<vmem>>, vector<10000x128xf32>
    %add3A_11 = arith.addf %add3A, %get3A_10 : vector<10000x128xf32>
    %mul3A = vector.broadcast %get3A_1 : vector<10000x1xf32> to vector<10000x128xf32>
    %mul3A_12 = arith.mulf %mul3A, %add3A_11 : vector<10000x128xf32>
    %get3A_13 = arith.constant 0 : index
    %get3A_14 = arith.constant 0 : index
    %get3A_15 = vector.load %arg4[%get3A_13, %get3A_14] : memref<1x128xf32, #tpu.memory_space<vmem>>, vector<1x128xf32>
    %add3A_16 = vector.broadcast %get3A_15 : vector<1x128xf32> to vector<10000x128xf32>
    %add3A_17 = arith.addf %mul3A_12, %add3A_16 : vector<10000x128xf32>
    %reduce_max3A = arith.constant dense<0xFF800000> : vector<10000xf32>
    %reduce_max3A_18 = vector.multi_reduction <maximumf>, %add3A_17, %reduce_max3A [1] : vector<10000x128xf32> to vector<10000xf32>
    %broadcast_in_dim3A = vector.shape_cast %reduce_max3A_18 : vector<10000xf32> to vector<10000x1xf32>
    %sub3A = vector.broadcast %broadcast_in_dim3A : vector<10000x1xf32> to vector<10000x128xf32>
    %sub3A_19 = arith.subf %add3A_17, %sub3A : vector<10000x128xf32>
    %exp3A = math.exp %sub3A_19 : vector<10000x128xf32>
    %reduce_sum3A = arith.constant dense<0.000000e+00> : vector<10000xf32>
    %reduce_sum3A_20 = vector.multi_reduction <add>, %exp3A, %reduce_sum3A [1] : vector<10000x128xf32> to vector<10000xf32>
    %broadcast_in_dim3A_21 = vector.shape_cast %reduce_sum3A_20 : vector<10000xf32> to vector<10000x1xf32>
    %log3A = math.log %broadcast_in_dim3A_21 : vector<10000x1xf32>
    %add3A_22 = arith.addf %log3A, %broadcast_in_dim3A : vector<10000x1xf32>
    %sub3A_23 = vector.broadcast %add3A_22 : vector<10000x1xf32> to vector<10000x128xf32>
    %sub3A_24 = arith.subf %add3A_17, %sub3A_23 : vector<10000x128xf32>
    %swap3A = arith.constant 0 : index
    %swap3A_25 = arith.constant 0 : index
    %swap3A_26 = vector.load %arg5[%swap3A, %swap3A_25] : memref<10000x128xf32, #tpu.memory_space<vmem>>, vector<10000x128xf32>
    tpu.vector_store %arg5[%swap3A, %swap3A_25], %sub3A_24 {strides = array<i32>} : memref<10000x128xf32, #tpu.memory_space<vmem>>, vector<10000x128xf32>,
    return
  }
}

</mosaic_0001>

<sc_bundles>
// kernel: kernel.10.cloned.1.call-start
scs
__scs_entry_jumppad:
0x0: {  	(pc) =	sbr.rel $0x88, $3  }
0x1: {  	(tag) =	ssettag $0x0;
	lr =	simm.s32 $0x1  }
0x2: {  	[smem:$0x3F95] =	sst lr;
	_ =	strace $0xD0000000  }
0x3: {  	_ = 	snop  }
0x4: {  	_ = 	snop  }
0x5: {  	_ = 	snop  }
0x6: {  	_ = 	snop  }
0x7: {  	_ = 	snop  }
__scs_overlays_trampoline_lowered:
0x8: {  	[smem:$0x3FA4] =	sst s0  }
0x9: {  	[smem:$0x3FA5] =	sst s1  }
0xa: {  	[smem:$0x3FA6] =	sst s2  }
0xb: {  	[smem:$0x3FA7] =	sst s3  }
0xc: {  	[smem:$0x3FA8] =	sst s4  }
0xd: {  	[smem:$0x3FA9] =	sst s5  }
0xe: {  	[smem:$0x3FAA] =	sst s6  }
0xf: {  	[smem:$0x3FAB] =	sst s7  }
0x10: {  	[smem:$0x3FAC] =	sst s8  }
0x11: {  	[smem:$0x3FAD] =	sst s9;
	s0 =	simm.s32 @!p0 $0x0  }
0x12: {  	s1 =	sld [smem:$0x3F93];
	s0 =	simm.s32 @p0 $0x1  }
0x13: {  	[smem:$0x3FAE] =	sst s0;
	s0 =	simm.s32 @!p1 $0x0  }
0x14: {  	s2 =	sld [smem:$0x3F92];
	s0 =	simm.s32 @p1 $0x1  }
0x15: {  	[smem:$0x3FAF] =	sst s0;
	s0 =	simm.s32 @!p2 $0x0  }
0x16: {  	s3 =	sld [smem:$0x3FDB];
	s0 =	simm.s32 @p2 $0x1  }
0x17: {  	s4 =	simm.s32 $0x1BF5;
	[smem:$0x3FB1] =	sst s0  }
0x18: {  	s0 =	sld [smem:$0x3F94];
	_ =	swait.ge [sflag:s4], $0x0  }
0x19: {  	s7 =	sld [smem:$0x3F95]  }
0x1a: {  	s8 =	sadd.s32 $0xFFFFE003, lr  }
0x1b: {  	s9 =	sadd.s32 $0xFFFFFEF7, lr;
	s5 =	simm.s32 $0xFFFFFFFF;
	p2 =	slt.u32 s8, $0xFFFFF086  }
0x1c: {  	p1 =	slt.u32 s9, $0xF7A;
	s5 =	simm.s32 @!p2 $0x0  }
0x1d: {  	s5 =	simm.s32 @p1 $0x1;
	p0 =	seq.s32 s7, s2  }
0x1e: {  	s7 =	smul.u32 @!p0 $0xF7A, s2;
	p2 =	seq.s32 @!p0 s5, $0x0  }
0x1f: {  	s9 =	smul.u32 $0xF7A, s1;
	s8 =	simm.s32 @!p0 $0x1BF5;
	p2 =	por !p2, p0  }
0x20: {  	[sflag:s8] =	ssyncset.s32 @!p0 $0xFFFFF086;
	s6 =	sadd.s32 @!p0 s3, s7;
	s7 =	simm.s32 @!p0 $0x108  }
0x21: {  	s3 =	sadd.s32 s3, s9;
	s6 =	sadd.s32 @!p0 $0x88, s6;
	s7 =	simm.s32 @p2 $0x1082  }
0x22: {  	[simem:s7], [sflag:s8] =	dma.local @!p0 [hbm:s6], $0xF7A  }
0x23: {  	s9 =	sor.u32 $0xD0000000, s2;
	s6 =	simm.s32 $0x108;
	_ =	swait.ge @!p0 [sflag:s8], $0x0  }
0x24: {  	s3 =	sadd.s32 $0x88, s3;
	s6 =	simm.s32 @!p1 $0x1082;
	[sflag:s4] =	ssyncset.s32 $0xFFFFF086  }
0x25: {  	[simem:s6], [sflag:s4] =	dma.local [hbm:s3], $0xF7A  }
0x26: {  	[smem:$0x3F95] =	sst s1;
	(tag) =	ssettag s2;
	_ =	strace s9  }
0x27: {  	s1 =	sld [smem:$0x3FA5]  }
0x28: {  	s2 =	sld [smem:$0x3FA6]  }
0x29: {  	s4 =	sld [smem:$0x3FA8]  }
0x2a: {  	p0 =	seq.s32 s5, $0x0;
	s5 =	sld [smem:$0x3FA9]  }
0x2b: {  	s6 =	sld [smem:$0x3FAA]  }
0x2c: {  	s7 =	sld [smem:$0x3FAB]  }
0x2d: {  	s3 =	simm.s32 $0x108;
	s8 =	sld [smem:$0x3FAC]  }
0x2e: {  	s3 =	simm.s32 @!p0 $0x1082;
	s9 =	sld [smem:$0x3FAD]  }
0x2f: {  	lr =	sadd.s32 s0, s3;
	s0 =	sld [smem:$0x3FA4]  }
0x30: {  	s3 =	sld [smem:$0x3FA7]  }
0x31: {  	[smem:$0x3FB0] =	sst s10  }
0x32: {  	s10 =	sld [smem:$0x3FAE];
	_ =	sdelay $0x3  }
0x33: {  	p0 =	seq.s32 s10, $0x1;
	s10 =	sld [smem:$0x3FB0];
	_ =	sdelay $0x3  }
0x34: {  	[smem:$0x3FB0] =	sst s10  }
0x35: {  	s10 =	sld [smem:$0x3FAF];
	_ =	sdelay $0x3  }
0x36: {  	p1 =	seq.s32 s10, $0x1;
	s10 =	sld [smem:$0x3FB0];
	_ =	sdelay $0x3  }
0x37: {  	[smem:$0x3FB0] =	sst s10  }
0x38: {  	s10 =	sld [smem:$0x3FB1]  }
0x39: {  	_ = 	snop;
	(pc) =	sbr.ind lr, $3  }
0x3a: {  	_ = 	snop  }
0x3b: {  	_ = 	snop  }
0x3c: {  	p2 =	seq.s32 s10, $0x1;
	s10 =	sld [smem:$0x3FB0]  }
0x3d: {  	_ =	shalt  }
0x3e: {  	_ =	shalt  }
0x3f: {  	_ =	shalt  }
0x40: {  	_ =	shalt  }
0x41: {  	_ =	shalt  }
0x42: {  	_ =	shalt  }
0x43: {  	_ =	shalt  }
0x44: {  	_ =	shalt  }
0x45: {  	_ =	shalt  }
0x46: {  	_ =	shalt  }
0x47: {  	_ =	shalt  }
0x48: {  	_ =	shalt  }
0x49: {  	_ =	shalt  }
0x4a: {  	_ =	shalt  }
0x4b: {  	_ =	shalt  }
0x4c: {  	_ =	shalt  }
0x4d: {  	_ =	shalt  }
0x4e: {  	_ =	shalt  }
0x4f: {  	_ =	shalt  }
0x50: {  	_ =	shalt  }
0x51: {  	_ =	shalt  }
0x52: {  	_ =	shalt  }
0x53: {  	_ =	shalt  }
0x54: {  	_ =	shalt  }
0x55: {  	_ =	shalt  }
0x56: {  	_ =	shalt  }
0x57: {  	_ =	shalt  }
0x58: {  	_ =	shalt  }
0x59: {  	_ =	shalt  }
0x5a: {  	_ =	shalt  }
0x5b: {  	_ =	shalt  }
0x5c: {  	_ =	shalt  }
0x5d: {  	_ =	shalt  }
0x5e: {  	_ =	shalt  }
0x5f: {  	_ =	shalt  }
0x60: {  	_ =	shalt  }
0x61: {  	_ =	shalt  }
0x62: {  	_ =	shalt  }
0x63: {  	_ =	shalt  }
0x64: {  	_ =	shalt  }
0x65: {  	_ =	shalt  }
0x66: {  	_ =	shalt  }
0x67: {  	_ =	shalt  }
0x68: {  	_ =	shalt  }
0x69: {  	_ =	shalt  }
0x6a: {  	_ =	shalt  }
0x6b: {  	_ =	shalt  }
0x6c: {  	_ =	shalt  }
0x6d: {  	_ =	shalt  }
0x6e: {  	_ =	shalt  }
0x6f: {  	_ =	shalt  }
0x70: {  	_ =	shalt  }
0x71: {  	_ =	shalt  }
0x72: {  	_ =	shalt  }
0x73: {  	_ =	shalt  }
0x74: {  	_ =	shalt  }
0x75: {  	_ =	shalt  }
0x76: {  	_ =	shalt  }
0x77: {  	_ =	shalt  }
0x78: {  	_ =	shalt  }
0x79: {  	_ =	shalt  }
0x7a: {  	_ =	shalt  }
0x7b: {  	_ =	shalt  }
0x7c: {  	_ =	shalt  }
0x7d: {  	_ =	shalt  }
0x7e: {  	_ =	shalt  }
0x7f: {  	_ =	shalt  }
0x80: {  	_ =	shalt  }
0x81: {  	_ =	shalt  }
0x82: {  	_ =	shalt  }
0x83: {  	_ =	shalt  }
0x84: {  	_ =	shalt  }
0x85: {  	_ =	shalt  }
0x86: {  	_ =	shalt  }
0x87: {  	_ =	shalt  }
.Lfunc_end0:
.L_simem_size_0:
called_computation_lowered:
.L_overlay_start_0:
0x88: {  	s2 =	sld [smem:$0x3FD9]  }
0x89: {  	s3 =	sld [smem:$0x3FFE];
	_ =	sdelay $0x1  }
0x8a: {  	s1 =	srdreg.scid  }
0x8b: {  	s0 =	sand.u32 $0x1, s1  }
0x8c: {  	s17 =	sshll.u32 s0, $0xA;
	s2 =	sadd.s32 s3, s2  }
0x8d: {  	s2 =	sadd.s32 s2, s17  }
0x8e: {  	[smem:$0x3FBC] =	sst s2  }
0x8f: {  	_ = 	snop  }
0x90: {  	s2 =	sld [smem:$0x3FD0];
	(tm) =	ssettm $0x1  }
0x91: {  	s18 =	sld [smem:$0x3FFB];
	_ =	sdelay $0x3  }
0x92: {  	_ =	strace s18  }
0x93: {  	s3 =	sld [smem:$0x3FFC];
	_ =	sdelay $0x3  }
0x94: {  	_ =	strace s3  }
0x95: {  	s3 =	sld [smem:$0x3FFD];
	_ =	sdelay $0x3  }
0x96: {  	_ =	strace s3  }
0x97: {  	_ =	strace $0x8FFFFFFF  }
0x98: {  	s19 =	sld [smem:$0x3FDB];
	_ =	sdelay $0x1  }
0x99: {  	s4 =	simm.s32 $_scs_section_size  }
0x9a: {  	s5 =	simm.s32 $_size__tile_overlayer_lowered;
	s6 =	simm.s32 $_tile_overlayer_lowered  }
0x9b: {  	s22 =	simm.s32 $0x1BFF;
	s21 =	sshll.u32 s6, $0x1;
	s3 =	sadd.s32 s4, s19  }
0x9c: {  	s7 =	simm.s32 $0x0;
	s20 =	sshll.u32 s5, $0x1;
	s5 =	sadd.s32 s21, s3  }
0x9d: {  	[timem:s7], [sflag:s22] =	dma.local [hbm:s5], s20  }
0x9e: {  	_ =	swait.ge [sflag:s22], s20  }
0x9f: {  	s4 =	ssub.s32 $0x0, s20;
	[sflag:s22] =	ssyncset.done $0x0  }
0xa0: {  	[sflag:s22] =	ssyncadd.s32 s4;
	_ =	sdelay $0x1  }
0xa1: {  	s23 =	simm.s32 $0x1B8B  }
0xa2: {  	_ =	swait.ge [sflag:s23], $0x1  }
0xa3: {  	[sflag:s23] =	ssyncset.done $0x0  }
0xa4: {  	s25 =	simm.s32 $0x1B8E;
	s24 =	sld [smem:$0x3FFE];
	[sflag:s23] =	ssyncadd.s32 $0xFFFFFFFF  }
0xa5: {  	s26 =	simm.s32 $execute0_lowered;
	[smem:$0x3FD2] =	sst s25  }
0xa6: {  	s5 =	sshll.u32 s26, $0x1;
	_ =	strace $0x80000046;
	[dreg:$0x1] =	wrdreg $0xFFFFFFFF  }
0xa7: {  	s28 =	simm.s32 $_size_execute0_lowered;
	s3 =	sadd.s32 s3, s5;
	[dreg:$0x0] =	wrdreg $0x0  }
0xa8: {  	s5 =	sshll.u32 s28, $0x1;
	[dreg:$0x2] =	wrdreg s3  }
0xa9: {  	[dreg:$0x3] =	wrdreg s5  }
0xaa: {  	[dreg:$0x4] =	wrdreg $0xC0  }
0xab: {  	_ =	task [dreg:s7], $0x5FFFF  }
0xac: {  	[dreg:$0x1] =	wrdreg $0xFFFFFFFF  }
0xad: {  	[dreg:$0x0] =	wrdreg $0x60  }
0xae: {  	[dreg:$0x2] =	wrdreg s2  }
0xaf: {  	[dreg:$0x3] =	wrdreg s24  }
0xb0: {  	[dreg:$0x4] =	wrdreg $0x68000  }
0xb1: {  	[dreg:$0x5] =	wrdreg $0x9  }
0xb2: {  	_ =	task.clear_ibuf [dreg:s7], $0x6FFFF;
	_ =	strace $0x90000046  }
0xb3: {  	s29 =	simm.s32 $0x9;
	_ =	strace $0x80000048  }
0xb4: {  	_ =	swait.ge [sflag:s29], $0x1  }
0xb5: {  	[sflag:s29] =	ssyncadd.s32 $0xFFFFFFFF  }
0xb6: {  	_ =	strace $0x90000048  }
0xb7: {  	_ =	sfence  }
0xb8: {  	s30 =	sld [smem:$0x0];
	_ =	sdelay $0x2  }
0xb9: {  	s31 =	sshll.u32 s1, $0xD;
	s1 =	sshrl.u32 s1, $0x2  }
0xba: {  	s3 =	sand.u32 $0x4000, s31;
	s1 =	sadd.s32 s1, s30  }
0xbb: {  	s0 =	sor.u32 s3, s0;
	s1 =	sshll.u32 s1, $0x11  }
0xbc: {  	s0 =	sor.u32 s1, s0  }
0xbd: {  	s0 =	sadd.s32 $0x8F2B, s0  }
0xbe: {  	[sflag:s0] =	ssyncadd.remote.s32 $0x1  }
0xbf: {  	_ =	sfence.sel $0xFFFF  }
0xc0: {  	[dreg:$0x0] =	wrdreg $0xFFFFFFFF;
	(pc) =	sbr.abs _section_cstart, $3  }
0xc1: {  	[dreg:$0x1] =	wrdreg $0xFFFFFFFF  }
0xc2: {  	_ =	task.clear_ibuf [dreg:s7], $0x2FFFF;
	_ =	strace $0x9FFFFFFF  }
0xc3: {  	(tm) =	ssettm $0x7FFFFFFF  }
tec
execute0_lowered:
.L_overlay_start_1:
0x0: {  	(tag) =	ssettag $0x1  }
0x1: {  	s7 =	rddreg [dreg:$0x0]  }
0x2: {  	s6 =	rddreg [dreg:$0x1]  }
0x3: {  	s2 =	rddreg [dreg:$0x2]  }
0x4: {  	s0 =	rddreg [dreg:$0x3];
	s4 =	srdreg.scid  }
0x5: {  	s1 =	stileid.u32;
	s3 =	simm.s32 $0x0;
	s12 =	simm.s32 $0x2800  }
0x6: {  	s13 =	simm.s32 $0x80;
	s14 =	simm.s32 $0x0;
	s8 =	sand.u32 $0x1, s4  }
0x7: {  	s9 =	smul.u32 $0x2780, s1;
	[smem:$0x7FF] =	sst s3;
	s4 =	sadd.s32 $0x5E00, s6  }
0x8: {  	s5 =	sadd.s32 $0x5600, s6;
	s26 =	smul.u32 $0x4F000, s1;
	s31 =	sshll.u32 s1, $0x6  }
0x9: {  	s10 =	smul.u32 $0x27800, s8;
	s11 =	sshll.u32 s8, $0x4;
	s28 =	ssub.s32 $0x2, s8  }
0xa: {  	_ =	strace $0x80000047;
	s29 =	sor.u32 s1, s11;
	s30 =	sshrl.u32 s28, $0x1  }
0xb: {  	s9 =	sadd.s32 s9, s10;
	s10 =	sshrl.u32 s26, $0x2;
	s8 =	smul.u32 $0x500, s29  }
0xc: {  	s11 =	ssub.s32 s28, s30;
	s9 =	sadd.s32 s9, s6;
	s10 =	sadd.s32 s10, s2  }
0xd: {  	s6 =	sor.u32 $0x1C01, s31;
	s7 =	sadd.s32 s7, s8;
	s8 =	sadd.s32 $0x8600, s9  }
0xe: {  	s9 =	smax.u32 s11, $0x1;
	s10 =	sshrl.u32 s10, $0x3;
	s11 =	simm.s32 $0x1  }
.LBB2_1:
0xf: {  	[spmem:s10], [sflag:s6] =	dma.local [hbm:s4], $0x2780  }
0x10: {  	_ =	swait.ge [sflag:s11], $0x2780  }
0x11: {  	[sflag:s11] =	ssyncset.done $0x0  }
0x12: {  	[sflag:s11] =	ssyncadd.s32 $0xFFFFD880  }
0x13: {  	[tilespmem:s12], [sflag:$0x1] =	stream.linear.gather [hbm4b:s5+s3], $0x4000, $0x38;
	[tilespmem:$0x1A400] =	vst v63  }
0x14: {  	_ =	swait.ge [sflag:s11], $0x4000  }
0x15: {  	[sflag:s11] =	ssyncset.done $0x0  }
0x16: {  	[sflag:s11] =	ssyncadd.s32 $0xFFFFC000  }
0x17: {  	[tilespmem:s3], [sflag:$0x1] =	stream.linear.gather [hbm4b:s7+s3], $0x2780, $0x38;
	[tilespmem:$0x1A400] =	vst v63  }
0x18: {  	_ =	swait.ge [sflag:s11], $0x2780  }
0x19: {  	[sflag:s11] =	ssyncset.done $0x0  }
0x1a: {  	[sflag:s11] =	ssyncadd.s32 $0xFFFFD880  }
0x1b: {  	s15 =	simm.s32 $0x0;
	[bflag:$0x0] =	sbarrier.arrive $0xFFFF  }
0x1c: {  	[spmem:s2] =	stream.indirect.scatter.add.f32 [tilespmem:s12], [sflag:$0x1], $0x80, s15, s13, $0xb8;
	[tilespmem:$0x1A400] =	vst v63  }
0x1d: {  	_ =	swait.ge [sflag:s11], $0x4000  }
0x1e: {  	s15 =	simm.s32 $0x200;
	[sflag:s11] =	ssyncset.done $0x0  }
.LBB2_2:
0x1f: {  	s16 =	sshra.s32 s15, $0x2;
	[sflag:s11] =	ssyncadd.s32 $0xFFFFC000;
	p0 =	sne.s32 s15, $0x9C00  }
0x20: {  	[spmem:s2] =	stream.indirect.scatter.add.f32 [tilespmem:s12], [sflag:$0x1], $0x80, s16, s13, $0xb8;
	[tilespmem:$0x1A400] =	vst v63  }
.Ltmp0:
0x21: {  	_ = 	snop;
	(pc) =	sbr.rel @p0 .LBB2_2-.Ltmp0, $4  }
0x22: {  	_ = 	snop  }
0x23: {  	s15 =	sadd.s32 $0x200, s15  }
0x24: {  	_ =	swait.ge [sflag:s11], $0x4000  }
0x25: {  	[sflag:s11] =	ssyncset.done $0x0  }
0x26: {  	s14 =	sadd.s32 $0x1, s14  }
0x27: {  	[sflag:s11] =	ssyncadd.s32 $0xFFFFC000;
	p0 =	sne.s32 s14, s9  }
.Ltmp1:
0x28: {  	[bflag:$0x0] =	sbarrier.arrive $0xFFFF;
	(pc) =	sbr.rel @p0 .LBB2_1-.Ltmp1, $4  }
0x29: {  	[hbm:s8], [sflag:s6] =	dma.local [spmem:s10], $0x2780  }
0x2a: {  	_ =	swait.ge [sflag:s11], $0x2780  }
0x2b: {  	[sflag:s11] =	ssyncset.done $0x0  }
0x2c: {  	[sflag:s11] =	ssyncadd.s32 $0xFFFFD880  }
0x2d: {  	_ =	sfence.sel $0x180000  }
0x2e: {  	[bflag:$0x0] =	sbarrier.arrive $0xFFFF  }
0x2f: {  	p0 =	sne.s32 s1, $0x0;
	_ =	strace $0x90000047  }
0x30: {  	s0 =	sadd.s32 @!p0 $0x100000, s0;
	[bflag:$0x2] =	sbarrier.arrive $0xFFFF  }
0x31: {  	[sflag:s0] =	ssyncadd.tile.s32 @!p0 $0x1;
	_ =	shalt  }
.Lfunc_end2:
_tile_overlayer_lowered:
.L_overlay_start_2:
0x32: {  	(tag) =	ssettag $0x2  }
0x33: {  	s0 =	rddreg [dreg:$0x0];
	s2 =	stileid.u32  }
0x34: {  	s1 =	rddreg [dreg:$0x1];
	p0 =	sne.s32 s2, $0x0  }
0x35: {  	s3 =	rddreg [dreg:$0x2];
	[bflag:$0x3] =	sbarrier.arrive $0xFFFF;
	s2 =	simm.s32 @!p0 $0x1C01  }
0x36: {  	[timem:s3], [sflag:s2] =	dma.local @!p0 [hbm:s0], s1  }
0x37: {  	s0 =	simm.s32 @!p0 $0x1  }
0x38: {  	_ =	swait.ge @!p0 [sflag:s0], s1  }
0x39: {  	s1 =	ssub.s32 @!p0 $0x0, s1;
	[sflag:s0] =	ssyncset.done @!p0 $0x0  }
0x3a: {  	[sflag:s0] =	ssyncadd.s32 @!p0 s1  }
0x3b: {  	[bflag:$0x3] =	sbarrier.arrive $0xFFFF  }
0x3c: {  	_ =	shalt  }

// kernel: kernel.13.cloned.1.call-start
scs
__scs_entry_jumppad:
0x0: {  	(pc) =	sbr.rel $0x88, $3  }
0x1: {  	(tag) =	ssettag $0x0;
	lr =	simm.s32 $0x1  }
0x2: {  	[smem:$0x3F95] =	sst lr;
	_ =	strace $0xD0000000  }
0x3: {  	_ = 	snop  }
0x4: {  	_ = 	snop  }
0x5: {  	_ = 	snop  }
0x6: {  	_ = 	snop  }
0x7: {  	_ = 	snop  }
__scs_overlays_trampoline_lowered:
0x8: {  	[smem:$0x3FA4] =	sst s0  }
0x9: {  	[smem:$0x3FA5] =	sst s1  }
0xa: {  	[smem:$0x3FA6] =	sst s2  }
0xb: {  	[smem:$0x3FA7] =	sst s3  }
0xc: {  	[smem:$0x3FA8] =	sst s4  }
0xd: {  	[smem:$0x3FA9] =	sst s5  }
0xe: {  	[smem:$0x3FAA] =	sst s6  }
0xf: {  	[smem:$0x3FAB] =	sst s7  }
0x10: {  	[smem:$0x3FAC] =	sst s8  }
0x11: {  	[smem:$0x3FAD] =	sst s9;
	s0 =	simm.s32 @!p0 $0x0  }
0x12: {  	s1 =	sld [smem:$0x3F93];
	s0 =	simm.s32 @p0 $0x1  }
0x13: {  	[smem:$0x3FAE] =	sst s0;
	s0 =	simm.s32 @!p1 $0x0  }
0x14: {  	s2 =	sld [smem:$0x3F92];
	s0 =	simm.s32 @p1 $0x1  }
0x15: {  	[smem:$0x3FAF] =	sst s0;
	s0 =	simm.s32 @!p2 $0x0  }
0x16: {  	s3 =	sld [smem:$0x3FDB];
	s0 =	simm.s32 @p2 $0x1  }
0x17: {  	s4 =	simm.s32 $0x1BF5;
	[smem:$0x3FB1] =	sst s0  }
0x18: {  	s0 =	sld [smem:$0x3F94];
	_ =	swait.ge [sflag:s4], $0x0  }
0x19: {  	s7 =	sld [smem:$0x3F95]  }
0x1a: {  	s8 =	sadd.s32 $0xFFFFE003, lr  }
0x1b: {  	s9 =	sadd.s32 $0xFFFFFEF7, lr;
	s5 =	simm.s32 $0xFFFFFFFF;
	p2 =	slt.u32 s8, $0xFFFFF086  }
0x1c: {  	p1 =	slt.u32 s9, $0xF7A;
	s5 =	simm.s32 @!p2 $0x0  }
0x1d: {  	s5 =	simm.s32 @p1 $0x1;
	p0 =	seq.s32 s7, s2  }
0x1e: {  	s7 =	smul.u32 @!p0 $0xF7A, s2;
	p2 =	seq.s32 @!p0 s5, $0x0  }
0x1f: {  	s9 =	smul.u32 $0xF7A, s1;
	s8 =	simm.s32 @!p0 $0x1BF5;
	p2 =	por !p2, p0  }
0x20: {  	[sflag:s8] =	ssyncset.s32 @!p0 $0xFFFFF086;
	s6 =	sadd.s32 @!p0 s3, s7;
	s7 =	simm.s32 @!p0 $0x108  }
0x21: {  	s3 =	sadd.s32 s3, s9;
	s6 =	sadd.s32 @!p0 $0x88, s6;
	s7 =	simm.s32 @p2 $0x1082  }
0x22: {  	[simem:s7], [sflag:s8] =	dma.local @!p0 [hbm:s6], $0xF7A  }
0x23: {  	s9 =	sor.u32 $0xD0000000, s2;
	s6 =	simm.s32 $0x108;
	_ =	swait.ge @!p0 [sflag:s8], $0x0  }
0x24: {  	s3 =	sadd.s32 $0x88, s3;
	s6 =	simm.s32 @!p1 $0x1082;
	[sflag:s4] =	ssyncset.s32 $0xFFFFF086  }
0x25: {  	[simem:s6], [sflag:s4] =	dma.local [hbm:s3], $0xF7A  }
0x26: {  	[smem:$0x3F95] =	sst s1;
	(tag) =	ssettag s2;
	_ =	strace s9  }
0x27: {  	s1 =	sld [smem:$0x3FA5]  }
0x28: {  	s2 =	sld [smem:$0x3FA6]  }
0x29: {  	s4 =	sld [smem:$0x3FA8]  }
0x2a: {  	p0 =	seq.s32 s5, $0x0;
	s5 =	sld [smem:$0x3FA9]  }
0x2b: {  	s6 =	sld [smem:$0x3FAA]  }
0x2c: {  	s7 =	sld [smem:$0x3FAB]  }
0x2d: {  	s3 =	simm.s32 $0x108;
	s8 =	sld [smem:$0x3FAC]  }
0x2e: {  	s3 =	simm.s32 @!p0 $0x1082;
	s9 =	sld [smem:$0x3FAD]  }
0x2f: {  	lr =	sadd.s32 s0, s3;
	s0 =	sld [smem:$0x3FA4]  }
0x30: {  	s3 =	sld [smem:$0x3FA7]  }
0x31: {  	[smem:$0x3FB0] =	sst s10  }
0x32: {  	s10 =	sld [smem:$0x3FAE];
	_ =	sdelay $0x3  }
0x33: {  	p0 =	seq.s32 s10, $0x1;
	s10 =	sld [smem:$0x3FB0];
	_ =	sdelay $0x3  }
0x34: {  	[smem:$0x3FB0] =	sst s10  }
0x35: {  	s10 =	sld [smem:$0x3FAF];
	_ =	sdelay $0x3  }
0x36: {  	p1 =	seq.s32 s10, $0x1;
	s10 =	sld [smem:$0x3FB0];
	_ =	sdelay $0x3  }
0x37: {  	[smem:$0x3FB0] =	sst s10  }
0x38: {  	s10 =	sld [smem:$0x3FB1]  }
0x39: {  	_ = 	snop;
	(pc) =	sbr.ind lr, $3  }
0x3a: {  	_ = 	snop  }
0x3b: {  	_ = 	snop  }
0x3c: {  	p2 =	seq.s32 s10, $0x1;
	s10 =	sld [smem:$0x3FB0]  }
0x3d: {  	_ =	shalt  }
0x3e: {  	_ =	shalt  }
0x3f: {  	_ =	shalt  }
0x40: {  	_ =	shalt  }
0x41: {  	_ =	shalt  }
0x42: {  	_ =	shalt  }
0x43: {  	_ =	shalt  }
0x44: {  	_ =	shalt  }
0x45: {  	_ =	shalt  }
0x46: {  	_ =	shalt  }
0x47: {  	_ =	shalt  }
0x48: {  	_ =	shalt  }
0x49: {  	_ =	shalt  }
0x4a: {  	_ =	shalt  }
0x4b: {  	_ =	shalt  }
0x4c: {  	_ =	shalt  }
0x4d: {  	_ =	shalt  }
0x4e: {  	_ =	shalt  }
0x4f: {  	_ =	shalt  }
0x50: {  	_ =	shalt  }
0x51: {  	_ =	shalt  }
0x52: {  	_ =	shalt  }
0x53: {  	_ =	shalt  }
0x54: {  	_ =	shalt  }
0x55: {  	_ =	shalt  }
0x56: {  	_ =	shalt  }
0x57: {  	_ =	shalt  }
0x58: {  	_ =	shalt  }
0x59: {  	_ =	shalt  }
0x5a: {  	_ =	shalt  }
0x5b: {  	_ =	shalt  }
0x5c: {  	_ =	shalt  }
0x5d: {  	_ =	shalt  }
0x5e: {  	_ =	shalt  }
0x5f: {  	_ =	shalt  }
0x60: {  	_ =	shalt  }
0x61: {  	_ =	shalt  }
0x62: {  	_ =	shalt  }
0x63: {  	_ =	shalt  }
0x64: {  	_ =	shalt  }
0x65: {  	_ =	shalt  }
0x66: {  	_ =	shalt  }
0x67: {  	_ =	shalt  }
0x68: {  	_ =	shalt  }
0x69: {  	_ =	shalt  }
0x6a: {  	_ =	shalt  }
0x6b: {  	_ =	shalt  }
0x6c: {  	_ =	shalt  }
0x6d: {  	_ =	shalt  }
0x6e: {  	_ =	shalt  }
0x6f: {  	_ =	shalt  }
0x70: {  	_ =	shalt  }
0x71: {  	_ =	shalt  }
0x72: {  	_ =	shalt  }
0x73: {  	_ =	shalt  }
0x74: {  	_ =	shalt  }
0x75: {  	_ =	shalt  }
0x76: {  	_ =	shalt  }
0x77: {  	_ =	shalt  }
0x78: {  	_ =	shalt  }
0x79: {  	_ =	shalt  }
0x7a: {  	_ =	shalt  }
0x7b: {  	_ =	shalt  }
0x7c: {  	_ =	shalt  }
0x7d: {  	_ =	shalt  }
0x7e: {  	_ =	shalt  }
0x7f: {  	_ =	shalt  }
0x80: {  	_ =	shalt  }
0x81: {  	_ =	shalt  }
0x82: {  	_ =	shalt  }
0x83: {  	_ =	shalt  }
0x84: {  	_ =	shalt  }
0x85: {  	_ =	shalt  }
0x86: {  	_ =	shalt  }
0x87: {  	_ =	shalt  }
.Lfunc_end0:
.L_simem_size_0:
called_computation.1_lowered:
.L_overlay_start_0:
0x88: {  	s2 =	sld [smem:$0x3FD9]  }
0x89: {  	s3 =	sld [smem:$0x3FFE];
	_ =	sdelay $0x1  }
0x8a: {  	s1 =	srdreg.scid  }
0x8b: {  	s0 =	sand.u32 $0x1, s1  }
0x8c: {  	s17 =	sshll.u32 s0, $0xA;
	s2 =	sadd.s32 s3, s2  }
0x8d: {  	s2 =	sadd.s32 s2, s17  }
0x8e: {  	[smem:$0x3FBC] =	sst s2  }
0x8f: {  	_ = 	snop  }
0x90: {  	s2 =	sld [smem:$0x3FD0];
	(tm) =	ssettm $0x1  }
0x91: {  	s18 =	sld [smem:$0x3FFB];
	_ =	sdelay $0x3  }
0x92: {  	_ =	strace s18  }
0x93: {  	s3 =	sld [smem:$0x3FFC];
	_ =	sdelay $0x3  }
0x94: {  	_ =	strace s3  }
0x95: {  	s3 =	sld [smem:$0x3FFD];
	_ =	sdelay $0x3  }
0x96: {  	_ =	strace s3  }
0x97: {  	_ =	strace $0x8FFFFFFF  }
0x98: {  	s19 =	sld [smem:$0x3FDB];
	_ =	sdelay $0x1  }
0x99: {  	s4 =	simm.s32 $_scs_section_size  }
0x9a: {  	s5 =	simm.s32 $_size__tile_overlayer_lowered;
	s6 =	simm.s32 $_tile_overlayer_lowered  }
0x9b: {  	s22 =	simm.s32 $0x1BFF;
	s21 =	sshll.u32 s6, $0x1;
	s3 =	sadd.s32 s4, s19  }
0x9c: {  	s7 =	simm.s32 $0x0;
	s20 =	sshll.u32 s5, $0x1;
	s5 =	sadd.s32 s21, s3  }
0x9d: {  	[timem:s7], [sflag:s22] =	dma.local [hbm:s5], s20  }
0x9e: {  	_ =	swait.ge [sflag:s22], s20  }
0x9f: {  	s4 =	ssub.s32 $0x0, s20;
	[sflag:s22] =	ssyncset.done $0x0  }
0xa0: {  	[sflag:s22] =	ssyncadd.s32 s4;
	_ =	sdelay $0x1  }
0xa1: {  	s23 =	simm.s32 $0x1B8B  }
0xa2: {  	_ =	swait.ge [sflag:s23], $0x1  }
0xa3: {  	[sflag:s23] =	ssyncset.done $0x0  }
0xa4: {  	s25 =	simm.s32 $0x1B8E;
	s24 =	sld [smem:$0x3FFE];
	[sflag:s23] =	ssyncadd.s32 $0xFFFFFFFF  }
0xa5: {  	s26 =	simm.s32 $execute0_lowered;
	[smem:$0x3FD2] =	sst s25  }
0xa6: {  	s5 =	sshll.u32 s26, $0x1;
	_ =	strace $0x80000049;
	[dreg:$0x1] =	wrdreg $0xFFFFFFFF  }
0xa7: {  	s28 =	simm.s32 $_size_execute0_lowered;
	s3 =	sadd.s32 s3, s5;
	[dreg:$0x0] =	wrdreg $0x0  }
0xa8: {  	s5 =	sshll.u32 s28, $0x1;
	[dreg:$0x2] =	wrdreg s3  }
0xa9: {  	[dreg:$0x3] =	wrdreg s5  }
0xaa: {  	[dreg:$0x4] =	wrdreg $0xC0  }
0xab: {  	_ =	task [dreg:s7], $0x5FFFF  }
0xac: {  	[dreg:$0x1] =	wrdreg $0xFFFFFFFF  }
0xad: {  	[dreg:$0x0] =	wrdreg $0x60  }
0xae: {  	[dreg:$0x2] =	wrdreg s2  }
0xaf: {  	[dreg:$0x3] =	wrdreg s24  }
0xb0: {  	[dreg:$0x4] =	wrdreg $0xC0000  }
0xb1: {  	[dreg:$0x5] =	wrdreg $0x9  }
0xb2: {  	_ =	task.clear_ibuf [dreg:s7], $0x6FFFF;
	_ =	strace $0x90000049  }
0xb3: {  	s29 =	simm.s32 $0x9;
	_ =	strace $0x8000004B  }
0xb4: {  	_ =	swait.ge [sflag:s29], $0x1  }
0xb5: {  	[sflag:s29] =	ssyncadd.s32 $0xFFFFFFFF  }
0xb6: {  	_ =	strace $0x9000004B  }
0xb7: {  	_ =	sfence  }
0xb8: {  	s30 =	sld [smem:$0x0];
	_ =	sdelay $0x2  }
0xb9: {  	s31 =	sshll.u32 s1, $0xD;
	s1 =	sshrl.u32 s1, $0x2  }
0xba: {  	s3 =	sand.u32 $0x4000, s31;
	s1 =	sadd.s32 s1, s30  }
0xbb: {  	s0 =	sor.u32 s3, s0;
	s1 =	sshll.u32 s1, $0x11  }
0xbc: {  	s0 =	sor.u32 s1, s0  }
0xbd: {  	s0 =	sadd.s32 $0x8F2B, s0  }
0xbe: {  	[sflag:s0] =	ssyncadd.remote.s32 $0x1  }
0xbf: {  	_ =	sfence.sel $0xFFFF  }
0xc0: {  	[dreg:$0x0] =	wrdreg $0xFFFFFFFF;
	(pc) =	sbr.abs _section_cstart, $3  }
0xc1: {  	[dreg:$0x1] =	wrdreg $0xFFFFFFFF  }
0xc2: {  	_ =	task.clear_ibuf [dreg:s7], $0x2FFFF;
	_ =	strace $0x9FFFFFFF  }
0xc3: {  	(tm) =	ssettm $0x7FFFFFFF  }
tec
execute0_lowered:
.L_overlay_start_1:
0x0: {  	(tag) =	ssettag $0x1  }
0x1: {  	s1 =	rddreg [dreg:$0x0]  }
0x2: {  	s6 =	rddreg [dreg:$0x1]  }
0x3: {  	s3 =	rddreg [dreg:$0x2]  }
0x4: {  	s0 =	rddreg [dreg:$0x3];
	s4 =	simm.s32 $0x0;
	s2 =	stileid.u32  }
0x5: {  	s5 =	srdreg.scid;
	s17 =	simm.s32 $0x2000;
	s18 =	simm.s32 $0x80  }
0x6: {  	s19 =	simm.s32 $0x4000;
	s20 =	simm.s32 $0x1;
	s21 =	simm.s32 $0x8000  }
0x7: {  	s22 =	simm.s32 $0x2;
	s23 =	simm.s32 $0x3;
	s24 =	simm.s32 $0x1F80  }
0x8: {  	[smem:$0x7FF] =	sst s4;
	s7 =	sand.u32 $0x1, s5;
	s8 =	smul.u32 $0x2780, s2  }
0x9: {  	s9 =	sadd.s32 $0x63600, s6;
	s25 =	sshll.u32 s2, $0x9;
	s11 =	sadd.s32 $0x5B600, s6  }
0xa: {  	s13 =	smul.u32 $0x4F000, s2;
	s5 =	sadd.s32 $0x5E00, s6;
	s30 =	sshll.u32 s2, $0x6  }
0xb: {  	s31 =	sshll.u32 s2, $0xB;
	_ =	strace $0x8000004A;
	s10 =	smul.u32 $0x27800, s7  }
0xc: {  	s12 =	sadd.s32 s25, s6;
	s26 =	ssub.s32 $0x2, s7;
	p0 =	seq.s32 s7, $0x1  }
0xd: {  	s7 =	sadd.s32 s9, s31;
	s25 =	simm.s32 $0x3F00;
	s28 =	sshrl.u32 s26, $0x1  }
0xe: {  	s29 =	sshrl.u32 s13, $0x2;
	s8 =	sadd.s32 s8, s10;
	s15 =	ssub.s32 s26, s28  }
.Ltmp0:
0xf: {  	s16 =	sadd.s32 s29, s3;
	s10 =	sor.u32 $0x400, s31;
	(pc) =	sbr.rel .LBB2_1-.Ltmp0, $4  }
0x10: {  	s26 =	simm.s32 $0x3F80;
	s14 =	sadd.s32 s8, s6;
	s6 =	sor.u32 $0x1C04, s30  }
0x11: {  	s8 =	sadd.s32 s11, s31;
	s9 =	sadd.s32 s9, s10;
	s10 =	sadd.s32 s11, s10  }
0x12: {  	s11 =	sadd.s32 $0x57600, s12;
	s12 =	sadd.s32 $0x59600, s12;
	s13 =	sadd.s32 $0x6B600, s14  }
0x13: {  	s14 =	smax.u32 s15, $0x1;
	s15 =	sshrl.u32 s16, $0x3;
	s16 =	simm.s32 $0x4  }
.LBB2_9:
0x14: {  	s28 =	sshra.s32 s28, $0x2;
	[sflag:s16] =	ssyncadd.s32 $0xFFFFC000  }
0x15: {  	[tilespmem:s19], [sflag:$0x1] =	stream.indirect.gather [hbm4b:s1+s18], $0x80, s28, s18, $0xb8;
	[tilespmem:$0x1FC00] =	vst v63  }
0x16: {  	_ =	swait.ge [sflag:s20], $0x4000  }
0x17: {  	[sflag:s20] =	ssyncset.done $0x0  }
0x18: {  	s28 =	sadd.s32 $0x2000, s28;
	[sflag:s20] =	ssyncadd.s32 $0xFFFFC000  }
0x19: {  	[spmem:s3] =	stream.indirect.scatter.add.f32 [tilespmem:s19], [sflag:$0x4], $0x80, s28, s18, $0xb8;
	[tilespmem:$0x1FC00] =	vst v63  }
0x1a: {  	_ =	swait.ge [sflag:s16], $0x4000  }
0x1b: {  	[sflag:s16] =	ssyncset.done $0x0  }
0x1c: {  	[sflag:s16] =	ssyncadd.s32 $0xFFFFC000  }
.LBB2_10:
0x1d: {  	s4 =	sadd.s32 $0x1, s4  }
0x1e: {  	p1 =	sne.s32 s4, s14  }
.Ltmp1:
0x1f: {  	[bflag:$0x0] =	sbarrier.arrive $0xFFFF;
	(pc) =	sbr.rel @!p1 .LBB2_11-.Ltmp1, $4  }
0x20: {  	[hbm:s13], [sflag:s6] =	dma.local [spmem:s15], $0x2780  }
0x21: {  	_ =	swait.ge [sflag:s16], $0x2780  }
0x22: {  	[sflag:s16] =	ssyncset.done $0x0  }
0x23: {  	[sflag:s16] =	ssyncadd.s32 $0xFFFFD880  }
.LBB2_1:
0x24: {  	[spmem:s15], [sflag:s6] =	dma.local [hbm:s5], $0x2780  }
.Ltmp2:
0x25: {  	_ =	swait.ge [sflag:s16], $0x2780;
	(pc) =	sbr.rel @!p0 .LBB2_2-.Ltmp2, $4  }
0x26: {  	[sflag:s16] =	ssyncset.done $0x0  }
0x27: {  	[sflag:s16] =	ssyncadd.s32 $0xFFFFD880  }
0x28: {  	[bflag:$0x0] =	sbarrier.arrive $0xFFFF  }
0x29: {  	s28 =	simm.s32 $0x0  }
0x2a: {  	[tilespmem:s28], [sflag:$0x4] =	stream.linear.gather [hbm4b:s11+s28], $0xF00, $0x38;
	[tilespmem:$0x1FC00] =	vst v63  }
0x2b: {  	_ =	swait.ge [sflag:s16], $0xF00  }
0x2c: {  	[sflag:s16] =	ssyncset.done $0x0  }
0x2d: {  	[sflag:s16] =	ssyncadd.s32 $0xFFFFF100  }
0x2e: {  	[tilespmem:s17], [sflag:$0x4] =	stream.linear.gather [hbm4b:s12+s28], $0xF00, $0x38;
	[tilespmem:$0x1FC00] =	vst v63  }
0x2f: {  	_ =	swait.ge [sflag:s16], $0xF00  }
0x30: {  	[sflag:s16] =	ssyncset.done $0x0  }
0x31: {  	s28 =	simm.s32 $0x0;
	[sflag:s16] =	ssyncadd.s32 $0xFFFFF100  }
0x32: {  	[tilespmem:s19], [sflag:$0x1] =	stream.indirect.gather [hbm4b:s1+s18], $0x80, s28, s18, $0xb8;
	[tilespmem:$0x1FC00] =	vst v63  }
0x33: {  	_ =	swait.ge [sflag:s20], $0x4000  }
0x34: {  	[sflag:s20] =	ssyncset.done $0x0  }
0x35: {  	s28 =	simm.s32 $0x2000;
	[sflag:s20] =	ssyncadd.s32 $0xFFFFC000  }
0x36: {  	[spmem:s3] =	stream.indirect.scatter.add.f32 [tilespmem:s19], [sflag:$0x4], $0x80, s28, s18, $0xb8;
	[tilespmem:$0x1FC00] =	vst v63  }
0x37: {  	_ =	swait.ge [sflag:s16], $0x4000  }
0x38: {  	s29 =	simm.s32 $0x400;
	s28 =	simm.s32 $0x200;
	[sflag:s16] =	ssyncset.done $0x0  }
.LBB2_8:
0x39: {  	s30 =	sshra.s32 s28, $0x2  }
0x3a: {  	[sflag:s16] =	ssyncadd.s32 $0xFFFFC000;
	s28 =	smov.u32 s29;
	s31 =	sadd.s32 $0x200, s29  }
0x3b: {  	[tilespmem:s19], [sflag:$0x1] =	stream.indirect.gather [hbm4b:s1+s18], $0x80, s30, s18, $0xb8;
	[tilespmem:$0x1FC00] =	vst v63  }
0x3c: {  	p1 =	seq.s32 s29, $0x3A00;
	_ =	swait.ge [sflag:s20], $0x4000  }
.Ltmp3:
0x3d: {  	[sflag:s20] =	ssyncset.done $0x0;
	(pc) =	sbr.rel @!p1 .LBB2_8-.Ltmp3, $4  }
0x3e: {  	s29 =	sadd.s32 $0x2000, s30;
	[sflag:s20] =	ssyncadd.s32 $0xFFFFC000  }
0x3f: {  	[spmem:s3] =	stream.indirect.scatter.add.f32 [tilespmem:s19], [sflag:$0x4], $0x80, s29, s18, $0xb8;
	[tilespmem:$0x1FC00] =	vst v63  }
0x40: {  	_ =	swait.ge [sflag:s16], $0x4000  }
0x41: {  	s29 =	smov.u32 s31;
	[sflag:s16] =	ssyncset.done $0x0  }
.Ltmp4:
0x42: {  	_ = 	snop;
	(pc) =	sbr.rel .LBB2_9-.Ltmp4, $1  }
0x43: {  	_ =	sdelay $0x3  }
.LBB2_2:
0x44: {  	[tilespmem:s28], [sflag:$0x4] =	stream.linear.gather [hbm4b:s7+s28], $0x2000, $0x38;
	[tilespmem:$0x1FC00] =	vst v63  }
0x45: {  	_ =	swait.ge [sflag:s16], $0x2000  }
0x46: {  	[sflag:s16] =	ssyncset.done $0x0  }
0x47: {  	[sflag:s16] =	ssyncadd.s32 $0xFFFFE000  }
0x48: {  	[tilespmem:s17], [sflag:$0x4] =	stream.linear.gather [hbm4b:s8+s28], $0x2000, $0x38;
	[tilespmem:$0x1FC00] =	vst v63  }
0x49: {  	_ =	swait.ge [sflag:s16], $0x2000  }
0x4a: {  	[sflag:s16] =	ssyncset.done $0x0  }
0x4b: {  	[sflag:s16] =	ssyncadd.s32 $0xFFFFE000  }
0x4c: {  	[tilespmem:s19], [sflag:$0x1] =	stream.indirect.gather [hbm4b:s1+s18], $0x80, s28, s18, $0xb8;
	[tilespmem:$0x1FC00] =	vst v63  }
0x4d: {  	_ =	swait.ge [sflag:s20], $0x4000  }
0x4e: {  	[sflag:s20] =	ssyncset.done $0x0  }
0x4f: {  	s28 =	simm.s32 $0x80;
	[sflag:s20] =	ssyncadd.s32 $0xFFFFC000  }
0x50: {  	[tilespmem:s21], [sflag:$0x2] =	stream.indirect.gather [hbm4b:s1+s18], $0x80, s28, s18, $0xb8;
	[tilespmem:$0x1FC00] =	vst v63  }
0x51: {  	s28 =	simm.s32 $0x2000  }
0x52: {  	[spmem:s3] =	stream.indirect.scatter.add.f32 [tilespmem:s19], [sflag:$0x3], $0x80, s28, s18, $0xb8;
	[tilespmem:$0x1FC00] =	vst v63  }
0x53: {  	_ =	swait.ge [sflag:s22], $0x4000  }
0x54: {  	[sflag:s22] =	ssyncset.done $0x0  }
0x55: {  	[sflag:s22] =	ssyncadd.s32 $0xFFFFC000  }
0x56: {  	_ =	swait.ge [sflag:s23], $0x4000  }
0x57: {  	[sflag:s23] =	ssyncset.done $0x0  }
0x58: {  	s28 =	simm.s32 $0x100;
	[sflag:s23] =	ssyncadd.s32 $0xFFFFC000  }
0x59: {  	[tilespmem:s19], [sflag:$0x1] =	stream.indirect.gather [hbm4b:s1+s18], $0x80, s28, s18, $0xb8;
	[tilespmem:$0x1FC00] =	vst v63  }
0x5a: {  	s28 =	simm.s32 $0x2080  }
0x5b: {  	[spmem:s3] =	stream.indirect.scatter.add.f32 [tilespmem:s21], [sflag:$0x4], $0x80, s28, s18, $0xb8;
	[tilespmem:$0x1FC00] =	vst v63  }
0x5c: {  	_ =	swait.ge [sflag:s16], $0x4000  }
0x5d: {  	s28 =	simm.s32 $0x400;
	[sflag:s16] =	ssyncset.done $0x0  }
.LBB2_3:
0x5e: {  	p1 =	sne.s32 s28, $0x7800  }
0x5f: {  	[sflag:s16] =	ssyncadd.s32 $0xFFFFC000;
	s29 =	smov.u32 s28;
	s28 =	sadd.s32 $0x400, s28  }
0x60: {  	_ = 	snop  }
0x61: {  	_ =	swait.ge [sflag:s20], $0x4000  }
0x62: {  	s29 =	sshra.s32 s29, $0x2;
	[sflag:s20] =	ssyncset.done $0x0  }
0x63: {  	s30 =	sadd.s32 $0x80, s29;
	[sflag:s20] =	ssyncadd.s32 $0xFFFFC000  }
0x64: {  	[tilespmem:s21], [sflag:$0x2] =	stream.indirect.gather [hbm4b:s1+s18], $0x80, s30, s18, $0xb8;
	[tilespmem:$0x1FC00] =	vst v63  }
0x65: {  	s30 =	sadd.s32 $0x2000, s29  }
0x66: {  	[spmem:s3] =	stream.indirect.scatter.add.f32 [tilespmem:s19], [sflag:$0x3], $0x80, s30, s18, $0xb8;
	[tilespmem:$0x1FC00] =	vst v63  }
0x67: {  	_ =	swait.ge [sflag:s22], $0x4000  }
0x68: {  	[sflag:s22] =	ssyncset.done $0x0  }
0x69: {  	[sflag:s22] =	ssyncadd.s32 $0xFFFFC000  }
0x6a: {  	_ =	swait.ge [sflag:s23], $0x4000  }
0x6b: {  	[sflag:s23] =	ssyncset.done $0x0  }
0x6c: {  	s30 =	sadd.s32 $0x100, s29;
	[sflag:s23] =	ssyncadd.s32 $0xFFFFC000  }
0x6d: {  	[tilespmem:s19], [sflag:$0x1] =	stream.indirect.gather [hbm4b:s1+s18], $0x80, s30, s18, $0xb8;
	[tilespmem:$0x1FC00] =	vst v63  }
.Ltmp5:
0x6e: {  	_ = 	snop;
	(pc) =	sbr.rel @p1 .LBB2_3-.Ltmp5, $4  }
0x6f: {  	s29 =	sadd.s32 $0x2080, s29  }
0x70: {  	[spmem:s3] =	stream.indirect.scatter.add.f32 [tilespmem:s21], [sflag:$0x4], $0x80, s29, s18, $0xb8;
	[tilespmem:$0x1FC00] =	vst v63  }
0x71: {  	_ =	swait.ge [sflag:s16], $0x4000  }
0x72: {  	[sflag:s16] =	ssyncset.done $0x0  }
0x73: {  	[sflag:s16] =	ssyncadd.s32 $0xFFFFC000  }
0x74: {  	_ =	swait.ge [sflag:s20], $0x4000  }
0x75: {  	[sflag:s20] =	ssyncset.done $0x0  }
0x76: {  	[sflag:s20] =	ssyncadd.s32 $0xFFFFC000  }
0x77: {  	[tilespmem:s21], [sflag:$0x2] =	stream.indirect.gather [hbm4b:s1+s18], $0x80, s24, s18, $0xb8;
	[tilespmem:$0x1FC00] =	vst v63  }
0x78: {  	_ = 	snop  }
0x79: {  	[spmem:s3] =	stream.indirect.scatter.add.f32 [tilespmem:s19], [sflag:$0x3], $0x80, s25, s18, $0xb8;
	[tilespmem:$0x1FC00] =	vst v63  }
0x7a: {  	_ =	swait.ge [sflag:s22], $0x4000  }
0x7b: {  	[sflag:s22] =	ssyncset.done $0x0  }
0x7c: {  	[sflag:s22] =	ssyncadd.s32 $0xFFFFC000  }
0x7d: {  	_ =	swait.ge [sflag:s23], $0x4000  }
0x7e: {  	[sflag:s23] =	ssyncset.done $0x0  }
0x7f: {  	[sflag:s23] =	ssyncadd.s32 $0xFFFFC000  }
0x80: {  	[spmem:s3] =	stream.indirect.scatter.add.f32 [tilespmem:s21], [sflag:$0x4], $0x80, s26, s18, $0xb8;
	[tilespmem:$0x1FC00] =	vst v63  }
0x81: {  	_ =	swait.ge [sflag:s16], $0x4000  }
0x82: {  	[sflag:s16] =	ssyncset.done $0x0  }
0x83: {  	s28 =	simm.s32 $0x0;
	[sflag:s16] =	ssyncadd.s32 $0xFFFFC000  }
0x84: {  	[tilespmem:s28], [sflag:$0x4] =	stream.linear.gather [hbm4b:s9+s28], $0x2000, $0x38;
	[tilespmem:$0x1FC00] =	vst v63  }
0x85: {  	_ =	swait.ge [sflag:s16], $0x2000  }
0x86: {  	[sflag:s16] =	ssyncset.done $0x0  }
0x87: {  	[sflag:s16] =	ssyncadd.s32 $0xFFFFE000  }
0x88: {  	[tilespmem:s17], [sflag:$0x4] =	stream.linear.gather [hbm4b:s10+s28], $0x2000, $0x38;
	[tilespmem:$0x1FC00] =	vst v63  }
0x89: {  	_ =	swait.ge [sflag:s16], $0x2000  }
0x8a: {  	[sflag:s16] =	ssyncset.done $0x0  }
0x8b: {  	[sflag:s16] =	ssyncadd.s32 $0xFFFFE000  }
0x8c: {  	[tilespmem:s19], [sflag:$0x1] =	stream.indirect.gather [hbm4b:s1+s18], $0x80, s28, s18, $0xb8;
	[tilespmem:$0x1FC00] =	vst v63  }
0x8d: {  	_ =	swait.ge [sflag:s20], $0x4000  }
0x8e: {  	[sflag:s20] =	ssyncset.done $0x0  }
0x8f: {  	s28 =	simm.s32 $0x80;
	[sflag:s20] =	ssyncadd.s32 $0xFFFFC000  }
0x90: {  	[tilespmem:s21], [sflag:$0x2] =	stream.indirect.gather [hbm4b:s1+s18], $0x80, s28, s18, $0xb8;
	[tilespmem:$0x1FC00] =	vst v63  }
0x91: {  	s28 =	simm.s32 $0x2000  }
0x92: {  	[spmem:s3] =	stream.indirect.scatter.add.f32 [tilespmem:s19], [sflag:$0x3], $0x80, s28, s18, $0xb8;
	[tilespmem:$0x1FC00] =	vst v63  }
0x93: {  	_ =	swait.ge [sflag:s22], $0x4000  }
0x94: {  	[sflag:s22] =	ssyncset.done $0x0  }
0x95: {  	[sflag:s22] =	ssyncadd.s32 $0xFFFFC000  }
0x96: {  	_ =	swait.ge [sflag:s23], $0x4000  }
0x97: {  	[sflag:s23] =	ssyncset.done $0x0  }
0x98: {  	s28 =	simm.s32 $0x100;
	[sflag:s23] =	ssyncadd.s32 $0xFFFFC000  }
0x99: {  	[tilespmem:s19], [sflag:$0x1] =	stream.indirect.gather [hbm4b:s1+s18], $0x80, s28, s18, $0xb8;
	[tilespmem:$0x1FC00] =	vst v63  }
0x9a: {  	s28 =	simm.s32 $0x2080  }
0x9b: {  	[spmem:s3] =	stream.indirect.scatter.add.f32 [tilespmem:s21], [sflag:$0x4], $0x80, s28, s18, $0xb8;
	[tilespmem:$0x1FC00] =	vst v63  }
0x9c: {  	_ =	swait.ge [sflag:s16], $0x4000  }
0x9d: {  	s28 =	simm.s32 $0x400;
	[sflag:s16] =	ssyncset.done $0x0  }
.LBB2_5:
0x9e: {  	p1 =	seq.s32 s28, $0x7800  }
0x9f: {  	[sflag:s16] =	ssyncadd.s32 $0xFFFFC000;
	s29 =	smov.u32 s28;
	s28 =	sadd.s32 $0x400, s28  }
0xa0: {  	_ = 	snop  }
0xa1: {  	_ =	swait.ge [sflag:s20], $0x4000  }
0xa2: {  	s29 =	sshra.s32 s29, $0x2;
	[sflag:s20] =	ssyncset.done $0x0  }
0xa3: {  	s30 =	sadd.s32 $0x80, s29;
	[sflag:s20] =	ssyncadd.s32 $0xFFFFC000  }
0xa4: {  	[tilespmem:s21], [sflag:$0x2] =	stream.indirect.gather [hbm4b:s1+s18], $0x80, s30, s18, $0xb8;
	[tilespmem:$0x1FC00] =	vst v63  }
0xa5: {  	s30 =	sadd.s32 $0x2000, s29  }
0xa6: {  	[spmem:s3] =	stream.indirect.scatter.add.f32 [tilespmem:s19], [sflag:$0x3], $0x80, s30, s18, $0xb8;
	[tilespmem:$0x1FC00] =	vst v63  }
0xa7: {  	_ =	swait.ge [sflag:s22], $0x4000  }
0xa8: {  	[sflag:s22] =	ssyncset.done $0x0  }
0xa9: {  	[sflag:s22] =	ssyncadd.s32 $0xFFFFC000  }
0xaa: {  	_ =	swait.ge [sflag:s23], $0x4000  }
0xab: {  	[sflag:s23] =	ssyncset.done $0x0  }
0xac: {  	s30 =	sadd.s32 $0x100, s29;
	[sflag:s23] =	ssyncadd.s32 $0xFFFFC000  }
0xad: {  	[tilespmem:s19], [sflag:$0x1] =	stream.indirect.gather [hbm4b:s1+s18], $0x80, s30, s18, $0xb8;
	[tilespmem:$0x1FC00] =	vst v63  }
.Ltmp6:
0xae: {  	_ = 	snop;
	(pc) =	sbr.rel @!p1 .LBB2_5-.Ltmp6, $4  }
0xaf: {  	s29 =	sadd.s32 $0x2080, s29  }
0xb0: {  	[spmem:s3] =	stream.indirect.scatter.add.f32 [tilespmem:s21], [sflag:$0x4], $0x80, s29, s18, $0xb8;
	[tilespmem:$0x1FC00] =	vst v63  }
0xb1: {  	_ =	swait.ge [sflag:s16], $0x4000  }
0xb2: {  	[sflag:s16] =	ssyncset.done $0x0  }
0xb3: {  	[sflag:s16] =	ssyncadd.s32 $0xFFFFC000  }
0xb4: {  	_ =	swait.ge [sflag:s20], $0x4000  }
0xb5: {  	[sflag:s20] =	ssyncset.done $0x0  }
0xb6: {  	[sflag:s20] =	ssyncadd.s32 $0xFFFFC000  }
0xb7: {  	[tilespmem:s21], [sflag:$0x2] =	stream.indirect.gather [hbm4b:s1+s18], $0x80, s24, s18, $0xb8;
	[tilespmem:$0x1FC00] =	vst v63  }
0xb8: {  	_ = 	snop  }
0xb9: {  	[spmem:s3] =	stream.indirect.scatter.add.f32 [tilespmem:s19], [sflag:$0x3], $0x80, s25, s18, $0xb8;
	[tilespmem:$0x1FC00] =	vst v63  }
0xba: {  	_ =	swait.ge [sflag:s22], $0x4000  }
0xbb: {  	[sflag:s22] =	ssyncset.done $0x0  }
0xbc: {  	[sflag:s22] =	ssyncadd.s32 $0xFFFFC000  }
0xbd: {  	_ =	swait.ge [sflag:s23], $0x4000  }
0xbe: {  	[sflag:s23] =	ssyncset.done $0x0  }
.Ltmp7:
0xbf: {  	[sflag:s23] =	ssyncadd.s32 $0xFFFFC000;
	(pc) =	sbr.rel .LBB2_10-.Ltmp7, $4  }
0xc0: {  	[spmem:s3] =	stream.indirect.scatter.add.f32 [tilespmem:s21], [sflag:$0x4], $0x80, s26, s18, $0xb8;
	[tilespmem:$0x1FC00] =	vst v63  }
0xc1: {  	_ =	swait.ge [sflag:s16], $0x4000  }
0xc2: {  	[sflag:s16] =	ssyncset.done $0x0  }
0xc3: {  	[sflag:s16] =	ssyncadd.s32 $0xFFFFC000  }
.LBB2_11:
0xc4: {  	_ =	sfence.sel $0x180000  }
0xc5: {  	[bflag:$0x0] =	sbarrier.arrive $0xFFFF  }
0xc6: {  	p0 =	sne.s32 s2, $0x0;
	_ =	strace $0x9000004A  }
0xc7: {  	s0 =	sadd.s32 @!p0 $0x100000, s0;
	[bflag:$0x2] =	sbarrier.arrive $0xFFFF  }
0xc8: {  	[sflag:s0] =	ssyncadd.tile.s32 @!p0 $0x1;
	_ =	shalt  }
.Lfunc_end2:
_tile_overlayer_lowered:
.L_overlay_start_2:
0xc9: {  	(tag) =	ssettag $0x2  }
0xca: {  	s0 =	rddreg [dreg:$0x0];
	s2 =	stileid.u32  }
0xcb: {  	s1 =	rddreg [dreg:$0x1];
	p0 =	sne.s32 s2, $0x0  }
0xcc: {  	s3 =	rddreg [dreg:$0x2];
	[bflag:$0x3] =	sbarrier.arrive $0xFFFF;
	s2 =	simm.s32 @!p0 $0x1C04  }
0xcd: {  	[timem:s3], [sflag:s2] =	dma.local @!p0 [hbm:s0], s1  }
0xce: {  	s0 =	simm.s32 @!p0 $0x4  }
0xcf: {  	_ =	swait.ge @!p0 [sflag:s0], s1  }
0xd0: {  	s1 =	ssub.s32 @!p0 $0x0, s1;
	[sflag:s0] =	ssyncset.done @!p0 $0x0  }
0xd1: {  	[sflag:s0] =	ssyncadd.s32 @!p0 s1  }
0xd2: {  	[bflag:$0x3] =	sbarrier.arrive $0xFFFF  }
0xd3: {  	_ =	shalt  }

// kernel: kernel.16.cloned.1.call-start
scs
__scs_entry_jumppad:
0x0: {  	(pc) =	sbr.rel $0x88, $3  }
0x1: {  	(tag) =	ssettag $0x0;
	lr =	simm.s32 $0x1  }
0x2: {  	[smem:$0x3F95] =	sst lr;
	_ =	strace $0xD0000000  }
0x3: {  	_ = 	snop  }
0x4: {  	_ = 	snop  }
0x5: {  	_ = 	snop  }
0x6: {  	_ = 	snop  }
0x7: {  	_ = 	snop  }
__scs_overlays_trampoline_lowered:
0x8: {  	[smem:$0x3FA4] =	sst s0  }
0x9: {  	[smem:$0x3FA5] =	sst s1  }
0xa: {  	[smem:$0x3FA6] =	sst s2  }
0xb: {  	[smem:$0x3FA7] =	sst s3  }
0xc: {  	[smem:$0x3FA8] =	sst s4  }
0xd: {  	[smem:$0x3FA9] =	sst s5  }
0xe: {  	[smem:$0x3FAA] =	sst s6  }
0xf: {  	[smem:$0x3FAB] =	sst s7  }
0x10: {  	[smem:$0x3FAC] =	sst s8  }
0x11: {  	[smem:$0x3FAD] =	sst s9;
	s0 =	simm.s32 @!p0 $0x0  }
0x12: {  	s1 =	sld [smem:$0x3F93];
	s0 =	simm.s32 @p0 $0x1  }
0x13: {  	[smem:$0x3FAE] =	sst s0;
	s0 =	simm.s32 @!p1 $0x0  }
0x14: {  	s2 =	sld [smem:$0x3F92];
	s0 =	simm.s32 @p1 $0x1  }
0x15: {  	[smem:$0x3FAF] =	sst s0;
	s0 =	simm.s32 @!p2 $0x0  }
0x16: {  	s3 =	sld [smem:$0x3FDB];
	s0 =	simm.s32 @p2 $0x1  }
0x17: {  	s4 =	simm.s32 $0x1BF5;
	[smem:$0x3FB1] =	sst s0  }
0x18: {  	s0 =	sld [smem:$0x3F94];
	_ =	swait.ge [sflag:s4], $0x0  }
0x19: {  	s7 =	sld [smem:$0x3F95]  }
0x1a: {  	s8 =	sadd.s32 $0xFFFFE003, lr  }
0x1b: {  	s9 =	sadd.s32 $0xFFFFFEF7, lr;
	s5 =	simm.s32 $0xFFFFFFFF;
	p2 =	slt.u32 s8, $0xFFFFF086  }
0x1c: {  	p1 =	slt.u32 s9, $0xF7A;
	s5 =	simm.s32 @!p2 $0x0  }
0x1d: {  	s5 =	simm.s32 @p1 $0x1;
	p0 =	seq.s32 s7, s2  }
0x1e: {  	s7 =	smul.u32 @!p0 $0xF7A, s2;
	p2 =	seq.s32 @!p0 s5, $0x0  }
0x1f: {  	s9 =	smul.u32 $0xF7A, s1;
	s8 =	simm.s32 @!p0 $0x1BF5;
	p2 =	por !p2, p0  }
0x20: {  	[sflag:s8] =	ssyncset.s32 @!p0 $0xFFFFF086;
	s6 =	sadd.s32 @!p0 s3, s7;
	s7 =	simm.s32 @!p0 $0x108  }
0x21: {  	s3 =	sadd.s32 s3, s9;
	s6 =	sadd.s32 @!p0 $0x88, s6;
	s7 =	simm.s32 @p2 $0x1082  }
0x22: {  	[simem:s7], [sflag:s8] =	dma.local @!p0 [hbm:s6], $0xF7A  }
0x23: {  	s9 =	sor.u32 $0xD0000000, s2;
	s6 =	simm.s32 $0x108;
	_ =	swait.ge @!p0 [sflag:s8], $0x0  }
0x24: {  	s3 =	sadd.s32 $0x88, s3;
	s6 =	simm.s32 @!p1 $0x1082;
	[sflag:s4] =	ssyncset.s32 $0xFFFFF086  }
0x25: {  	[simem:s6], [sflag:s4] =	dma.local [hbm:s3], $0xF7A  }
0x26: {  	[smem:$0x3F95] =	sst s1;
	(tag) =	ssettag s2;
	_ =	strace s9  }
0x27: {  	s1 =	sld [smem:$0x3FA5]  }
0x28: {  	s2 =	sld [smem:$0x3FA6]  }
0x29: {  	s4 =	sld [smem:$0x3FA8]  }
0x2a: {  	p0 =	seq.s32 s5, $0x0;
	s5 =	sld [smem:$0x3FA9]  }
0x2b: {  	s6 =	sld [smem:$0x3FAA]  }
0x2c: {  	s7 =	sld [smem:$0x3FAB]  }
0x2d: {  	s3 =	simm.s32 $0x108;
	s8 =	sld [smem:$0x3FAC]  }
0x2e: {  	s3 =	simm.s32 @!p0 $0x1082;
	s9 =	sld [smem:$0x3FAD]  }
0x2f: {  	lr =	sadd.s32 s0, s3;
	s0 =	sld [smem:$0x3FA4]  }
0x30: {  	s3 =	sld [smem:$0x3FA7]  }
0x31: {  	[smem:$0x3FB0] =	sst s10  }
0x32: {  	s10 =	sld [smem:$0x3FAE];
	_ =	sdelay $0x3  }
0x33: {  	p0 =	seq.s32 s10, $0x1;
	s10 =	sld [smem:$0x3FB0];
	_ =	sdelay $0x3  }
0x34: {  	[smem:$0x3FB0] =	sst s10  }
0x35: {  	s10 =	sld [smem:$0x3FAF];
	_ =	sdelay $0x3  }
0x36: {  	p1 =	seq.s32 s10, $0x1;
	s10 =	sld [smem:$0x3FB0];
	_ =	sdelay $0x3  }
0x37: {  	[smem:$0x3FB0] =	sst s10  }
0x38: {  	s10 =	sld [smem:$0x3FB1]  }
0x39: {  	_ = 	snop;
	(pc) =	sbr.ind lr, $3  }
0x3a: {  	_ = 	snop  }
0x3b: {  	_ = 	snop  }
0x3c: {  	p2 =	seq.s32 s10, $0x1;
	s10 =	sld [smem:$0x3FB0]  }
0x3d: {  	_ =	shalt  }
0x3e: {  	_ =	shalt  }
0x3f: {  	_ =	shalt  }
0x40: {  	_ =	shalt  }
0x41: {  	_ =	shalt  }
0x42: {  	_ =	shalt  }
0x43: {  	_ =	shalt  }
0x44: {  	_ =	shalt  }
0x45: {  	_ =	shalt  }
0x46: {  	_ =	shalt  }
0x47: {  	_ =	shalt  }
0x48: {  	_ =	shalt  }
0x49: {  	_ =	shalt  }
0x4a: {  	_ =	shalt  }
0x4b: {  	_ =	shalt  }
0x4c: {  	_ =	shalt  }
0x4d: {  	_ =	shalt  }
0x4e: {  	_ =	shalt  }
0x4f: {  	_ =	shalt  }
0x50: {  	_ =	shalt  }
0x51: {  	_ =	shalt  }
0x52: {  	_ =	shalt  }
0x53: {  	_ =	shalt  }
0x54: {  	_ =	shalt  }
0x55: {  	_ =	shalt  }
0x56: {  	_ =	shalt  }
0x57: {  	_ =	shalt  }
0x58: {  	_ =	shalt  }
0x59: {  	_ =	shalt  }
0x5a: {  	_ =	shalt  }
0x5b: {  	_ =	shalt  }
0x5c: {  	_ =	shalt  }
0x5d: {  	_ =	shalt  }
0x5e: {  	_ =	shalt  }
0x5f: {  	_ =	shalt  }
0x60: {  	_ =	shalt  }
0x61: {  	_ =	shalt  }
0x62: {  	_ =	shalt  }
0x63: {  	_ =	shalt  }
0x64: {  	_ =	shalt  }
0x65: {  	_ =	shalt  }
0x66: {  	_ =	shalt  }
0x67: {  	_ =	shalt  }
0x68: {  	_ =	shalt  }
0x69: {  	_ =	shalt  }
0x6a: {  	_ =	shalt  }
0x6b: {  	_ =	shalt  }
0x6c: {  	_ =	shalt  }
0x6d: {  	_ =	shalt  }
0x6e: {  	_ =	shalt  }
0x6f: {  	_ =	shalt  }
0x70: {  	_ =	shalt  }
0x71: {  	_ =	shalt  }
0x72: {  	_ =	shalt  }
0x73: {  	_ =	shalt  }
0x74: {  	_ =	shalt  }
0x75: {  	_ =	shalt  }
0x76: {  	_ =	shalt  }
0x77: {  	_ =	shalt  }
0x78: {  	_ =	shalt  }
0x79: {  	_ =	shalt  }
0x7a: {  	_ =	shalt  }
0x7b: {  	_ =	shalt  }
0x7c: {  	_ =	shalt  }
0x7d: {  	_ =	shalt  }
0x7e: {  	_ =	shalt  }
0x7f: {  	_ =	shalt  }
0x80: {  	_ =	shalt  }
0x81: {  	_ =	shalt  }
0x82: {  	_ =	shalt  }
0x83: {  	_ =	shalt  }
0x84: {  	_ =	shalt  }
0x85: {  	_ =	shalt  }
0x86: {  	_ =	shalt  }
0x87: {  	_ =	shalt  }
.Lfunc_end0:
.L_simem_size_0:
called_computation.2_lowered:
.L_overlay_start_0:
0x88: {  	s2 =	sld [smem:$0x3FD9]  }
0x89: {  	s3 =	sld [smem:$0x3FFE];
	_ =	sdelay $0x1  }
0x8a: {  	s1 =	srdreg.scid  }
0x8b: {  	s0 =	sand.u32 $0x1, s1  }
0x8c: {  	s17 =	sshll.u32 s0, $0xA;
	s2 =	sadd.s32 s3, s2  }
0x8d: {  	s2 =	sadd.s32 s2, s17  }
0x8e: {  	[smem:$0x3FBC] =	sst s2  }
0x8f: {  	_ = 	snop  }
0x90: {  	s2 =	sld [smem:$0x3FD0];
	(tm) =	ssettm $0x1  }
0x91: {  	s18 =	sld [smem:$0x3FFB];
	_ =	sdelay $0x3  }
0x92: {  	_ =	strace s18  }
0x93: {  	s3 =	sld [smem:$0x3FFC];
	_ =	sdelay $0x3  }
0x94: {  	_ =	strace s3  }
0x95: {  	s3 =	sld [smem:$0x3FFD];
	_ =	sdelay $0x3  }
0x96: {  	_ =	strace s3  }
0x97: {  	_ =	strace $0x8FFFFFFF  }
0x98: {  	s19 =	sld [smem:$0x3FDB];
	_ =	sdelay $0x1  }
0x99: {  	s4 =	simm.s32 $_scs_section_size  }
0x9a: {  	s5 =	simm.s32 $_size__tile_overlayer_lowered;
	s6 =	simm.s32 $_tile_overlayer_lowered  }
0x9b: {  	s22 =	simm.s32 $0x1BFF;
	s21 =	sshll.u32 s6, $0x1;
	s3 =	sadd.s32 s4, s19  }
0x9c: {  	s7 =	simm.s32 $0x0;
	s20 =	sshll.u32 s5, $0x1;
	s5 =	sadd.s32 s21, s3  }
0x9d: {  	[timem:s7], [sflag:s22] =	dma.local [hbm:s5], s20  }
0x9e: {  	_ =	swait.ge [sflag:s22], s20  }
0x9f: {  	s4 =	ssub.s32 $0x0, s20;
	[sflag:s22] =	ssyncset.done $0x0  }
0xa0: {  	[sflag:s22] =	ssyncadd.s32 s4;
	_ =	sdelay $0x1  }
0xa1: {  	s23 =	simm.s32 $0x1B8B  }
0xa2: {  	_ =	swait.ge [sflag:s23], $0x1  }
0xa3: {  	[sflag:s23] =	ssyncset.done $0x0  }
0xa4: {  	s25 =	simm.s32 $0x1B8E;
	s24 =	sld [smem:$0x3FFE];
	[sflag:s23] =	ssyncadd.s32 $0xFFFFFFFF  }
0xa5: {  	s26 =	simm.s32 $execute0_lowered;
	[smem:$0x3FD2] =	sst s25  }
0xa6: {  	s5 =	sshll.u32 s26, $0x1;
	_ =	strace $0x8000004C;
	[dreg:$0x1] =	wrdreg $0xFFFFFFFF  }
0xa7: {  	s28 =	simm.s32 $_size_execute0_lowered;
	s3 =	sadd.s32 s3, s5;
	[dreg:$0x0] =	wrdreg $0x0  }
0xa8: {  	s5 =	sshll.u32 s28, $0x1;
	[dreg:$0x2] =	wrdreg s3  }
0xa9: {  	[dreg:$0x3] =	wrdreg s5  }
0xaa: {  	[dreg:$0x4] =	wrdreg $0xC0  }
0xab: {  	_ =	task [dreg:s7], $0x5FFFF  }
0xac: {  	[dreg:$0x1] =	wrdreg $0xFFFFFFFF  }
0xad: {  	[dreg:$0x0] =	wrdreg $0x60  }
0xae: {  	[dreg:$0x2] =	wrdreg s2  }
0xaf: {  	[dreg:$0x3] =	wrdreg s24  }
0xb0: {  	[dreg:$0x4] =	wrdreg $0xC0000  }
0xb1: {  	[dreg:$0x5] =	wrdreg $0x9  }
0xb2: {  	_ =	task.clear_ibuf [dreg:s7], $0x6FFFF;
	_ =	strace $0x9000004C  }
0xb3: {  	s29 =	simm.s32 $0x9;
	_ =	strace $0x8000004E  }
0xb4: {  	_ =	swait.ge [sflag:s29], $0x1  }
0xb5: {  	[sflag:s29] =	ssyncadd.s32 $0xFFFFFFFF  }
0xb6: {  	_ =	strace $0x9000004E  }
0xb7: {  	_ =	sfence  }
0xb8: {  	s30 =	sld [smem:$0x0];
	_ =	sdelay $0x2  }
0xb9: {  	s31 =	sshll.u32 s1, $0xD;
	s1 =	sshrl.u32 s1, $0x2  }
0xba: {  	s3 =	sand.u32 $0x4000, s31;
	s1 =	sadd.s32 s1, s30  }
0xbb: {  	s0 =	sor.u32 s3, s0;
	s1 =	sshll.u32 s1, $0x11  }
0xbc: {  	s0 =	sor.u32 s1, s0  }
0xbd: {  	s0 =	sadd.s32 $0x8F2B, s0  }
0xbe: {  	[sflag:s0] =	ssyncadd.remote.s32 $0x1  }
0xbf: {  	_ =	sfence.sel $0xFFFF  }
0xc0: {  	[dreg:$0x0] =	wrdreg $0xFFFFFFFF;
	(pc) =	sbr.abs _section_cstart, $3  }
0xc1: {  	[dreg:$0x1] =	wrdreg $0xFFFFFFFF  }
0xc2: {  	_ =	task.clear_ibuf [dreg:s7], $0x2FFFF;
	_ =	strace $0x9FFFFFFF  }
0xc3: {  	(tm) =	ssettm $0x7FFFFFFF  }
tec
execute0_lowered:
.L_overlay_start_1:
0x0: {  	(tag) =	ssettag $0x1  }
0x1: {  	s1 =	rddreg [dreg:$0x0]  }
0x2: {  	s6 =	rddreg [dreg:$0x1]  }
0x3: {  	s3 =	rddreg [dreg:$0x2]  }
0x4: {  	s0 =	rddreg [dreg:$0x3];
	s4 =	simm.s32 $0x0;
	s2 =	stileid.u32  }
0x5: {  	s5 =	srdreg.scid;
	s17 =	simm.s32 $0x2000;
	s18 =	simm.s32 $0x80  }
0x6: {  	s19 =	simm.s32 $0x4000;
	s20 =	simm.s32 $0x1;
	s21 =	simm.s32 $0x8000  }
0x7: {  	s22 =	simm.s32 $0x2;
	s23 =	simm.s32 $0x3;
	s24 =	simm.s32 $0x1F80  }
0x8: {  	[smem:$0x7FF] =	sst s4;
	s7 =	sand.u32 $0x1, s5;
	s8 =	smul.u32 $0x2780, s2  }
0x9: {  	s9 =	sadd.s32 $0x63600, s6;
	s25 =	sshll.u32 s2, $0x9;
	s11 =	sadd.s32 $0x5B600, s6  }
0xa: {  	s13 =	smul.u32 $0x4F000, s2;
	s5 =	sadd.s32 $0x5E00, s6;
	s30 =	sshll.u32 s2, $0x6  }
0xb: {  	s31 =	sshll.u32 s2, $0xB;
	_ =	strace $0x8000004D;
	s10 =	smul.u32 $0x27800, s7  }
0xc: {  	s12 =	sadd.s32 s25, s6;
	s26 =	ssub.s32 $0x2, s7;
	p0 =	seq.s32 s7, $0x1  }
0xd: {  	s7 =	sadd.s32 s9, s31;
	s25 =	simm.s32 $0x3F00;
	s28 =	sshrl.u32 s26, $0x1  }
0xe: {  	s29 =	sshrl.u32 s13, $0x2;
	s8 =	sadd.s32 s8, s10;
	s15 =	ssub.s32 s26, s28  }
.Ltmp0:
0xf: {  	s16 =	sadd.s32 s29, s3;
	s10 =	sor.u32 $0x400, s31;
	(pc) =	sbr.rel .LBB2_1-.Ltmp0, $4  }
0x10: {  	s26 =	simm.s32 $0x3F80;
	s14 =	sadd.s32 s8, s6;
	s6 =	sor.u32 $0x1C04, s30  }
0x11: {  	s8 =	sadd.s32 s11, s31;
	s9 =	sadd.s32 s9, s10;
	s10 =	sadd.s32 s11, s10  }
0x12: {  	s11 =	sadd.s32 $0x57600, s12;
	s12 =	sadd.s32 $0x59600, s12;
	s13 =	sadd.s32 $0x6B600, s14  }
0x13: {  	s14 =	smax.u32 s15, $0x1;
	s15 =	sshrl.u32 s16, $0x3;
	s16 =	simm.s32 $0x4  }
.LBB2_9:
0x14: {  	s28 =	sshra.s32 s28, $0x2;
	[sflag:s16] =	ssyncadd.s32 $0xFFFFC000  }
0x15: {  	[tilespmem:s19], [sflag:$0x1] =	stream.indirect.gather [hbm4b:s1+s18], $0x80, s28, s18, $0xb8;
	[tilespmem:$0x1FC00] =	vst v63  }
0x16: {  	_ =	swait.ge [sflag:s20], $0x4000  }
0x17: {  	[sflag:s20] =	ssyncset.done $0x0  }
0x18: {  	s28 =	sadd.s32 $0x2000, s28;
	[sflag:s20] =	ssyncadd.s32 $0xFFFFC000  }
0x19: {  	[spmem:s3] =	stream.indirect.scatter.add.f32 [tilespmem:s19], [sflag:$0x4], $0x80, s28, s18, $0xb8;
	[tilespmem:$0x1FC00] =	vst v63  }
0x1a: {  	_ =	swait.ge [sflag:s16], $0x4000  }
0x1b: {  	[sflag:s16] =	ssyncset.done $0x0  }
0x1c: {  	[sflag:s16] =	ssyncadd.s32 $0xFFFFC000  }
.LBB2_10:
0x1d: {  	s4 =	sadd.s32 $0x1, s4  }
0x1e: {  	p1 =	sne.s32 s4, s14  }
.Ltmp1:
0x1f: {  	[bflag:$0x0] =	sbarrier.arrive $0xFFFF;
	(pc) =	sbr.rel @!p1 .LBB2_11-.Ltmp1, $4  }
0x20: {  	[hbm:s13], [sflag:s6] =	dma.local [spmem:s15], $0x2780  }
0x21: {  	_ =	swait.ge [sflag:s16], $0x2780  }
0x22: {  	[sflag:s16] =	ssyncset.done $0x0  }
0x23: {  	[sflag:s16] =	ssyncadd.s32 $0xFFFFD880  }
.LBB2_1:
0x24: {  	[spmem:s15], [sflag:s6] =	dma.local [hbm:s5], $0x2780  }
.Ltmp2:
0x25: {  	_ =	swait.ge [sflag:s16], $0x2780;
	(pc) =	sbr.rel @!p0 .LBB2_2-.Ltmp2, $4  }
0x26: {  	[sflag:s16] =	ssyncset.done $0x0  }
0x27: {  	[sflag:s16] =	ssyncadd.s32 $0xFFFFD880  }
0x28: {  	[bflag:$0x0] =	sbarrier.arrive $0xFFFF  }
0x29: {  	s28 =	simm.s32 $0x0  }
0x2a: {  	[tilespmem:s28], [sflag:$0x4] =	stream.linear.gather [hbm4b:s11+s28], $0xF00, $0x38;
	[tilespmem:$0x1FC00] =	vst v63  }
0x2b: {  	_ =	swait.ge [sflag:s16], $0xF00  }
0x2c: {  	[sflag:s16] =	ssyncset.done $0x0  }
0x2d: {  	[sflag:s16] =	ssyncadd.s32 $0xFFFFF100  }
0x2e: {  	[tilespmem:s17], [sflag:$0x4] =	stream.linear.gather [hbm4b:s12+s28], $0xF00, $0x38;
	[tilespmem:$0x1FC00] =	vst v63  }
0x2f: {  	_ =	swait.ge [sflag:s16], $0xF00  }
0x30: {  	[sflag:s16] =	ssyncset.done $0x0  }
0x31: {  	s28 =	simm.s32 $0x0;
	[sflag:s16] =	ssyncadd.s32 $0xFFFFF100  }
0x32: {  	[tilespmem:s19], [sflag:$0x1] =	stream.indirect.gather [hbm4b:s1+s18], $0x80, s28, s18, $0xb8;
	[tilespmem:$0x1FC00] =	vst v63  }
0x33: {  	_ =	swait.ge [sflag:s20], $0x4000  }
0x34: {  	[sflag:s20] =	ssyncset.done $0x0  }
0x35: {  	s28 =	simm.s32 $0x2000;
	[sflag:s20] =	ssyncadd.s32 $0xFFFFC000  }
0x36: {  	[spmem:s3] =	stream.indirect.scatter.add.f32 [tilespmem:s19], [sflag:$0x4], $0x80, s28, s18, $0xb8;
	[tilespmem:$0x1FC00] =	vst v63  }
0x37: {  	_ =	swait.ge [sflag:s16], $0x4000  }
0x38: {  	s29 =	simm.s32 $0x400;
	s28 =	simm.s32 $0x200;
	[sflag:s16] =	ssyncset.done $0x0  }
.LBB2_8:
0x39: {  	s30 =	sshra.s32 s28, $0x2  }
0x3a: {  	[sflag:s16] =	ssyncadd.s32 $0xFFFFC000;
	s28 =	smov.u32 s29;
	s31 =	sadd.s32 $0x200, s29  }
0x3b: {  	[tilespmem:s19], [sflag:$0x1] =	stream.indirect.gather [hbm4b:s1+s18], $0x80, s30, s18, $0xb8;
	[tilespmem:$0x1FC00] =	vst v63  }
0x3c: {  	p1 =	seq.s32 s29, $0x3A00;
	_ =	swait.ge [sflag:s20], $0x4000  }
.Ltmp3:
0x3d: {  	[sflag:s20] =	ssyncset.done $0x0;
	(pc) =	sbr.rel @!p1 .LBB2_8-.Ltmp3, $4  }
0x3e: {  	s29 =	sadd.s32 $0x2000, s30;
	[sflag:s20] =	ssyncadd.s32 $0xFFFFC000  }
0x3f: {  	[spmem:s3] =	stream.indirect.scatter.add.f32 [tilespmem:s19], [sflag:$0x4], $0x80, s29, s18, $0xb8;
	[tilespmem:$0x1FC00] =	vst v63  }
0x40: {  	_ =	swait.ge [sflag:s16], $0x4000  }
0x41: {  	s29 =	smov.u32 s31;
	[sflag:s16] =	ssyncset.done $0x0  }
.Ltmp4:
0x42: {  	_ = 	snop;
	(pc) =	sbr.rel .LBB2_9-.Ltmp4, $1  }
0x43: {  	_ =	sdelay $0x3  }
.LBB2_2:
0x44: {  	[tilespmem:s28], [sflag:$0x4] =	stream.linear.gather [hbm4b:s7+s28], $0x2000, $0x38;
	[tilespmem:$0x1FC00] =	vst v63  }
0x45: {  	_ =	swait.ge [sflag:s16], $0x2000  }
0x46: {  	[sflag:s16] =	ssyncset.done $0x0  }
0x47: {  	[sflag:s16] =	ssyncadd.s32 $0xFFFFE000  }
0x48: {  	[tilespmem:s17], [sflag:$0x4] =	stream.linear.gather [hbm4b:s8+s28], $0x2000, $0x38;
	[tilespmem:$0x1FC00] =	vst v63  }
0x49: {  	_ =	swait.ge [sflag:s16], $0x2000  }
0x4a: {  	[sflag:s16] =	ssyncset.done $0x0  }
0x4b: {  	[sflag:s16] =	ssyncadd.s32 $0xFFFFE000  }
0x4c: {  	[tilespmem:s19], [sflag:$0x1] =	stream.indirect.gather [hbm4b:s1+s18], $0x80, s28, s18, $0xb8;
	[tilespmem:$0x1FC00] =	vst v63  }
0x4d: {  	_ =	swait.ge [sflag:s20], $0x4000  }
0x4e: {  	[sflag:s20] =	ssyncset.done $0x0  }
0x4f: {  	s28 =	simm.s32 $0x80;
	[sflag:s20] =	ssyncadd.s32 $0xFFFFC000  }
0x50: {  	[tilespmem:s21], [sflag:$0x2] =	stream.indirect.gather [hbm4b:s1+s18], $0x80, s28, s18, $0xb8;
	[tilespmem:$0x1FC00] =	vst v63  }
0x51: {  	s28 =	simm.s32 $0x2000  }
0x52: {  	[spmem:s3] =	stream.indirect.scatter.add.f32 [tilespmem:s19], [sflag:$0x3], $0x80, s28, s18, $0xb8;
	[tilespmem:$0x1FC00] =	vst v63  }
0x53: {  	_ =	swait.ge [sflag:s22], $0x4000  }
0x54: {  	[sflag:s22] =	ssyncset.done $0x0  }
0x55: {  	[sflag:s22] =	ssyncadd.s32 $0xFFFFC000  }
0x56: {  	_ =	swait.ge [sflag:s23], $0x4000  }
0x57: {  	[sflag:s23] =	ssyncset.done $0x0  }
0x58: {  	s28 =	simm.s32 $0x100;
	[sflag:s23] =	ssyncadd.s32 $0xFFFFC000  }
0x59: {  	[tilespmem:s19], [sflag:$0x1] =	stream.indirect.gather [hbm4b:s1+s18], $0x80, s28, s18, $0xb8;
	[tilespmem:$0x1FC00] =	vst v63  }
0x5a: {  	s28 =	simm.s32 $0x2080  }
0x5b: {  	[spmem:s3] =	stream.indirect.scatter.add.f32 [tilespmem:s21], [sflag:$0x4], $0x80, s28, s18, $0xb8;
	[tilespmem:$0x1FC00] =	vst v63  }
0x5c: {  	_ =	swait.ge [sflag:s16], $0x4000  }
0x5d: {  	s28 =	simm.s32 $0x400;
	[sflag:s16] =	ssyncset.done $0x0  }
.LBB2_3:
0x5e: {  	p1 =	sne.s32 s28, $0x7800  }
0x5f: {  	[sflag:s16] =	ssyncadd.s32 $0xFFFFC000;
	s29 =	smov.u32 s28;
	s28 =	sadd.s32 $0x400, s28  }
0x60: {  	_ = 	snop  }
0x61: {  	_ =	swait.ge [sflag:s20], $0x4000  }
0x62: {  	s29 =	sshra.s32 s29, $0x2;
	[sflag:s20] =	ssyncset.done $0x0  }
0x63: {  	s30 =	sadd.s32 $0x80, s29;
	[sflag:s20] =	ssyncadd.s32 $0xFFFFC000  }
0x64: {  	[tilespmem:s21], [sflag:$0x2] =	stream.indirect.gather [hbm4b:s1+s18], $0x80, s30, s18, $0xb8;
	[tilespmem:$0x1FC00] =	vst v63  }
0x65: {  	s30 =	sadd.s32 $0x2000, s29  }
0x66: {  	[spmem:s3] =	stream.indirect.scatter.add.f32 [tilespmem:s19], [sflag:$0x3], $0x80, s30, s18, $0xb8;
	[tilespmem:$0x1FC00] =	vst v63  }
0x67: {  	_ =	swait.ge [sflag:s22], $0x4000  }
0x68: {  	[sflag:s22] =	ssyncset.done $0x0  }
0x69: {  	[sflag:s22] =	ssyncadd.s32 $0xFFFFC000  }
0x6a: {  	_ =	swait.ge [sflag:s23], $0x4000  }
0x6b: {  	[sflag:s23] =	ssyncset.done $0x0  }
0x6c: {  	s30 =	sadd.s32 $0x100, s29;
	[sflag:s23] =	ssyncadd.s32 $0xFFFFC000  }
0x6d: {  	[tilespmem:s19], [sflag:$0x1] =	stream.indirect.gather [hbm4b:s1+s18], $0x80, s30, s18, $0xb8;
	[tilespmem:$0x1FC00] =	vst v63  }
.Ltmp5:
0x6e: {  	_ = 	snop;
	(pc) =	sbr.rel @p1 .LBB2_3-.Ltmp5, $4  }
0x6f: {  	s29 =	sadd.s32 $0x2080, s29  }
0x70: {  	[spmem:s3] =	stream.indirect.scatter.add.f32 [tilespmem:s21], [sflag:$0x4], $0x80, s29, s18, $0xb8;
	[tilespmem:$0x1FC00] =	vst v63  }
0x71: {  	_ =	swait.ge [sflag:s16], $0x4000  }
0x72: {  	[sflag:s16] =	ssyncset.done $0x0  }
0x73: {  	[sflag:s16] =	ssyncadd.s32 $0xFFFFC000  }
0x74: {  	_ =	swait.ge [sflag:s20], $0x4000  }
0x75: {  	[sflag:s20] =	ssyncset.done $0x0  }
0x76: {  	[sflag:s20] =	ssyncadd.s32 $0xFFFFC000  }
0x77: {  	[tilespmem:s21], [sflag:$0x2] =	stream.indirect.gather [hbm4b:s1+s18], $0x80, s24, s18, $0xb8;
	[tilespmem:$0x1FC00] =	vst v63  }
0x78: {  	_ = 	snop  }
0x79: {  	[spmem:s3] =	stream.indirect.scatter.add.f32 [tilespmem:s19], [sflag:$0x3], $0x80, s25, s18, $0xb8;
	[tilespmem:$0x1FC00] =	vst v63  }
0x7a: {  	_ =	swait.ge [sflag:s22], $0x4000  }
0x7b: {  	[sflag:s22] =	ssyncset.done $0x0  }
0x7c: {  	[sflag:s22] =	ssyncadd.s32 $0xFFFFC000  }
0x7d: {  	_ =	swait.ge [sflag:s23], $0x4000  }
0x7e: {  	[sflag:s23] =	ssyncset.done $0x0  }
0x7f: {  	[sflag:s23] =	ssyncadd.s32 $0xFFFFC000  }
0x80: {  	[spmem:s3] =	stream.indirect.scatter.add.f32 [tilespmem:s21], [sflag:$0x4], $0x80, s26, s18, $0xb8;
	[tilespmem:$0x1FC00] =	vst v63  }
0x81: {  	_ =	swait.ge [sflag:s16], $0x4000  }
0x82: {  	[sflag:s16] =	ssyncset.done $0x0  }
0x83: {  	s28 =	simm.s32 $0x0;
	[sflag:s16] =	ssyncadd.s32 $0xFFFFC000  }
0x84: {  	[tilespmem:s28], [sflag:$0x4] =	stream.linear.gather [hbm4b:s9+s28], $0x2000, $0x38;
	[tilespmem:$0x1FC00] =	vst v63  }
0x85: {  	_ =	swait.ge [sflag:s16], $0x2000  }
0x86: {  	[sflag:s16] =	ssyncset.done $0x0  }
0x87: {  	[sflag:s16] =	ssyncadd.s32 $0xFFFFE000  }
0x88: {  	[tilespmem:s17], [sflag:$0x4] =	stream.linear.gather [hbm4b:s10+s28], $0x2000, $0x38;
	[tilespmem:$0x1FC00] =	vst v63  }
0x89: {  	_ =	swait.ge [sflag:s16], $0x2000  }
0x8a: {  	[sflag:s16] =	ssyncset.done $0x0  }
0x8b: {  	[sflag:s16] =	ssyncadd.s32 $0xFFFFE000  }
0x8c: {  	[tilespmem:s19], [sflag:$0x1] =	stream.indirect.gather [hbm4b:s1+s18], $0x80, s28, s18, $0xb8;
	[tilespmem:$0x1FC00] =	vst v63  }
0x8d: {  	_ =	swait.ge [sflag:s20], $0x4000  }
0x8e: {  	[sflag:s20] =	ssyncset.done $0x0  }
0x8f: {  	s28 =	simm.s32 $0x80;
	[sflag:s20] =	ssyncadd.s32 $0xFFFFC000  }
0x90: {  	[tilespmem:s21], [sflag:$0x2] =	stream.indirect.gather [hbm4b:s1+s18], $0x80, s28, s18, $0xb8;
	[tilespmem:$0x1FC00] =	vst v63  }
0x91: {  	s28 =	simm.s32 $0x2000  }
0x92: {  	[spmem:s3] =	stream.indirect.scatter.add.f32 [tilespmem:s19], [sflag:$0x3], $0x80, s28, s18, $0xb8;
	[tilespmem:$0x1FC00] =	vst v63  }
0x93: {  	_ =	swait.ge [sflag:s22], $0x4000  }
0x94: {  	[sflag:s22] =	ssyncset.done $0x0  }
0x95: {  	[sflag:s22] =	ssyncadd.s32 $0xFFFFC000  }
0x96: {  	_ =	swait.ge [sflag:s23], $0x4000  }
0x97: {  	[sflag:s23] =	ssyncset.done $0x0  }
0x98: {  	s28 =	simm.s32 $0x100;
	[sflag:s23] =	ssyncadd.s32 $0xFFFFC000  }
0x99: {  	[tilespmem:s19], [sflag:$0x1] =	stream.indirect.gather [hbm4b:s1+s18], $0x80, s28, s18, $0xb8;
	[tilespmem:$0x1FC00] =	vst v63  }
0x9a: {  	s28 =	simm.s32 $0x2080  }
0x9b: {  	[spmem:s3] =	stream.indirect.scatter.add.f32 [tilespmem:s21], [sflag:$0x4], $0x80, s28, s18, $0xb8;
	[tilespmem:$0x1FC00] =	vst v63  }
0x9c: {  	_ =	swait.ge [sflag:s16], $0x4000  }
0x9d: {  	s28 =	simm.s32 $0x400;
	[sflag:s16] =	ssyncset.done $0x0  }
.LBB2_5:
0x9e: {  	p1 =	seq.s32 s28, $0x7800  }
0x9f: {  	[sflag:s16] =	ssyncadd.s32 $0xFFFFC000;
	s29 =	smov.u32 s28;
	s28 =	sadd.s32 $0x400, s28  }
0xa0: {  	_ = 	snop  }
0xa1: {  	_ =	swait.ge [sflag:s20], $0x4000  }
0xa2: {  	s29 =	sshra.s32 s29, $0x2;
	[sflag:s20] =	ssyncset.done $0x0  }
0xa3: {  	s30 =	sadd.s32 $0x80, s29;
	[sflag:s20] =	ssyncadd.s32 $0xFFFFC000  }
0xa4: {  	[tilespmem:s21], [sflag:$0x2] =	stream.indirect.gather [hbm4b:s1+s18], $0x80, s30, s18, $0xb8;
	[tilespmem:$0x1FC00] =	vst v63  }
0xa5: {  	s30 =	sadd.s32 $0x2000, s29  }
0xa6: {  	[spmem:s3] =	stream.indirect.scatter.add.f32 [tilespmem:s19], [sflag:$0x3], $0x80, s30, s18, $0xb8;
	[tilespmem:$0x1FC00] =	vst v63  }
0xa7: {  	_ =	swait.ge [sflag:s22], $0x4000  }
0xa8: {  	[sflag:s22] =	ssyncset.done $0x0  }
0xa9: {  	[sflag:s22] =	ssyncadd.s32 $0xFFFFC000  }
0xaa: {  	_ =	swait.ge [sflag:s23], $0x4000  }
0xab: {  	[sflag:s23] =	ssyncset.done $0x0  }
0xac: {  	s30 =	sadd.s32 $0x100, s29;
	[sflag:s23] =	ssyncadd.s32 $0xFFFFC000  }
0xad: {  	[tilespmem:s19], [sflag:$0x1] =	stream.indirect.gather [hbm4b:s1+s18], $0x80, s30, s18, $0xb8;
	[tilespmem:$0x1FC00] =	vst v63  }
.Ltmp6:
0xae: {  	_ = 	snop;
	(pc) =	sbr.rel @!p1 .LBB2_5-.Ltmp6, $4  }
0xaf: {  	s29 =	sadd.s32 $0x2080, s29  }
0xb0: {  	[spmem:s3] =	stream.indirect.scatter.add.f32 [tilespmem:s21], [sflag:$0x4], $0x80, s29, s18, $0xb8;
	[tilespmem:$0x1FC00] =	vst v63  }
0xb1: {  	_ =	swait.ge [sflag:s16], $0x4000  }
0xb2: {  	[sflag:s16] =	ssyncset.done $0x0  }
0xb3: {  	[sflag:s16] =	ssyncadd.s32 $0xFFFFC000  }
0xb4: {  	_ =	swait.ge [sflag:s20], $0x4000  }
0xb5: {  	[sflag:s20] =	ssyncset.done $0x0  }
0xb6: {  	[sflag:s20] =	ssyncadd.s32 $0xFFFFC000  }
0xb7: {  	[tilespmem:s21], [sflag:$0x2] =	stream.indirect.gather [hbm4b:s1+s18], $0x80, s24, s18, $0xb8;
	[tilespmem:$0x1FC00] =	vst v63  }
0xb8: {  	_ = 	snop  }
0xb9: {  	[spmem:s3] =	stream.indirect.scatter.add.f32 [tilespmem:s19], [sflag:$0x3], $0x80, s25, s18, $0xb8;
	[tilespmem:$0x1FC00] =	vst v63  }
0xba: {  	_ =	swait.ge [sflag:s22], $0x4000  }
0xbb: {  	[sflag:s22] =	ssyncset.done $0x0  }
0xbc: {  	[sflag:s22] =	ssyncadd.s32 $0xFFFFC000  }
0xbd: {  	_ =	swait.ge [sflag:s23], $0x4000  }
0xbe: {  	[sflag:s23] =	ssyncset.done $0x0  }
.Ltmp7:
0xbf: {  	[sflag:s23] =	ssyncadd.s32 $0xFFFFC000;
	(pc) =	sbr.rel .LBB2_10-.Ltmp7, $4  }
0xc0: {  	[spmem:s3] =	stream.indirect.scatter.add.f32 [tilespmem:s21], [sflag:$0x4], $0x80, s26, s18, $0xb8;
	[tilespmem:$0x1FC00] =	vst v63  }
0xc1: {  	_ =	swait.ge [sflag:s16], $0x4000  }
0xc2: {  	[sflag:s16] =	ssyncset.done $0x0  }
0xc3: {  	[sflag:s16] =	ssyncadd.s32 $0xFFFFC000  }
.LBB2_11:
0xc4: {  	_ =	sfence.sel $0x180000  }
0xc5: {  	[bflag:$0x0] =	sbarrier.arrive $0xFFFF  }
0xc6: {  	p0 =	sne.s32 s2, $0x0;
	_ =	strace $0x9000004D  }
0xc7: {  	s0 =	sadd.s32 @!p0 $0x100000, s0;
	[bflag:$0x2] =	sbarrier.arrive $0xFFFF  }
0xc8: {  	[sflag:s0] =	ssyncadd.tile.s32 @!p0 $0x1;
	_ =	shalt  }
.Lfunc_end2:
_tile_overlayer_lowered:
.L_overlay_start_2:
0xc9: {  	(tag) =	ssettag $0x2  }
0xca: {  	s0 =	rddreg [dreg:$0x0];
	s2 =	stileid.u32  }
0xcb: {  	s1 =	rddreg [dreg:$0x1];
	p0 =	sne.s32 s2, $0x0  }
0xcc: {  	s3 =	rddreg [dreg:$0x2];
	[bflag:$0x3] =	sbarrier.arrive $0xFFFF;
	s2 =	simm.s32 @!p0 $0x1C04  }
0xcd: {  	[timem:s3], [sflag:s2] =	dma.local @!p0 [hbm:s0], s1  }
0xce: {  	s0 =	simm.s32 @!p0 $0x4  }
0xcf: {  	_ =	swait.ge @!p0 [sflag:s0], s1  }
0xd0: {  	s1 =	ssub.s32 @!p0 $0x0, s1;
	[sflag:s0] =	ssyncset.done @!p0 $0x0  }
0xd1: {  	[sflag:s0] =	ssyncadd.s32 @!p0 s1  }
0xd2: {  	[bflag:$0x3] =	sbarrier.arrive $0xFFFF  }
0xd3: {  	_ =	shalt  }

// kernel: kernel.19.cloned.1.call-start
scs
__scs_entry_jumppad:
0x0: {  	(pc) =	sbr.rel $0x88, $3  }
0x1: {  	(tag) =	ssettag $0x0;
	lr =	simm.s32 $0x1  }
0x2: {  	[smem:$0x3F95] =	sst lr;
	_ =	strace $0xD0000000  }
0x3: {  	_ = 	snop  }
0x4: {  	_ = 	snop  }
0x5: {  	_ = 	snop  }
0x6: {  	_ = 	snop  }
0x7: {  	_ = 	snop  }
__scs_overlays_trampoline_lowered:
0x8: {  	[smem:$0x3FA4] =	sst s0  }
0x9: {  	[smem:$0x3FA5] =	sst s1  }
0xa: {  	[smem:$0x3FA6] =	sst s2  }
0xb: {  	[smem:$0x3FA7] =	sst s3  }
0xc: {  	[smem:$0x3FA8] =	sst s4  }
0xd: {  	[smem:$0x3FA9] =	sst s5  }
0xe: {  	[smem:$0x3FAA] =	sst s6  }
0xf: {  	[smem:$0x3FAB] =	sst s7  }
0x10: {  	[smem:$0x3FAC] =	sst s8  }
0x11: {  	[smem:$0x3FAD] =	sst s9;
	s0 =	simm.s32 @!p0 $0x0  }
0x12: {  	s1 =	sld [smem:$0x3F93];
	s0 =	simm.s32 @p0 $0x1  }
0x13: {  	[smem:$0x3FAE] =	sst s0;
	s0 =	simm.s32 @!p1 $0x0  }
0x14: {  	s2 =	sld [smem:$0x3F92];
	s0 =	simm.s32 @p1 $0x1  }
0x15: {  	[smem:$0x3FAF] =	sst s0;
	s0 =	simm.s32 @!p2 $0x0  }
0x16: {  	s3 =	sld [smem:$0x3FDB];
	s0 =	simm.s32 @p2 $0x1  }
0x17: {  	s4 =	simm.s32 $0x1BF5;
	[smem:$0x3FB1] =	sst s0  }
0x18: {  	s0 =	sld [smem:$0x3F94];
	_ =	swait.ge [sflag:s4], $0x0  }
0x19: {  	s7 =	sld [smem:$0x3F95]  }
0x1a: {  	s8 =	sadd.s32 $0xFFFFE003, lr  }
0x1b: {  	s9 =	sadd.s32 $0xFFFFFEF7, lr;
	s5 =	simm.s32 $0xFFFFFFFF;
	p2 =	slt.u32 s8, $0xFFFFF086  }
0x1c: {  	p1 =	slt.u32 s9, $0xF7A;
	s5 =	simm.s32 @!p2 $0x0  }
0x1d: {  	s5 =	simm.s32 @p1 $0x1;
	p0 =	seq.s32 s7, s2  }
0x1e: {  	s7 =	smul.u32 @!p0 $0xF7A, s2;
	p2 =	seq.s32 @!p0 s5, $0x0  }
0x1f: {  	s9 =	smul.u32 $0xF7A, s1;
	s8 =	simm.s32 @!p0 $0x1BF5;
	p2 =	por !p2, p0  }
0x20: {  	[sflag:s8] =	ssyncset.s32 @!p0 $0xFFFFF086;
	s6 =	sadd.s32 @!p0 s3, s7;
	s7 =	simm.s32 @!p0 $0x108  }
0x21: {  	s3 =	sadd.s32 s3, s9;
	s6 =	sadd.s32 @!p0 $0x88, s6;
	s7 =	simm.s32 @p2 $0x1082  }
0x22: {  	[simem:s7], [sflag:s8] =	dma.local @!p0 [hbm:s6], $0xF7A  }
0x23: {  	s9 =	sor.u32 $0xD0000000, s2;
	s6 =	simm.s32 $0x108;
	_ =	swait.ge @!p0 [sflag:s8], $0x0  }
0x24: {  	s3 =	sadd.s32 $0x88, s3;
	s6 =	simm.s32 @!p1 $0x1082;
	[sflag:s4] =	ssyncset.s32 $0xFFFFF086  }
0x25: {  	[simem:s6], [sflag:s4] =	dma.local [hbm:s3], $0xF7A  }
0x26: {  	[smem:$0x3F95] =	sst s1;
	(tag) =	ssettag s2;
	_ =	strace s9  }
0x27: {  	s1 =	sld [smem:$0x3FA5]  }
0x28: {  	s2 =	sld [smem:$0x3FA6]  }
0x29: {  	s4 =	sld [smem:$0x3FA8]  }
0x2a: {  	p0 =	seq.s32 s5, $0x0;
	s5 =	sld [smem:$0x3FA9]  }
0x2b: {  	s6 =	sld [smem:$0x3FAA]  }
0x2c: {  	s7 =	sld [smem:$0x3FAB]  }
0x2d: {  	s3 =	simm.s32 $0x108;
	s8 =	sld [smem:$0x3FAC]  }
0x2e: {  	s3 =	simm.s32 @!p0 $0x1082;
	s9 =	sld [smem:$0x3FAD]  }
0x2f: {  	lr =	sadd.s32 s0, s3;
	s0 =	sld [smem:$0x3FA4]  }
0x30: {  	s3 =	sld [smem:$0x3FA7]  }
0x31: {  	[smem:$0x3FB0] =	sst s10  }
0x32: {  	s10 =	sld [smem:$0x3FAE];
	_ =	sdelay $0x3  }
0x33: {  	p0 =	seq.s32 s10, $0x1;
	s10 =	sld [smem:$0x3FB0];
	_ =	sdelay $0x3  }
0x34: {  	[smem:$0x3FB0] =	sst s10  }
0x35: {  	s10 =	sld [smem:$0x3FAF];
	_ =	sdelay $0x3  }
0x36: {  	p1 =	seq.s32 s10, $0x1;
	s10 =	sld [smem:$0x3FB0];
	_ =	sdelay $0x3  }
0x37: {  	[smem:$0x3FB0] =	sst s10  }
0x38: {  	s10 =	sld [smem:$0x3FB1]  }
0x39: {  	_ = 	snop;
	(pc) =	sbr.ind lr, $3  }
0x3a: {  	_ = 	snop  }
0x3b: {  	_ = 	snop  }
0x3c: {  	p2 =	seq.s32 s10, $0x1;
	s10 =	sld [smem:$0x3FB0]  }
0x3d: {  	_ =	shalt  }
0x3e: {  	_ =	shalt  }
0x3f: {  	_ =	shalt  }
0x40: {  	_ =	shalt  }
0x41: {  	_ =	shalt  }
0x42: {  	_ =	shalt  }
0x43: {  	_ =	shalt  }
0x44: {  	_ =	shalt  }
0x45: {  	_ =	shalt  }
0x46: {  	_ =	shalt  }
0x47: {  	_ =	shalt  }
0x48: {  	_ =	shalt  }
0x49: {  	_ =	shalt  }
0x4a: {  	_ =	shalt  }
0x4b: {  	_ =	shalt  }
0x4c: {  	_ =	shalt  }
0x4d: {  	_ =	shalt  }
0x4e: {  	_ =	shalt  }
0x4f: {  	_ =	shalt  }
0x50: {  	_ =	shalt  }
0x51: {  	_ =	shalt  }
0x52: {  	_ =	shalt  }
0x53: {  	_ =	shalt  }
0x54: {  	_ =	shalt  }
0x55: {  	_ =	shalt  }
0x56: {  	_ =	shalt  }
0x57: {  	_ =	shalt  }
0x58: {  	_ =	shalt  }
0x59: {  	_ =	shalt  }
0x5a: {  	_ =	shalt  }
0x5b: {  	_ =	shalt  }
0x5c: {  	_ =	shalt  }
0x5d: {  	_ =	shalt  }
0x5e: {  	_ =	shalt  }
0x5f: {  	_ =	shalt  }
0x60: {  	_ =	shalt  }
0x61: {  	_ =	shalt  }
0x62: {  	_ =	shalt  }
0x63: {  	_ =	shalt  }
0x64: {  	_ =	shalt  }
0x65: {  	_ =	shalt  }
0x66: {  	_ =	shalt  }
0x67: {  	_ =	shalt  }
0x68: {  	_ =	shalt  }
0x69: {  	_ =	shalt  }
0x6a: {  	_ =	shalt  }
0x6b: {  	_ =	shalt  }
0x6c: {  	_ =	shalt  }
0x6d: {  	_ =	shalt  }
0x6e: {  	_ =	shalt  }
0x6f: {  	_ =	shalt  }
0x70: {  	_ =	shalt  }
0x71: {  	_ =	shalt  }
0x72: {  	_ =	shalt  }
0x73: {  	_ =	shalt  }
0x74: {  	_ =	shalt  }
0x75: {  	_ =	shalt  }
0x76: {  	_ =	shalt  }
0x77: {  	_ =	shalt  }
0x78: {  	_ =	shalt  }
0x79: {  	_ =	shalt  }
0x7a: {  	_ =	shalt  }
0x7b: {  	_ =	shalt  }
0x7c: {  	_ =	shalt  }
0x7d: {  	_ =	shalt  }
0x7e: {  	_ =	shalt  }
0x7f: {  	_ =	shalt  }
0x80: {  	_ =	shalt  }
0x81: {  	_ =	shalt  }
0x82: {  	_ =	shalt  }
0x83: {  	_ =	shalt  }
0x84: {  	_ =	shalt  }
0x85: {  	_ =	shalt  }
0x86: {  	_ =	shalt  }
0x87: {  	_ =	shalt  }
.Lfunc_end0:
.L_simem_size_0:
called_computation.3_lowered:
.L_overlay_start_0:
0x88: {  	s2 =	sld [smem:$0x3FD9]  }
0x89: {  	s3 =	sld [smem:$0x3FFE];
	_ =	sdelay $0x1  }
0x8a: {  	s1 =	srdreg.scid  }
0x8b: {  	s0 =	sand.u32 $0x1, s1  }
0x8c: {  	s17 =	sshll.u32 s0, $0xA;
	s2 =	sadd.s32 s3, s2  }
0x8d: {  	s2 =	sadd.s32 s2, s17  }
0x8e: {  	[smem:$0x3FBC] =	sst s2  }
0x8f: {  	_ = 	snop  }
0x90: {  	s2 =	sld [smem:$0x3FD0];
	(tm) =	ssettm $0x1  }
0x91: {  	s18 =	sld [smem:$0x3FFB];
	_ =	sdelay $0x3  }
0x92: {  	_ =	strace s18  }
0x93: {  	s3 =	sld [smem:$0x3FFC];
	_ =	sdelay $0x3  }
0x94: {  	_ =	strace s3  }
0x95: {  	s3 =	sld [smem:$0x3FFD];
	_ =	sdelay $0x3  }
0x96: {  	_ =	strace s3  }
0x97: {  	_ =	strace $0x8FFFFFFF  }
0x98: {  	s19 =	sld [smem:$0x3FDB];
	_ =	sdelay $0x1  }
0x99: {  	s4 =	simm.s32 $_scs_section_size  }
0x9a: {  	s5 =	simm.s32 $_size__tile_overlayer_lowered;
	s6 =	simm.s32 $_tile_overlayer_lowered  }
0x9b: {  	s22 =	simm.s32 $0x1BFF;
	s21 =	sshll.u32 s6, $0x1;
	s3 =	sadd.s32 s4, s19  }
0x9c: {  	s7 =	simm.s32 $0x0;
	s20 =	sshll.u32 s5, $0x1;
	s5 =	sadd.s32 s21, s3  }
0x9d: {  	[timem:s7], [sflag:s22] =	dma.local [hbm:s5], s20  }
0x9e: {  	_ =	swait.ge [sflag:s22], s20  }
0x9f: {  	s4 =	ssub.s32 $0x0, s20;
	[sflag:s22] =	ssyncset.done $0x0  }
0xa0: {  	[sflag:s22] =	ssyncadd.s32 s4;
	_ =	sdelay $0x1  }
0xa1: {  	s23 =	simm.s32 $0x1B8B  }
0xa2: {  	_ =	swait.ge [sflag:s23], $0x1  }
0xa3: {  	[sflag:s23] =	ssyncset.done $0x0  }
0xa4: {  	s25 =	simm.s32 $0x1B8E;
	s24 =	sld [smem:$0x3FFE];
	[sflag:s23] =	ssyncadd.s32 $0xFFFFFFFF  }
0xa5: {  	s26 =	simm.s32 $execute0_lowered;
	[smem:$0x3FD2] =	sst s25  }
0xa6: {  	s5 =	sshll.u32 s26, $0x1;
	_ =	strace $0x8000004F;
	[dreg:$0x1] =	wrdreg $0xFFFFFFFF  }
0xa7: {  	s28 =	simm.s32 $_size_execute0_lowered;
	s3 =	sadd.s32 s3, s5;
	[dreg:$0x0] =	wrdreg $0x0  }
0xa8: {  	s5 =	sshll.u32 s28, $0x1;
	[dreg:$0x2] =	wrdreg s3  }
0xa9: {  	[dreg:$0x3] =	wrdreg s5  }
0xaa: {  	[dreg:$0x4] =	wrdreg $0xC0  }
0xab: {  	_ =	task [dreg:s7], $0x5FFFF  }
0xac: {  	[dreg:$0x1] =	wrdreg $0xFFFFFFFF  }
0xad: {  	[dreg:$0x0] =	wrdreg $0x60  }
0xae: {  	[dreg:$0x2] =	wrdreg s2  }
0xaf: {  	[dreg:$0x3] =	wrdreg s24  }
0xb0: {  	[dreg:$0x4] =	wrdreg $0xC0000  }
0xb1: {  	[dreg:$0x5] =	wrdreg $0x9  }
0xb2: {  	_ =	task.clear_ibuf [dreg:s7], $0x6FFFF;
	_ =	strace $0x9000004F  }
0xb3: {  	s29 =	simm.s32 $0x9;
	_ =	strace $0x80000051  }
0xb4: {  	_ =	swait.ge [sflag:s29], $0x1  }
0xb5: {  	[sflag:s29] =	ssyncadd.s32 $0xFFFFFFFF  }
0xb6: {  	_ =	strace $0x90000051  }
0xb7: {  	_ =	sfence  }
0xb8: {  	s30 =	sld [smem:$0x0];
	_ =	sdelay $0x2  }
0xb9: {  	s31 =	sshll.u32 s1, $0xD;
	s1 =	sshrl.u32 s1, $0x2  }
0xba: {  	s3 =	sand.u32 $0x4000, s31;
	s1 =	sadd.s32 s1, s30  }
0xbb: {  	s0 =	sor.u32 s3, s0;
	s1 =	sshll.u32 s1, $0x11  }
0xbc: {  	s0 =	sor.u32 s1, s0  }
0xbd: {  	s0 =	sadd.s32 $0x8F2B, s0  }
0xbe: {  	[sflag:s0] =	ssyncadd.remote.s32 $0x1  }
0xbf: {  	_ =	sfence.sel $0xFFFF  }
0xc0: {  	[dreg:$0x0] =	wrdreg $0xFFFFFFFF;
	(pc) =	sbr.abs _section_cstart, $3  }
0xc1: {  	[dreg:$0x1] =	wrdreg $0xFFFFFFFF  }
0xc2: {  	_ =	task.clear_ibuf [dreg:s7], $0x2FFFF;
	_ =	strace $0x9FFFFFFF  }
0xc3: {  	(tm) =	ssettm $0x7FFFFFFF  }
tec
execute0_lowered:
.L_overlay_start_1:
0x0: {  	(tag) =	ssettag $0x1  }
0x1: {  	s1 =	rddreg [dreg:$0x0]  }
0x2: {  	s6 =	rddreg [dreg:$0x1]  }
0x3: {  	s3 =	rddreg [dreg:$0x2]  }
0x4: {  	s0 =	rddreg [dreg:$0x3];
	s4 =	simm.s32 $0x0;
	s2 =	stileid.u32  }
0x5: {  	s5 =	srdreg.scid;
	s17 =	simm.s32 $0x2000;
	s18 =	simm.s32 $0x80  }
0x6: {  	s19 =	simm.s32 $0x4000;
	s20 =	simm.s32 $0x1;
	s21 =	simm.s32 $0x8000  }
0x7: {  	s22 =	simm.s32 $0x2;
	s23 =	simm.s32 $0x3;
	s24 =	simm.s32 $0x1F80  }
0x8: {  	[smem:$0x7FF] =	sst s4;
	s7 =	sand.u32 $0x1, s5;
	s8 =	smul.u32 $0x2780, s2  }
0x9: {  	s9 =	sadd.s32 $0x63600, s6;
	s25 =	sshll.u32 s2, $0x9;
	s11 =	sadd.s32 $0x5B600, s6  }
0xa: {  	s13 =	smul.u32 $0x4F000, s2;
	s5 =	sadd.s32 $0x5E00, s6;
	s30 =	sshll.u32 s2, $0x6  }
0xb: {  	s31 =	sshll.u32 s2, $0xB;
	_ =	strace $0x80000050;
	s10 =	smul.u32 $0x27800, s7  }
0xc: {  	s12 =	sadd.s32 s25, s6;
	s26 =	ssub.s32 $0x2, s7;
	p0 =	seq.s32 s7, $0x1  }
0xd: {  	s7 =	sadd.s32 s9, s31;
	s25 =	simm.s32 $0x3F00;
	s28 =	sshrl.u32 s26, $0x1  }
0xe: {  	s29 =	sshrl.u32 s13, $0x2;
	s8 =	sadd.s32 s8, s10;
	s15 =	ssub.s32 s26, s28  }
.Ltmp0:
0xf: {  	s16 =	sadd.s32 s29, s3;
	s10 =	sor.u32 $0x400, s31;
	(pc) =	sbr.rel .LBB2_1-.Ltmp0, $4  }
0x10: {  	s26 =	simm.s32 $0x3F80;
	s14 =	sadd.s32 s8, s6;
	s6 =	sor.u32 $0x1C04, s30  }
0x11: {  	s8 =	sadd.s32 s11, s31;
	s9 =	sadd.s32 s9, s10;
	s10 =	sadd.s32 s11, s10  }
0x12: {  	s11 =	sadd.s32 $0x57600, s12;
	s12 =	sadd.s32 $0x59600, s12;
	s13 =	sadd.s32 $0x6B600, s14  }
0x13: {  	s14 =	smax.u32 s15, $0x1;
	s15 =	sshrl.u32 s16, $0x3;
	s16 =	simm.s32 $0x4  }
.LBB2_9:
0x14: {  	s28 =	sshra.s32 s28, $0x2;
	[sflag:s16] =	ssyncadd.s32 $0xFFFFC000  }
0x15: {  	[tilespmem:s19], [sflag:$0x1] =	stream.indirect.gather [hbm4b:s1+s18], $0x80, s28, s18, $0xb8;
	[tilespmem:$0x1FC00] =	vst v63  }
0x16: {  	_ =	swait.ge [sflag:s20], $0x4000  }
0x17: {  	[sflag:s20] =	ssyncset.done $0x0  }
0x18: {  	s28 =	sadd.s32 $0x2000, s28;
	[sflag:s20] =	ssyncadd.s32 $0xFFFFC000  }
0x19: {  	[spmem:s3] =	stream.indirect.scatter.add.f32 [tilespmem:s19], [sflag:$0x4], $0x80, s28, s18, $0xb8;
	[tilespmem:$0x1FC00] =	vst v63  }
0x1a: {  	_ =	swait.ge [sflag:s16], $0x4000  }
0x1b: {  	[sflag:s16] =	ssyncset.done $0x0  }
0x1c: {  	[sflag:s16] =	ssyncadd.s32 $0xFFFFC000  }
.LBB2_10:
0x1d: {  	s4 =	sadd.s32 $0x1, s4  }
0x1e: {  	p1 =	sne.s32 s4, s14  }
.Ltmp1:
0x1f: {  	[bflag:$0x0] =	sbarrier.arrive $0xFFFF;
	(pc) =	sbr.rel @!p1 .LBB2_11-.Ltmp1, $4  }
0x20: {  	[hbm:s13], [sflag:s6] =	dma.local [spmem:s15], $0x2780  }
0x21: {  	_ =	swait.ge [sflag:s16], $0x2780  }
0x22: {  	[sflag:s16] =	ssyncset.done $0x0  }
0x23: {  	[sflag:s16] =	ssyncadd.s32 $0xFFFFD880  }
.LBB2_1:
0x24: {  	[spmem:s15], [sflag:s6] =	dma.local [hbm:s5], $0x2780  }
.Ltmp2:
0x25: {  	_ =	swait.ge [sflag:s16], $0x2780;
	(pc) =	sbr.rel @!p0 .LBB2_2-.Ltmp2, $4  }
0x26: {  	[sflag:s16] =	ssyncset.done $0x0  }
0x27: {  	[sflag:s16] =	ssyncadd.s32 $0xFFFFD880  }
0x28: {  	[bflag:$0x0] =	sbarrier.arrive $0xFFFF  }
0x29: {  	s28 =	simm.s32 $0x0  }
0x2a: {  	[tilespmem:s28], [sflag:$0x4] =	stream.linear.gather [hbm4b:s11+s28], $0xF00, $0x38;
	[tilespmem:$0x1FC00] =	vst v63  }
0x2b: {  	_ =	swait.ge [sflag:s16], $0xF00  }
0x2c: {  	[sflag:s16] =	ssyncset.done $0x0  }
0x2d: {  	[sflag:s16] =	ssyncadd.s32 $0xFFFFF100  }
0x2e: {  	[tilespmem:s17], [sflag:$0x4] =	stream.linear.gather [hbm4b:s12+s28], $0xF00, $0x38;
	[tilespmem:$0x1FC00] =	vst v63  }
0x2f: {  	_ =	swait.ge [sflag:s16], $0xF00  }
0x30: {  	[sflag:s16] =	ssyncset.done $0x0  }
0x31: {  	s28 =	simm.s32 $0x0;
	[sflag:s16] =	ssyncadd.s32 $0xFFFFF100  }
0x32: {  	[tilespmem:s19], [sflag:$0x1] =	stream.indirect.gather [hbm4b:s1+s18], $0x80, s28, s18, $0xb8;
	[tilespmem:$0x1FC00] =	vst v63  }
0x33: {  	_ =	swait.ge [sflag:s20], $0x4000  }
0x34: {  	[sflag:s20] =	ssyncset.done $0x0  }
0x35: {  	s28 =	simm.s32 $0x2000;
	[sflag:s20] =	ssyncadd.s32 $0xFFFFC000  }
0x36: {  	[spmem:s3] =	stream.indirect.scatter.add.f32 [tilespmem:s19], [sflag:$0x4], $0x80, s28, s18, $0xb8;
	[tilespmem:$0x1FC00] =	vst v63  }
0x37: {  	_ =	swait.ge [sflag:s16], $0x4000  }
0x38: {  	s29 =	simm.s32 $0x400;
	s28 =	simm.s32 $0x200;
	[sflag:s16] =	ssyncset.done $0x0  }
.LBB2_8:
0x39: {  	s30 =	sshra.s32 s28, $0x2  }
0x3a: {  	[sflag:s16] =	ssyncadd.s32 $0xFFFFC000;
	s28 =	smov.u32 s29;
	s31 =	sadd.s32 $0x200, s29  }
0x3b: {  	[tilespmem:s19], [sflag:$0x1] =	stream.indirect.gather [hbm4b:s1+s18], $0x80, s30, s18, $0xb8;
	[tilespmem:$0x1FC00] =	vst v63  }
0x3c: {  	p1 =	seq.s32 s29, $0x3A00;
	_ =	swait.ge [sflag:s20], $0x4000  }
.Ltmp3:
0x3d: {  	[sflag:s20] =	ssyncset.done $0x0;
	(pc) =	sbr.rel @!p1 .LBB2_8-.Ltmp3, $4  }
0x3e: {  	s29 =	sadd.s32 $0x2000, s30;
	[sflag:s20] =	ssyncadd.s32 $0xFFFFC000  }
0x3f: {  	[spmem:s3] =	stream.indirect.scatter.add.f32 [tilespmem:s19], [sflag:$0x4], $0x80, s29, s18, $0xb8;
	[tilespmem:$0x1FC00] =	vst v63  }
0x40: {  	_ =	swait.ge [sflag:s16], $0x4000  }
0x41: {  	s29 =	smov.u32 s31;
	[sflag:s16] =	ssyncset.done $0x0  }
.Ltmp4:
0x42: {  	_ = 	snop;
	(pc) =	sbr.rel .LBB2_9-.Ltmp4, $1  }
0x43: {  	_ =	sdelay $0x3  }
.LBB2_2:
0x44: {  	[tilespmem:s28], [sflag:$0x4] =	stream.linear.gather [hbm4b:s7+s28], $0x2000, $0x38;
	[tilespmem:$0x1FC00] =	vst v63  }
0x45: {  	_ =	swait.ge [sflag:s16], $0x2000  }
0x46: {  	[sflag:s16] =	ssyncset.done $0x0  }
0x47: {  	[sflag:s16] =	ssyncadd.s32 $0xFFFFE000  }
0x48: {  	[tilespmem:s17], [sflag:$0x4] =	stream.linear.gather [hbm4b:s8+s28], $0x2000, $0x38;
	[tilespmem:$0x1FC00] =	vst v63  }
0x49: {  	_ =	swait.ge [sflag:s16], $0x2000  }
0x4a: {  	[sflag:s16] =	ssyncset.done $0x0  }
0x4b: {  	[sflag:s16] =	ssyncadd.s32 $0xFFFFE000  }
0x4c: {  	[tilespmem:s19], [sflag:$0x1] =	stream.indirect.gather [hbm4b:s1+s18], $0x80, s28, s18, $0xb8;
	[tilespmem:$0x1FC00] =	vst v63  }
0x4d: {  	_ =	swait.ge [sflag:s20], $0x4000  }
0x4e: {  	[sflag:s20] =	ssyncset.done $0x0  }
0x4f: {  	s28 =	simm.s32 $0x80;
	[sflag:s20] =	ssyncadd.s32 $0xFFFFC000  }
0x50: {  	[tilespmem:s21], [sflag:$0x2] =	stream.indirect.gather [hbm4b:s1+s18], $0x80, s28, s18, $0xb8;
	[tilespmem:$0x1FC00] =	vst v63  }
0x51: {  	s28 =	simm.s32 $0x2000  }
0x52: {  	[spmem:s3] =	stream.indirect.scatter.add.f32 [tilespmem:s19], [sflag:$0x3], $0x80, s28, s18, $0xb8;
	[tilespmem:$0x1FC00] =	vst v63  }
0x53: {  	_ =	swait.ge [sflag:s22], $0x4000  }
0x54: {  	[sflag:s22] =	ssyncset.done $0x0  }
0x55: {  	[sflag:s22] =	ssyncadd.s32 $0xFFFFC000  }
0x56: {  	_ =	swait.ge [sflag:s23], $0x4000  }
0x57: {  	[sflag:s23] =	ssyncset.done $0x0  }
0x58: {  	s28 =	simm.s32 $0x100;
	[sflag:s23] =	ssyncadd.s32 $0xFFFFC000  }
0x59: {  	[tilespmem:s19], [sflag:$0x1] =	stream.indirect.gather [hbm4b:s1+s18], $0x80, s28, s18, $0xb8;
	[tilespmem:$0x1FC00] =	vst v63  }
0x5a: {  	s28 =	simm.s32 $0x2080  }
0x5b: {  	[spmem:s3] =	stream.indirect.scatter.add.f32 [tilespmem:s21], [sflag:$0x4], $0x80, s28, s18, $0xb8;
	[tilespmem:$0x1FC00] =	vst v63  }
0x5c: {  	_ =	swait.ge [sflag:s16], $0x4000  }
0x5d: {  	s28 =	simm.s32 $0x400;
	[sflag:s16] =	ssyncset.done $0x0  }
.LBB2_3:
0x5e: {  	p1 =	sne.s32 s28, $0x7800  }
0x5f: {  	[sflag:s16] =	ssyncadd.s32 $0xFFFFC000;
	s29 =	smov.u32 s28;
	s28 =	sadd.s32 $0x400, s28  }
0x60: {  	_ = 	snop  }
0x61: {  	_ =	swait.ge [sflag:s20], $0x4000  }
0x62: {  	s29 =	sshra.s32 s29, $0x2;
	[sflag:s20] =	ssyncset.done $0x0  }
0x63: {  	s30 =	sadd.s32 $0x80, s29;
	[sflag:s20] =	ssyncadd.s32 $0xFFFFC000  }
0x64: {  	[tilespmem:s21], [sflag:$0x2] =	stream.indirect.gather [hbm4b:s1+s18], $0x80, s30, s18, $0xb8;
	[tilespmem:$0x1FC00] =	vst v63  }
0x65: {  	s30 =	sadd.s32 $0x2000, s29  }
0x66: {  	[spmem:s3] =	stream.indirect.scatter.add.f32 [tilespmem:s19], [sflag:$0x3], $0x80, s30, s18, $0xb8;
	[tilespmem:$0x1FC00] =	vst v63  }
0x67: {  	_ =	swait.ge [sflag:s22], $0x4000  }
0x68: {  	[sflag:s22] =	ssyncset.done $0x0  }
0x69: {  	[sflag:s22] =	ssyncadd.s32 $0xFFFFC000  }
0x6a: {  	_ =	swait.ge [sflag:s23], $0x4000  }
0x6b: {  	[sflag:s23] =	ssyncset.done $0x0  }
0x6c: {  	s30 =	sadd.s32 $0x100, s29;
	[sflag:s23] =	ssyncadd.s32 $0xFFFFC000  }
0x6d: {  	[tilespmem:s19], [sflag:$0x1] =	stream.indirect.gather [hbm4b:s1+s18], $0x80, s30, s18, $0xb8;
	[tilespmem:$0x1FC00] =	vst v63  }
.Ltmp5:
0x6e: {  	_ = 	snop;
	(pc) =	sbr.rel @p1 .LBB2_3-.Ltmp5, $4  }
0x6f: {  	s29 =	sadd.s32 $0x2080, s29  }
0x70: {  	[spmem:s3] =	stream.indirect.scatter.add.f32 [tilespmem:s21], [sflag:$0x4], $0x80, s29, s18, $0xb8;
	[tilespmem:$0x1FC00] =	vst v63  }
0x71: {  	_ =	swait.ge [sflag:s16], $0x4000  }
0x72: {  	[sflag:s16] =	ssyncset.done $0x0  }
0x73: {  	[sflag:s16] =	ssyncadd.s32 $0xFFFFC000  }
0x74: {  	_ =	swait.ge [sflag:s20], $0x4000  }
0x75: {  	[sflag:s20] =	ssyncset.done $0x0  }
0x76: {  	[sflag:s20] =	ssyncadd.s32 $0xFFFFC000  }
0x77: {  	[tilespmem:s21], [sflag:$0x2] =	stream.indirect.gather [hbm4b:s1+s18], $0x80, s24, s18, $0xb8;
	[tilespmem:$0x1FC00] =	vst v63  }
0x78: {  	_ = 	snop  }
0x79: {  	[spmem:s3] =	stream.indirect.scatter.add.f32 [tilespmem:s19], [sflag:$0x3], $0x80, s25, s18, $0xb8;
	[tilespmem:$0x1FC00] =	vst v63  }
0x7a: {  	_ =	swait.ge [sflag:s22], $0x4000  }
0x7b: {  	[sflag:s22] =	ssyncset.done $0x0  }
0x7c: {  	[sflag:s22] =	ssyncadd.s32 $0xFFFFC000  }
0x7d: {  	_ =	swait.ge [sflag:s23], $0x4000  }
0x7e: {  	[sflag:s23] =	ssyncset.done $0x0  }
0x7f: {  	[sflag:s23] =	ssyncadd.s32 $0xFFFFC000  }
0x80: {  	[spmem:s3] =	stream.indirect.scatter.add.f32 [tilespmem:s21], [sflag:$0x4], $0x80, s26, s18, $0xb8;
	[tilespmem:$0x1FC00] =	vst v63  }
0x81: {  	_ =	swait.ge [sflag:s16], $0x4000  }
0x82: {  	[sflag:s16] =	ssyncset.done $0x0  }
0x83: {  	s28 =	simm.s32 $0x0;
	[sflag:s16] =	ssyncadd.s32 $0xFFFFC000  }
0x84: {  	[tilespmem:s28], [sflag:$0x4] =	stream.linear.gather [hbm4b:s9+s28], $0x2000, $0x38;
	[tilespmem:$0x1FC00] =	vst v63  }
0x85: {  	_ =	swait.ge [sflag:s16], $0x2000  }
0x86: {  	[sflag:s16] =	ssyncset.done $0x0  }
0x87: {  	[sflag:s16] =	ssyncadd.s32 $0xFFFFE000  }
0x88: {  	[tilespmem:s17], [sflag:$0x4] =	stream.linear.gather [hbm4b:s10+s28], $0x2000, $0x38;
	[tilespmem:$0x1FC00] =	vst v63  }
0x89: {  	_ =	swait.ge [sflag:s16], $0x2000  }
0x8a: {  	[sflag:s16] =	ssyncset.done $0x0  }
0x8b: {  	[sflag:s16] =	ssyncadd.s32 $0xFFFFE000  }
0x8c: {  	[tilespmem:s19], [sflag:$0x1] =	stream.indirect.gather [hbm4b:s1+s18], $0x80, s28, s18, $0xb8;
	[tilespmem:$0x1FC00] =	vst v63  }
0x8d: {  	_ =	swait.ge [sflag:s20], $0x4000  }
0x8e: {  	[sflag:s20] =	ssyncset.done $0x0  }
0x8f: {  	s28 =	simm.s32 $0x80;
	[sflag:s20] =	ssyncadd.s32 $0xFFFFC000  }
0x90: {  	[tilespmem:s21], [sflag:$0x2] =	stream.indirect.gather [hbm4b:s1+s18], $0x80, s28, s18, $0xb8;
	[tilespmem:$0x1FC00] =	vst v63  }
0x91: {  	s28 =	simm.s32 $0x2000  }
0x92: {  	[spmem:s3] =	stream.indirect.scatter.add.f32 [tilespmem:s19], [sflag:$0x3], $0x80, s28, s18, $0xb8;
	[tilespmem:$0x1FC00] =	vst v63  }
0x93: {  	_ =	swait.ge [sflag:s22], $0x4000  }
0x94: {  	[sflag:s22] =	ssyncset.done $0x0  }
0x95: {  	[sflag:s22] =	ssyncadd.s32 $0xFFFFC000  }
0x96: {  	_ =	swait.ge [sflag:s23], $0x4000  }
0x97: {  	[sflag:s23] =	ssyncset.done $0x0  }
0x98: {  	s28 =	simm.s32 $0x100;
	[sflag:s23] =	ssyncadd.s32 $0xFFFFC000  }
0x99: {  	[tilespmem:s19], [sflag:$0x1] =	stream.indirect.gather [hbm4b:s1+s18], $0x80, s28, s18, $0xb8;
	[tilespmem:$0x1FC00] =	vst v63  }
0x9a: {  	s28 =	simm.s32 $0x2080  }
0x9b: {  	[spmem:s3] =	stream.indirect.scatter.add.f32 [tilespmem:s21], [sflag:$0x4], $0x80, s28, s18, $0xb8;
	[tilespmem:$0x1FC00] =	vst v63  }
0x9c: {  	_ =	swait.ge [sflag:s16], $0x4000  }
0x9d: {  	s28 =	simm.s32 $0x400;
	[sflag:s16] =	ssyncset.done $0x0  }
.LBB2_5:
0x9e: {  	p1 =	seq.s32 s28, $0x7800  }
0x9f: {  	[sflag:s16] =	ssyncadd.s32 $0xFFFFC000;
	s29 =	smov.u32 s28;
	s28 =	sadd.s32 $0x400, s28  }
0xa0: {  	_ = 	snop  }
0xa1: {  	_ =	swait.ge [sflag:s20], $0x4000  }
0xa2: {  	s29 =	sshra.s32 s29, $0x2;
	[sflag:s20] =	ssyncset.done $0x0  }
0xa3: {  	s30 =	sadd.s32 $0x80, s29;
	[sflag:s20] =	ssyncadd.s32 $0xFFFFC000  }
0xa4: {  	[tilespmem:s21], [sflag:$0x2] =	stream.indirect.gather [hbm4b:s1+s18], $0x80, s30, s18, $0xb8;
	[tilespmem:$0x1FC00] =	vst v63  }
0xa5: {  	s30 =	sadd.s32 $0x2000, s29  }
0xa6: {  	[spmem:s3] =	stream.indirect.scatter.add.f32 [tilespmem:s19], [sflag:$0x3], $0x80, s30, s18, $0xb8;
	[tilespmem:$0x1FC00] =	vst v63  }
0xa7: {  	_ =	swait.ge [sflag:s22], $0x4000  }
0xa8: {  	[sflag:s22] =	ssyncset.done $0x0  }
0xa9: {  	[sflag:s22] =	ssyncadd.s32 $0xFFFFC000  }
0xaa: {  	_ =	swait.ge [sflag:s23], $0x4000  }
0xab: {  	[sflag:s23] =	ssyncset.done $0x0  }
0xac: {  	s30 =	sadd.s32 $0x100, s29;
	[sflag:s23] =	ssyncadd.s32 $0xFFFFC000  }
0xad: {  	[tilespmem:s19], [sflag:$0x1] =	stream.indirect.gather [hbm4b:s1+s18], $0x80, s30, s18, $0xb8;
	[tilespmem:$0x1FC00] =	vst v63  }
.Ltmp6:
0xae: {  	_ = 	snop;
	(pc) =	sbr.rel @!p1 .LBB2_5-.Ltmp6, $4  }
0xaf: {  	s29 =	sadd.s32 $0x2080, s29  }
0xb0: {  	[spmem:s3] =	stream.indirect.scatter.add.f32 [tilespmem:s21], [sflag:$0x4], $0x80, s29, s18, $0xb8;
	[tilespmem:$0x1FC00] =	vst v63  }
0xb1: {  	_ =	swait.ge [sflag:s16], $0x4000  }
0xb2: {  	[sflag:s16] =	ssyncset.done $0x0  }
0xb3: {  	[sflag:s16] =	ssyncadd.s32 $0xFFFFC000  }
0xb4: {  	_ =	swait.ge [sflag:s20], $0x4000  }
0xb5: {  	[sflag:s20] =	ssyncset.done $0x0  }
0xb6: {  	[sflag:s20] =	ssyncadd.s32 $0xFFFFC000  }
0xb7: {  	[tilespmem:s21], [sflag:$0x2] =	stream.indirect.gather [hbm4b:s1+s18], $0x80, s24, s18, $0xb8;
	[tilespmem:$0x1FC00] =	vst v63  }
0xb8: {  	_ = 	snop  }
0xb9: {  	[spmem:s3] =	stream.indirect.scatter.add.f32 [tilespmem:s19], [sflag:$0x3], $0x80, s25, s18, $0xb8;
	[tilespmem:$0x1FC00] =	vst v63  }
0xba: {  	_ =	swait.ge [sflag:s22], $0x4000  }
0xbb: {  	[sflag:s22] =	ssyncset.done $0x0  }
0xbc: {  	[sflag:s22] =	ssyncadd.s32 $0xFFFFC000  }
0xbd: {  	_ =	swait.ge [sflag:s23], $0x4000  }
0xbe: {  	[sflag:s23] =	ssyncset.done $0x0  }
.Ltmp7:
0xbf: {  	[sflag:s23] =	ssyncadd.s32 $0xFFFFC000;
	(pc) =	sbr.rel .LBB2_10-.Ltmp7, $4  }
0xc0: {  	[spmem:s3] =	stream.indirect.scatter.add.f32 [tilespmem:s21], [sflag:$0x4], $0x80, s26, s18, $0xb8;
	[tilespmem:$0x1FC00] =	vst v63  }
0xc1: {  	_ =	swait.ge [sflag:s16], $0x4000  }
0xc2: {  	[sflag:s16] =	ssyncset.done $0x0  }
0xc3: {  	[sflag:s16] =	ssyncadd.s32 $0xFFFFC000  }
.LBB2_11:
0xc4: {  	_ =	sfence.sel $0x180000  }
0xc5: {  	[bflag:$0x0] =	sbarrier.arrive $0xFFFF  }
0xc6: {  	p0 =	sne.s32 s2, $0x0;
	_ =	strace $0x90000050  }
0xc7: {  	s0 =	sadd.s32 @!p0 $0x100000, s0;
	[bflag:$0x2] =	sbarrier.arrive $0xFFFF  }
0xc8: {  	[sflag:s0] =	ssyncadd.tile.s32 @!p0 $0x1;
	_ =	shalt  }
.Lfunc_end2:
_tile_overlayer_lowered:
.L_overlay_start_2:
0xc9: {  	(tag) =	ssettag $0x2  }
0xca: {  	s0 =	rddreg [dreg:$0x0];
	s2 =	stileid.u32  }
0xcb: {  	s1 =	rddreg [dreg:$0x1];
	p0 =	sne.s32 s2, $0x0  }
0xcc: {  	s3 =	rddreg [dreg:$0x2];
	[bflag:$0x3] =	sbarrier.arrive $0xFFFF;
	s2 =	simm.s32 @!p0 $0x1C04  }
0xcd: {  	[timem:s3], [sflag:s2] =	dma.local @!p0 [hbm:s0], s1  }
0xce: {  	s0 =	simm.s32 @!p0 $0x4  }
0xcf: {  	_ =	swait.ge @!p0 [sflag:s0], s1  }
0xd0: {  	s1 =	ssub.s32 @!p0 $0x0, s1;
	[sflag:s0] =	ssyncset.done @!p0 $0x0  }
0xd1: {  	[sflag:s0] =	ssyncadd.s32 @!p0 s1  }
0xd2: {  	[bflag:$0x3] =	sbarrier.arrive $0xFFFF  }
0xd3: {  	_ =	shalt  }

</sc_bundles>
